<compile_context>
chip_gen: v7x
topology: tpu7x:2x2x1
jax: 0.10.2.dev20260603
libtpu: 0.0.44.dev20260713+nightly
codegen_flags: <defaults>
</compile_context>

<pallas_src>
import functools

import jax
import jax.numpy as jnp
from jax import lax
from jax.experimental import pallas as pl
from jax.experimental.pallas import tpu as pltpu
from jax.experimental.pallas import tpu_sc as plsc

_B, _S, _D = 1, 2048, 768
_E, _K, _F, _R = 8, 2, 1536, 16
_T = _B * _S
_BLK = 128
_NB = (_K * _T + _E * _BLK) // _BLK
_P = _NB * _BLK
_LANES = 128

_NC, _NS = 2, 16
_NW = _NC * _NS



def _router_body(x_ref, wr_ref, ids_ref, ws_ref):
    xb = x_ref[...]
    logits = jnp.dot(xb, wr_ref[...], preferred_element_type=jnp.float32)
    rows = xb.shape[0]
    lane = lax.broadcasted_iota(jnp.int32, (rows, _LANES), 1)
    valid = lane < _E
    l = jnp.where(valid, logits, -1e30)
    m = jnp.max(l, axis=1, keepdims=True)
    p = jnp.exp(l - m)
    p = jnp.where(valid, p, 0.0)
    p = p / jnp.sum(p, axis=1, keepdims=True)
    m1 = jnp.max(p, axis=1, keepdims=True)
    i1 = jnp.min(jnp.where((p == m1) & valid, lane, _LANES), axis=1,
                 keepdims=True)
    p2 = jnp.where(lane == i1, -1.0, p)
    m2 = jnp.max(p2, axis=1, keepdims=True)
    i2 = jnp.min(jnp.where((p2 == m2) & valid, lane, _LANES), axis=1,
                 keepdims=True)
    denom = m1 + m2
    ids_ref[...] = jnp.where(lane == 0, i1, jnp.where(lane == 1, i2, 0))
    ws_ref[...] = jnp.where(lane == 0, m1 / denom,
                            jnp.where(lane == 1, m2 / denom, 0.0))


def _run_router(x, w_router_pad, interpret=False):
    rows = 512
    return pl.pallas_call(
        _router_body,
        grid=(_T // rows,),
        in_specs=[
            pl.BlockSpec((rows, _D), lambda i: (i, 0)),
            pl.BlockSpec((_D, _LANES), lambda i: (0, 0)),
        ],
        out_specs=[
            pl.BlockSpec((rows, _LANES), lambda i: (i, 0)),
            pl.BlockSpec((rows, _LANES), lambda i: (i, 0)),
        ],
        out_shape=[
            jax.ShapeDtypeStruct((_T, _LANES), jnp.int32),
            jax.ShapeDtypeStruct((_T, _LANES), jnp.float32),
        ],
        interpret=interpret,
    )(x, w_router_pad)



def _routing_metadata(ids, ws):
    fid = ids.reshape(-1)
    fw = ws.reshape(-1)
    sort_idx = jnp.argsort(fid, stable=True)
    sorted_e = fid[sort_idx]
    counts = jnp.zeros((_E,), jnp.int32).at[fid].add(1)
    nb_e = (counts + _BLK - 1) // _BLK
    cum_nb = jnp.cumsum(nb_e)
    pstart = jnp.concatenate([jnp.zeros((1,), jnp.int32),
                              cum_nb[:-1] * _BLK])
    starts = jnp.concatenate([jnp.zeros((1,), jnp.int32),
                              jnp.cumsum(counts)[:-1]])
    rank = jnp.arange(_T * _K, dtype=jnp.int32) - starts[sorted_e]
    ppos = pstart[sorted_e] + rank
    src_tok = (sort_idx // _K).astype(jnp.int32)
    perm = jnp.zeros((_P,), jnp.int32).at[ppos].set(src_tok)
    wperm = jnp.zeros((_P,), jnp.float32).at[ppos].set(fw[sort_idx])
    posflat = jnp.zeros((_T * _K,), jnp.int32).at[sort_idx].set(ppos)
    pos = posflat.reshape(_T, _K)
    blk = jnp.arange(_NB, dtype=jnp.int32)
    block_expert = jnp.clip(
        jnp.sum((blk[:, None] >= cum_nb[None, :]).astype(jnp.int32), axis=1),
        0, _E - 1).astype(jnp.int32)
    return perm, wperm, pos[:, 0], pos[:, 1], block_expert



_CH = _P // _NW // 2


_CH = _P // _NW // 2


def _sc_gather_body(x_hbm, idx_hbm, out_hbm, i0_v, i1_v, b0_v, b1_v,
                    s0, s1):
    wid = lax.axis_index("s") * _NC + lax.axis_index("c")
    base = wid * (2 * _CH)
    pltpu.sync_copy(idx_hbm.at[wid, 0], i0_v)
    pltpu.sync_copy(idx_hbm.at[wid, 1], i1_v)
    c0 = pltpu.async_copy(x_hbm.at[i0_v], b0_v, s0)
    c1 = pltpu.async_copy(x_hbm.at[i1_v], b1_v, s1)
    c0.wait()
    c1.wait()
    pltpu.sync_copy(b0_v, out_hbm.at[pl.ds(base, _CH)])
    pltpu.sync_copy(b1_v, out_hbm.at[pl.ds(base + _CH, _CH)])


@functools.cache
def _sc_gather():
    return pl.kernel(
        _sc_gather_body,
        out_type=jax.ShapeDtypeStruct((_P, _D), jnp.float32),
        mesh=plsc.VectorSubcoreMesh(core_axis_name="c", subcore_axis_name="s"),
        scratch_types=[
            pltpu.VMEM((_CH,), jnp.int32),
            pltpu.VMEM((_CH,), jnp.int32),
            pltpu.VMEM((_CH, _D), jnp.float32),
            pltpu.VMEM((_CH, _D), jnp.float32),
            pltpu.SemaphoreType.DMA,
            pltpu.SemaphoreType.DMA,
        ],
    )



def _ffn_body(be_ref, xs_ref, wp_ref, wg_ref, wu_ref, wd_ref,
              ga_ref, gb_ref, ua_ref, ub_ref, da_ref, db_ref, out_ref):
    del be_ref
    xb = xs_ref[...]
    c11 = (((1,), (1,)), ((), ()))
    g = jnp.dot(xb, wg_ref[0], preferred_element_type=jnp.float32)
    xag = lax.dot_general(xb, ga_ref[0], c11,
                          preferred_element_type=jnp.float32)
    g = g + lax.dot_general(xag, gb_ref[0], c11,
                            preferred_element_type=jnp.float32)
    u = jnp.dot(xb, wu_ref[0], preferred_element_type=jnp.float32)
    xau = lax.dot_general(xb, ua_ref[0], c11,
                          preferred_element_type=jnp.float32)
    u = u + lax.dot_general(xau, ub_ref[0], c11,
                            preferred_element_type=jnp.float32)
    h = (g * jax.nn.sigmoid(g)) * u
    y = jnp.dot(h, wd_ref[0], preferred_element_type=jnp.float32)
    had = lax.dot_general(h, da_ref[0], c11,
                          preferred_element_type=jnp.float32)
    y = y + lax.dot_general(had, db_ref[0], c11,
                            preferred_element_type=jnp.float32)
    out_ref[...] = y * wp_ref[...]


def _run_ffn(block_expert, xs, wperm2d, w_gate, w_up, w_down,
             ga, gb, ua, ub, da, db, interpret=False):
    def eix(b, be):
        return (be[b], 0, 0)

    grid_spec = pltpu.PrefetchScalarGridSpec(
        num_scalar_prefetch=1,
        grid=(_NB,),
        in_specs=[
            pl.BlockSpec((_BLK, _D), lambda b, be: (b, 0)),
            pl.BlockSpec((_BLK, 1), lambda b, be: (b, 0)),
            pl.BlockSpec((1, _D, _F), eix),
            pl.BlockSpec((1, _D, _F), eix),
            pl.BlockSpec((1, _F, _D), eix),
            pl.BlockSpec((1, _R, _D), eix),
            pl.BlockSpec((1, _F, _R), eix),
            pl.BlockSpec((1, _R, _D), eix),
            pl.BlockSpec((1, _F, _R), eix),
            pl.BlockSpec((1, _R, _F), eix),
            pl.BlockSpec((1, _D, _R), eix),
        ],
        out_specs=pl.BlockSpec((_BLK, _D), lambda b, be: (b, 0)),
    )
    return pl.pallas_call(
        _ffn_body,
        grid_spec=grid_spec,
        out_shape=jax.ShapeDtypeStruct((_P, _D), jnp.float32),
        compiler_params=pltpu.CompilerParams(
            dimension_semantics=("arbitrary",),
        ),
        interpret=interpret,
    )(block_expert, xs, wperm2d, w_gate, w_up, w_down,
      ga, gb, ua, ub, da, db)



def _sc_combine_body(ys_hbm, pos0_hbm, pos1_hbm, out_hbm,
                     p0_v, p1_v, acc_v, b1_v, sem0, sem1):
    wid = lax.axis_index("s") * _NC + lax.axis_index("c")
    tpw = _T // _NW
    base = wid * tpw
    pltpu.sync_copy(pos0_hbm.at[pl.ds(base, tpw)], p0_v)
    pltpu.sync_copy(pos1_hbm.at[pl.ds(base, tpw)], p1_v)
    cp0 = pltpu.async_copy(ys_hbm.at[p0_v], acc_v, sem0)
    cp1 = pltpu.async_copy(ys_hbm.at[p1_v], b1_v, sem1)
    cp0.wait()
    cp1.wait()

    nv = _D // 16

    @plsc.parallel_loop(0, tpw, unroll=2)
    def _add_tok(t):
        for j in range(nv):
            sl = pl.ds(j * 16, 16)
            acc_v[t, sl] += b1_v[t, sl]

    pltpu.sync_copy(acc_v, out_hbm.at[pl.ds(base, tpw)])


@functools.cache
def _sc_combine():
    return pl.kernel(
        _sc_combine_body,
        out_type=jax.ShapeDtypeStruct((_T, _D), jnp.float32),
        mesh=plsc.VectorSubcoreMesh(core_axis_name="c", subcore_axis_name="s"),
        scratch_types=[
            pltpu.VMEM((_T // _NW,), jnp.int32),
            pltpu.VMEM((_T // _NW,), jnp.int32),
            pltpu.VMEM((_T // _NW, _D), jnp.float32),
            pltpu.VMEM((_T // _NW, _D), jnp.float32),
            pltpu.SemaphoreType.DMA,
            pltpu.SemaphoreType.DMA,
        ],
    )



def kernel(hidden_states, W_router, W_gate, W_up, W_down,
           gate_lora_a, gate_lora_b, up_lora_a, up_lora_b,
           down_lora_a, down_lora_b):
    x = hidden_states.reshape(_T, _D)
    wr_pad = jnp.zeros((_D, _LANES), jnp.float32).at[:, :_E].set(W_router)
    ids_full, ws_full = _run_router(x, wr_pad)
    ids = ids_full[:, :_K]
    ws = ws_full[:, :_K]
    perm, wperm, pos0, pos1, block_expert = _routing_metadata(ids, ws)
    xs = _sc_gather()(x, perm.reshape(_NW, 2, _CH))
    ys = _run_ffn(block_expert, xs, wperm.reshape(_P, 1),
                  W_gate, W_up, W_down,
                  gate_lora_a, gate_lora_b, up_lora_a, up_lora_b,
                  down_lora_a, down_lora_b)
    out = _sc_combine()(ys, pos0, pos1)
    return out.reshape(_B, _S, _D)

# --- scband reference (transcript-rebuilt; emitter-appended) ---
"""Pipeline reference for scband-moelayer-wrapper-63221918597323 (READ-ONLY COPY).

The authoritative reference and input builder live on the scoring server;
editing this copy changes nothing except your own understanding.
"""

import jax, jax.numpy as jnp
import numpy as np

B, S, D = 1, 2048, 768
E, K, F, R = 8, 2, 1536, 16


def setup_inputs(seed: int = 0) -> dict:
    key = jax.random.key(seed)
    ks = jax.random.split(key, 12)
    s = 0.02
    return {
        "hidden_states": jax.random.normal(ks[0], (B, S, D), jnp.float32),
        "W_router": jax.random.normal(ks[1], (D, E), jnp.float32) * s,
        "W_gate": jax.random.normal(ks[2], (E, D, F), jnp.float32) * s,
        "W_up": jax.random.normal(ks[3], (E, D, F), jnp.float32) * s,
        "W_down": jax.random.normal(ks[4], (E, F, D), jnp.float32) * s,
        "gate_lora_a": jax.random.normal(ks[5], (E, R, D), jnp.float32) * s,
        "gate_lora_b": jax.random.normal(ks[6], (E, F, R), jnp.float32) * 0.01,
        "up_lora_a": jax.random.normal(ks[7], (E, R, D), jnp.float32) * s,
        "up_lora_b": jax.random.normal(ks[8], (E, F, R), jnp.float32) * 0.01,
        "down_lora_a": jax.random.normal(ks[9], (E, R, F), jnp.float32) * s,
        "down_lora_b": jax.random.normal(ks[10], (E, D, R), jnp.float32) * 0.01,
    }


def reference(hidden_states, W_router, W_gate, W_up, W_down,
              gate_lora_a, gate_lora_b, up_lora_a, up_lora_b,
              down_lora_a, down_lora_b):
    T = B * S
    x = hidden_states.reshape(T, D)
    # linear router -> softmax -> top-k -> renormalize (router_type == 'linear')
    router_logits = x @ W_router
    routing_weights = jax.nn.softmax(router_logits.astype(jnp.float32), axis=-1)
    topk_w, topk_ids = jax.lax.top_k(routing_weights, K)
    topk_w = topk_w / jnp.sum(topk_w, axis=-1, keepdims=True)
    # combine weights per token per expert [T, E]
    cw = (jax.nn.one_hot(topk_ids, E, dtype=jnp.float32) * topk_w[..., None]).sum(axis=1)
    out = jnp.zeros((T, D), jnp.float32)
    for e in range(E):
        # effective expert weights = base + LoRA (B @ A)
        Wg = W_gate[e] + (gate_lora_b[e] @ gate_lora_a[e]).T
        Wu = W_up[e] + (up_lora_b[e] @ up_lora_a[e]).T
        Wd = W_down[e] + (down_lora_b[e] @ down_lora_a[e]).T
        h = jax.nn.silu(x @ Wg) * (x @ Wu)
        out = out + cw[:, e:e + 1] * (h @ Wd)
    return out.reshape(B, S, D)

if __name__ == "__main__":
    import jax
    _d = setup_inputs()
    print(jax.jit(kernel)(*tuple(_d.values())))

</pallas_src>

<mosaic_0001>
#map = affine_map<(d0, d1) -> (0, 0)>
#map1 = affine_map<(d0, d1) -> (0, 0, 0)>
module attributes {stable_mosaic.version = 14 : i64} {
  func.func @_sc_gather_body(%arg0: i32, %arg1: i32, %arg2: memref<2048x768xf32, #tpu.memory_space<hbm>>, %arg3: memref<32x2x80xi32, #tpu.memory_space<hbm>>, %arg4: memref<5120x768xf32, #tpu.memory_space<hbm>>, %arg5: memref<80xi32, #tpu.memory_space<vmem>>, %arg6: memref<80xi32, #tpu.memory_space<vmem>>, %arg7: memref<80x768xf32, #tpu.memory_space<vmem>>, %arg8: memref<80x768xf32, #tpu.memory_space<vmem>>, %arg9: memref<!tpu.dma_semaphore, #tpu.memory_space<semaphore_mem>>, %arg10: memref<!tpu.dma_semaphore, #tpu.memory_space<semaphore_mem>>) attributes {dimension_semantics = [#tpu.dimension_semantics<core_parallel>, #tpu.dimension_semantics<subcore_parallel>], iteration_bounds = array<i64: 2, 16>, scalar_prefetch = 0 : i64, scratch_operands = 6 : i64, tpu.core_type = #tpu.core_type<sc_vector_subcore>, window_params = [{transform_indices = #map}, {transform_indices = #map1}, {transform_indices = #map}]} {
    %mul3A = arith.constant 2 : i32
    %mul3A_0 = arith.muli %arg1, %mul3A : i32
    %add3A = arith.addi %mul3A_0, %arg0 : i32
    %mul3A_1 = arith.constant 160 : i32
    %mul3A_2 = arith.muli %add3A, %mul3A_1 : i32
    %run_scoped3A = arith.constant 0 : i32
    "tpu.region"() ({
      %run_scoped3A_16 = tpu.sem_alloc : memref<!tpu.dma_semaphore, #tpu.memory_space<semaphore_mem>>
      %dma_start3A_17 = arith.constant 0 : i32
      %dma_start3A_18 = tpu.memref_slice %arg3[%add3A, %run_scoped3A, %dma_start3A_17] : memref<32x2x80xi32, #tpu.memory_space<hbm>> -> memref<1x1x80xi32, #tpu.memory_space<hbm>>
      %dma_start3A_19 = tpu.memref_squeeze %dma_start3A_18 : memref<1x1x80xi32, #tpu.memory_space<hbm>> -> memref<80xi32, #tpu.memory_space<hbm>>
      %dma_start3A_20 = arith.constant 0 : i32
      %dma_start3A_21 = tpu.memref_slice %arg3[%add3A, %run_scoped3A, %dma_start3A_20] : memref<32x2x80xi32, #tpu.memory_space<hbm>> -> memref<1x1x80xi32, #tpu.memory_space<hbm>>
      %dma_start3A_22 = tpu.memref_squeeze %dma_start3A_21 : memref<1x1x80xi32, #tpu.memory_space<hbm>> -> memref<80xi32, #tpu.memory_space<hbm>>
      tpu.enqueue_dma source(%dma_start3A_22 : memref<80xi32, #tpu.memory_space<hbm>>) target(%arg5 : memref<80xi32, #tpu.memory_space<vmem>>) target_semaphore(%run_scoped3A_16 : memref<!tpu.dma_semaphore, #tpu.memory_space<semaphore_mem>>)
      %dma_wait3A_23 = arith.constant 0 : i32
      %dma_wait3A_24 = tpu.memref_slice %arg3[%add3A, %run_scoped3A, %dma_wait3A_23] : memref<32x2x80xi32, #tpu.memory_space<hbm>> -> memref<1x1x80xi32, #tpu.memory_space<hbm>>
      %dma_wait3A_25 = tpu.memref_squeeze %dma_wait3A_24 : memref<1x1x80xi32, #tpu.memory_space<hbm>> -> memref<80xi32, #tpu.memory_space<hbm>>
      %dma_wait3A_26 = arith.constant 0 : i32
      %dma_wait3A_27 = tpu.memref_slice %arg3[%add3A, %run_scoped3A, %dma_wait3A_26] : memref<32x2x80xi32, #tpu.memory_space<hbm>> -> memref<1x1x80xi32, #tpu.memory_space<hbm>>
      %dma_wait3A_28 = tpu.memref_squeeze %dma_wait3A_27 : memref<1x1x80xi32, #tpu.memory_space<hbm>> -> memref<80xi32, #tpu.memory_space<hbm>>
      tpu.wait_dma2 semaphore(%run_scoped3A_16 : memref<!tpu.dma_semaphore, #tpu.memory_space<semaphore_mem>>) src(%dma_wait3A_28 : memref<80xi32, #tpu.memory_space<hbm>>) dst(%arg5 : memref<80xi32, #tpu.memory_space<vmem>>)
      tpu.yield
    }) : () -> ()
    %run_scoped3A_3 = arith.constant 1 : i32
    "tpu.region"() ({
      %run_scoped3A_16 = tpu.sem_alloc : memref<!tpu.dma_semaphore, #tpu.memory_space<semaphore_mem>>
      %dma_start3A_17 = arith.constant 0 : i32
      %dma_start3A_18 = tpu.memref_slice %arg3[%add3A, %run_scoped3A_3, %dma_start3A_17] : memref<32x2x80xi32, #tpu.memory_space<hbm>> -> memref<1x1x80xi32, #tpu.memory_space<hbm>>
      %dma_start3A_19 = tpu.memref_squeeze %dma_start3A_18 : memref<1x1x80xi32, #tpu.memory_space<hbm>> -> memref<80xi32, #tpu.memory_space<hbm>>
      %dma_start3A_20 = arith.constant 0 : i32
      %dma_start3A_21 = tpu.memref_slice %arg3[%add3A, %run_scoped3A_3, %dma_start3A_20] : memref<32x2x80xi32, #tpu.memory_space<hbm>> -> memref<1x1x80xi32, #tpu.memory_space<hbm>>
      %dma_start3A_22 = tpu.memref_squeeze %dma_start3A_21 : memref<1x1x80xi32, #tpu.memory_space<hbm>> -> memref<80xi32, #tpu.memory_space<hbm>>
      tpu.enqueue_dma source(%dma_start3A_22 : memref<80xi32, #tpu.memory_space<hbm>>) target(%arg6 : memref<80xi32, #tpu.memory_space<vmem>>) target_semaphore(%run_scoped3A_16 : memref<!tpu.dma_semaphore, #tpu.memory_space<semaphore_mem>>)
      %dma_wait3A_23 = arith.constant 0 : i32
      %dma_wait3A_24 = tpu.memref_slice %arg3[%add3A, %run_scoped3A_3, %dma_wait3A_23] : memref<32x2x80xi32, #tpu.memory_space<hbm>> -> memref<1x1x80xi32, #tpu.memory_space<hbm>>
      %dma_wait3A_25 = tpu.memref_squeeze %dma_wait3A_24 : memref<1x1x80xi32, #tpu.memory_space<hbm>> -> memref<80xi32, #tpu.memory_space<hbm>>
      %dma_wait3A_26 = arith.constant 0 : i32
      %dma_wait3A_27 = tpu.memref_slice %arg3[%add3A, %run_scoped3A_3, %dma_wait3A_26] : memref<32x2x80xi32, #tpu.memory_space<hbm>> -> memref<1x1x80xi32, #tpu.memory_space<hbm>>
      %dma_wait3A_28 = tpu.memref_squeeze %dma_wait3A_27 : memref<1x1x80xi32, #tpu.memory_space<hbm>> -> memref<80xi32, #tpu.memory_space<hbm>>
      tpu.wait_dma2 semaphore(%run_scoped3A_16 : memref<!tpu.dma_semaphore, #tpu.memory_space<semaphore_mem>>) src(%dma_wait3A_28 : memref<80xi32, #tpu.memory_space<hbm>>) dst(%arg6 : memref<80xi32, #tpu.memory_space<vmem>>)
      tpu.yield
    }) : () -> ()
    %dma_start3A = arith.constant 0 : i32
    %dma_start3A_4 = arith.constant 0 : i32
    %dma_start3A_5 = tpu.memref_slice %arg2[%dma_start3A, %dma_start3A_4] : memref<2048x768xf32, #tpu.memory_space<hbm>> -> memref<2048x768xf32, #tpu.memory_space<hbm>>
    tpu.enqueue_indirect_dma source(%dma_start3A_5 : memref<2048x768xf32, #tpu.memory_space<hbm>>) target(%arg7 : memref<80x768xf32, #tpu.memory_space<vmem>>) offsets(%arg5 : memref<80xi32, #tpu.memory_space<vmem>>) semaphore(%arg9 : memref<!tpu.dma_semaphore, #tpu.memory_space<semaphore_mem>>)
    %dma_start3A_6 = arith.constant 0 : i32
    %dma_start3A_7 = arith.constant 0 : i32
    %dma_start3A_8 = tpu.memref_slice %arg2[%dma_start3A_6, %dma_start3A_7] : memref<2048x768xf32, #tpu.memory_space<hbm>> -> memref<2048x768xf32, #tpu.memory_space<hbm>>
    tpu.enqueue_indirect_dma source(%dma_start3A_8 : memref<2048x768xf32, #tpu.memory_space<hbm>>) target(%arg8 : memref<80x768xf32, #tpu.memory_space<vmem>>) offsets(%arg6 : memref<80xi32, #tpu.memory_space<vmem>>) semaphore(%arg10 : memref<!tpu.dma_semaphore, #tpu.memory_space<semaphore_mem>>)
    %dma_wait3A = arith.constant 0 : i32
    %dma_wait3A_9 = arith.constant 0 : i32
    %dma_wait3A_10 = tpu.memref_slice %arg2[%dma_wait3A, %dma_wait3A_9] : memref<2048x768xf32, #tpu.memory_space<hbm>> -> memref<2048x768xf32, #tpu.memory_space<hbm>>
    tpu.wait_indirect_dma semaphore(%arg9 : memref<!tpu.dma_semaphore, #tpu.memory_space<semaphore_mem>>) src(%dma_wait3A_10 : memref<2048x768xf32, #tpu.memory_space<hbm>>) dst(%arg7 : memref<80x768xf32, #tpu.memory_space<vmem>>)
    %dma_wait3A_11 = arith.constant 0 : i32
    %dma_wait3A_12 = arith.constant 0 : i32
    %dma_wait3A_13 = tpu.memref_slice %arg2[%dma_wait3A_11, %dma_wait3A_12] : memref<2048x768xf32, #tpu.memory_space<hbm>> -> memref<2048x768xf32, #tpu.memory_space<hbm>>
    tpu.wait_indirect_dma semaphore(%arg10 : memref<!tpu.dma_semaphore, #tpu.memory_space<semaphore_mem>>) src(%dma_wait3A_13 : memref<2048x768xf32, #tpu.memory_space<hbm>>) dst(%arg8 : memref<80x768xf32, #tpu.memory_space<vmem>>)
    "tpu.region"() ({
      %run_scoped3A_16 = tpu.sem_alloc : memref<!tpu.dma_semaphore, #tpu.memory_space<semaphore_mem>>
      %dma_start3A_17 = arith.constant 0 : i32
      %dma_start3A_18 = tpu.memref_slice %arg4[%mul3A_2, %dma_start3A_17] : memref<5120x768xf32, #tpu.memory_space<hbm>> -> memref<80x768xf32, #tpu.memory_space<hbm>>
      %dma_start3A_19 = arith.constant 0 : i32
      %dma_start3A_20 = tpu.memref_slice %arg4[%mul3A_2, %dma_start3A_19] : memref<5120x768xf32, #tpu.memory_space<hbm>> -> memref<80x768xf32, #tpu.memory_space<hbm>>
      tpu.enqueue_dma source(%arg7 : memref<80x768xf32, #tpu.memory_space<vmem>>) target(%dma_start3A_20 : memref<80x768xf32, #tpu.memory_space<hbm>>) target_semaphore(%run_scoped3A_16 : memref<!tpu.dma_semaphore, #tpu.memory_space<semaphore_mem>>)
      %dma_wait3A_21 = arith.constant 0 : i32
      %dma_wait3A_22 = tpu.memref_slice %arg4[%mul3A_2, %dma_wait3A_21] : memref<5120x768xf32, #tpu.memory_space<hbm>> -> memref<80x768xf32, #tpu.memory_space<hbm>>
      %dma_wait3A_23 = arith.constant 0 : i32
      %dma_wait3A_24 = tpu.memref_slice %arg4[%mul3A_2, %dma_wait3A_23] : memref<5120x768xf32, #tpu.memory_space<hbm>> -> memref<80x768xf32, #tpu.memory_space<hbm>>
      tpu.wait_dma2 semaphore(%run_scoped3A_16 : memref<!tpu.dma_semaphore, #tpu.memory_space<semaphore_mem>>) src(%arg7 : memref<80x768xf32, #tpu.memory_space<vmem>>) dst(%dma_wait3A_24 : memref<80x768xf32, #tpu.memory_space<hbm>>)
      tpu.yield
    }) : () -> ()
    %add3A_14 = arith.constant 80 : i32
    %add3A_15 = arith.addi %mul3A_2, %add3A_14 : i32
    "tpu.region"() ({
      %run_scoped3A_16 = tpu.sem_alloc : memref<!tpu.dma_semaphore, #tpu.memory_space<semaphore_mem>>
      %dma_start3A_17 = arith.constant 0 : i32
      %dma_start3A_18 = tpu.memref_slice %arg4[%add3A_15, %dma_start3A_17] : memref<5120x768xf32, #tpu.memory_space<hbm>> -> memref<80x768xf32, #tpu.memory_space<hbm>>
      %dma_start3A_19 = arith.constant 0 : i32
      %dma_start3A_20 = tpu.memref_slice %arg4[%add3A_15, %dma_start3A_19] : memref<5120x768xf32, #tpu.memory_space<hbm>> -> memref<80x768xf32, #tpu.memory_space<hbm>>
      tpu.enqueue_dma source(%arg8 : memref<80x768xf32, #tpu.memory_space<vmem>>) target(%dma_start3A_20 : memref<80x768xf32, #tpu.memory_space<hbm>>) target_semaphore(%run_scoped3A_16 : memref<!tpu.dma_semaphore, #tpu.memory_space<semaphore_mem>>)
      %dma_wait3A_21 = arith.constant 0 : i32
      %dma_wait3A_22 = tpu.memref_slice %arg4[%add3A_15, %dma_wait3A_21] : memref<5120x768xf32, #tpu.memory_space<hbm>> -> memref<80x768xf32, #tpu.memory_space<hbm>>
      %dma_wait3A_23 = arith.constant 0 : i32
      %dma_wait3A_24 = tpu.memref_slice %arg4[%add3A_15, %dma_wait3A_23] : memref<5120x768xf32, #tpu.memory_space<hbm>> -> memref<80x768xf32, #tpu.memory_space<hbm>>
      tpu.wait_dma2 semaphore(%run_scoped3A_16 : memref<!tpu.dma_semaphore, #tpu.memory_space<semaphore_mem>>) src(%arg8 : memref<80x768xf32, #tpu.memory_space<vmem>>) dst(%dma_wait3A_24 : memref<80x768xf32, #tpu.memory_space<hbm>>)
      tpu.yield
    }) : () -> ()
    return
  }
}

#map = affine_map<(d0, d1) -> (0, 0)>
#map1 = affine_map<(d0, d1) -> (0)>
module attributes {stable_mosaic.version = 14 : i64} {
  func.func @_sc_combine_body(%arg0: i32, %arg1: i32, %arg2: memref<5120x768xf32, #tpu.memory_space<hbm>>, %arg3: memref<2048xi32, #tpu.memory_space<hbm>>, %arg4: memref<2048xi32, #tpu.memory_space<hbm>>, %arg5: memref<2048x768xf32, #tpu.memory_space<hbm>>, %arg6: memref<64xi32, #tpu.memory_space<vmem>>, %arg7: memref<64xi32, #tpu.memory_space<vmem>>, %arg8: memref<64x768xf32, #tpu.memory_space<vmem>>, %arg9: memref<64x768xf32, #tpu.memory_space<vmem>>, %arg10: memref<!tpu.dma_semaphore, #tpu.memory_space<semaphore_mem>>, %arg11: memref<!tpu.dma_semaphore, #tpu.memory_space<semaphore_mem>>) attributes {dimension_semantics = [#tpu.dimension_semantics<core_parallel>, #tpu.dimension_semantics<subcore_parallel>], iteration_bounds = array<i64: 2, 16>, scalar_prefetch = 0 : i64, scratch_operands = 6 : i64, tpu.core_type = #tpu.core_type<sc_vector_subcore>, window_params = [{transform_indices = #map}, {transform_indices = #map1}, {transform_indices = #map1}, {transform_indices = #map}]} {
    %mul3A = arith.constant 2 : i32
    %mul3A_0 = arith.muli %arg1, %mul3A : i32
    %add3A = arith.addi %mul3A_0, %arg0 : i32
    %mul3A_1 = arith.constant 64 : i32
    %mul3A_2 = arith.muli %add3A, %mul3A_1 : i32
    "tpu.region"() ({
      %run_scoped3A = tpu.sem_alloc : memref<!tpu.dma_semaphore, #tpu.memory_space<semaphore_mem>>
      %dma_start3A_15 = tpu.memref_slice %arg3[%mul3A_2] : memref<2048xi32, #tpu.memory_space<hbm>> -> memref<64xi32, #tpu.memory_space<hbm>>
      %dma_start3A_16 = tpu.memref_slice %arg3[%mul3A_2] : memref<2048xi32, #tpu.memory_space<hbm>> -> memref<64xi32, #tpu.memory_space<hbm>>
      tpu.enqueue_dma source(%dma_start3A_16 : memref<64xi32, #tpu.memory_space<hbm>>) target(%arg6 : memref<64xi32, #tpu.memory_space<vmem>>) target_semaphore(%run_scoped3A : memref<!tpu.dma_semaphore, #tpu.memory_space<semaphore_mem>>)
      %dma_wait3A_17 = tpu.memref_slice %arg3[%mul3A_2] : memref<2048xi32, #tpu.memory_space<hbm>> -> memref<64xi32, #tpu.memory_space<hbm>>
      %dma_wait3A_18 = tpu.memref_slice %arg3[%mul3A_2] : memref<2048xi32, #tpu.memory_space<hbm>> -> memref<64xi32, #tpu.memory_space<hbm>>
      tpu.wait_dma2 semaphore(%run_scoped3A : memref<!tpu.dma_semaphore, #tpu.memory_space<semaphore_mem>>) src(%dma_wait3A_18 : memref<64xi32, #tpu.memory_space<hbm>>) dst(%arg6 : memref<64xi32, #tpu.memory_space<vmem>>)
      tpu.yield
    }) : () -> ()
    "tpu.region"() ({
      %run_scoped3A = tpu.sem_alloc : memref<!tpu.dma_semaphore, #tpu.memory_space<semaphore_mem>>
      %dma_start3A_15 = tpu.memref_slice %arg4[%mul3A_2] : memref<2048xi32, #tpu.memory_space<hbm>> -> memref<64xi32, #tpu.memory_space<hbm>>
      %dma_start3A_16 = tpu.memref_slice %arg4[%mul3A_2] : memref<2048xi32, #tpu.memory_space<hbm>> -> memref<64xi32, #tpu.memory_space<hbm>>
      tpu.enqueue_dma source(%dma_start3A_16 : memref<64xi32, #tpu.memory_space<hbm>>) target(%arg7 : memref<64xi32, #tpu.memory_space<vmem>>) target_semaphore(%run_scoped3A : memref<!tpu.dma_semaphore, #tpu.memory_space<semaphore_mem>>)
      %dma_wait3A_17 = tpu.memref_slice %arg4[%mul3A_2] : memref<2048xi32, #tpu.memory_space<hbm>> -> memref<64xi32, #tpu.memory_space<hbm>>
      %dma_wait3A_18 = tpu.memref_slice %arg4[%mul3A_2] : memref<2048xi32, #tpu.memory_space<hbm>> -> memref<64xi32, #tpu.memory_space<hbm>>
      tpu.wait_dma2 semaphore(%run_scoped3A : memref<!tpu.dma_semaphore, #tpu.memory_space<semaphore_mem>>) src(%dma_wait3A_18 : memref<64xi32, #tpu.memory_space<hbm>>) dst(%arg7 : memref<64xi32, #tpu.memory_space<vmem>>)
      tpu.yield
    }) : () -> ()
    %dma_start3A = arith.constant 0 : i32
    %dma_start3A_3 = arith.constant 0 : i32
    %dma_start3A_4 = tpu.memref_slice %arg2[%dma_start3A, %dma_start3A_3] : memref<5120x768xf32, #tpu.memory_space<hbm>> -> memref<5120x768xf32, #tpu.memory_space<hbm>>
    tpu.enqueue_indirect_dma source(%dma_start3A_4 : memref<5120x768xf32, #tpu.memory_space<hbm>>) target(%arg8 : memref<64x768xf32, #tpu.memory_space<vmem>>) offsets(%arg6 : memref<64xi32, #tpu.memory_space<vmem>>) semaphore(%arg10 : memref<!tpu.dma_semaphore, #tpu.memory_space<semaphore_mem>>)
    %dma_start3A_5 = arith.constant 0 : i32
    %dma_start3A_6 = arith.constant 0 : i32
    %dma_start3A_7 = tpu.memref_slice %arg2[%dma_start3A_5, %dma_start3A_6] : memref<5120x768xf32, #tpu.memory_space<hbm>> -> memref<5120x768xf32, #tpu.memory_space<hbm>>
    tpu.enqueue_indirect_dma source(%dma_start3A_7 : memref<5120x768xf32, #tpu.memory_space<hbm>>) target(%arg9 : memref<64x768xf32, #tpu.memory_space<vmem>>) offsets(%arg7 : memref<64xi32, #tpu.memory_space<vmem>>) semaphore(%arg11 : memref<!tpu.dma_semaphore, #tpu.memory_space<semaphore_mem>>)
    %dma_wait3A = arith.constant 0 : i32
    %dma_wait3A_8 = arith.constant 0 : i32
    %dma_wait3A_9 = tpu.memref_slice %arg2[%dma_wait3A, %dma_wait3A_8] : memref<5120x768xf32, #tpu.memory_space<hbm>> -> memref<5120x768xf32, #tpu.memory_space<hbm>>
    tpu.wait_indirect_dma semaphore(%arg10 : memref<!tpu.dma_semaphore, #tpu.memory_space<semaphore_mem>>) src(%dma_wait3A_9 : memref<5120x768xf32, #tpu.memory_space<hbm>>) dst(%arg8 : memref<64x768xf32, #tpu.memory_space<vmem>>)
    %dma_wait3A_10 = arith.constant 0 : i32
    %dma_wait3A_11 = arith.constant 0 : i32
    %dma_wait3A_12 = tpu.memref_slice %arg2[%dma_wait3A_10, %dma_wait3A_11] : memref<5120x768xf32, #tpu.memory_space<hbm>> -> memref<5120x768xf32, #tpu.memory_space<hbm>>
    tpu.wait_indirect_dma semaphore(%arg11 : memref<!tpu.dma_semaphore, #tpu.memory_space<semaphore_mem>>) src(%dma_wait3A_12 : memref<5120x768xf32, #tpu.memory_space<hbm>>) dst(%arg9 : memref<64x768xf32, #tpu.memory_space<vmem>>)
    %parallel_loop3A = arith.constant 0 : i32
    %parallel_loop3A_13 = arith.constant 64 : i32
    %parallel_loop3A_14 = arith.constant 1 : i32
    scf.for %parallel_loop3A_15 = %parallel_loop3A to %parallel_loop3A_13 step %parallel_loop3A_14  : i32 {
      %parallel_loop3A_16 = arith.index_cast %parallel_loop3A_15 : i32 to index
      %parallel_loop3A_17 = arith.constant 0 : index
      %parallel_loop3A_18 = tpu.vector_load %arg8[%parallel_loop3A_16, %parallel_loop3A_17] {strides = array<i32>} : memref<64x768xf32, #tpu.memory_space<vmem>>, vector<1x16xf32>,
      %parallel_loop3A_19 = vector.shape_cast %parallel_loop3A_18 : vector<1x16xf32> to vector<16xf32>
      %parallel_loop3A_20 = arith.index_cast %parallel_loop3A_15 : i32 to index
      %parallel_loop3A_21 = arith.constant 0 : index
      %parallel_loop3A_22 = tpu.vector_load %arg9[%parallel_loop3A_20, %parallel_loop3A_21] {strides = array<i32>} : memref<64x768xf32, #tpu.memory_space<vmem>>, vector<1x16xf32>,
      %parallel_loop3A_23 = vector.shape_cast %parallel_loop3A_22 : vector<1x16xf32> to vector<16xf32>
      %parallel_loop3A_24 = arith.addf %parallel_loop3A_19, %parallel_loop3A_23 : vector<16xf32>
      %parallel_loop3A_25 = arith.index_cast %parallel_loop3A_15 : i32 to index
      %parallel_loop3A_26 = arith.constant 0 : index
      %parallel_loop3A_27 = tpu.vector_load %arg8[%parallel_loop3A_25, %parallel_loop3A_26] {strides = array<i32>} : memref<64x768xf32, #tpu.memory_space<vmem>>, vector<1x16xf32>,
      %parallel_loop3A_28 = vector.shape_cast %parallel_loop3A_27 : vector<1x16xf32> to vector<16xf32>
      %parallel_loop3A_29 = vector.shape_cast %parallel_loop3A_24 : vector<16xf32> to vector<1x16xf32>
      tpu.vector_store %arg8[%parallel_loop3A_25, %parallel_loop3A_26], %parallel_loop3A_29 {strides = array<i32>} : memref<64x768xf32, #tpu.memory_space<vmem>>, vector<1x16xf32>,
      %parallel_loop3A_30 = arith.index_cast %parallel_loop3A_15 : i32 to index
      %parallel_loop3A_31 = arith.constant 16 : index
      %parallel_loop3A_32 = tpu.vector_load %arg8[%parallel_loop3A_30, %parallel_loop3A_31] {strides = array<i32>} : memref<64x768xf32, #tpu.memory_space<vmem>>, vector<1x16xf32>,
      %parallel_loop3A_33 = vector.shape_cast %parallel_loop3A_32 : vector<1x16xf32> to vector<16xf32>
      %parallel_loop3A_34 = arith.index_cast %parallel_loop3A_15 : i32 to index
      %parallel_loop3A_35 = arith.constant 16 : index
      %parallel_loop3A_36 = tpu.vector_load %arg9[%parallel_loop3A_34, %parallel_loop3A_35] {strides = array<i32>} : memref<64x768xf32, #tpu.memory_space<vmem>>, vector<1x16xf32>,
      %parallel_loop3A_37 = vector.shape_cast %parallel_loop3A_36 : vector<1x16xf32> to vector<16xf32>
      %parallel_loop3A_38 = arith.addf %parallel_loop3A_33, %parallel_loop3A_37 : vector<16xf32>
      %parallel_loop3A_39 = arith.index_cast %parallel_loop3A_15 : i32 to index
      %parallel_loop3A_40 = arith.constant 16 : index
      %parallel_loop3A_41 = tpu.vector_load %arg8[%parallel_loop3A_39, %parallel_loop3A_40] {strides = array<i32>} : memref<64x768xf32, #tpu.memory_space<vmem>>, vector<1x16xf32>,
      %parallel_loop3A_42 = vector.shape_cast %parallel_loop3A_41 : vector<1x16xf32> to vector<16xf32>
      %parallel_loop3A_43 = vector.shape_cast %parallel_loop3A_38 : vector<16xf32> to vector<1x16xf32>
      tpu.vector_store %arg8[%parallel_loop3A_39, %parallel_loop3A_40], %parallel_loop3A_43 {strides = array<i32>} : memref<64x768xf32, #tpu.memory_space<vmem>>, vector<1x16xf32>,
      %parallel_loop3A_44 = arith.index_cast %parallel_loop3A_15 : i32 to index
      %parallel_loop3A_45 = arith.constant 32 : index
      %parallel_loop3A_46 = tpu.vector_load %arg8[%parallel_loop3A_44, %parallel_loop3A_45] {strides = array<i32>} : memref<64x768xf32, #tpu.memory_space<vmem>>, vector<1x16xf32>,
      %parallel_loop3A_47 = vector.shape_cast %parallel_loop3A_46 : vector<1x16xf32> to vector<16xf32>
      %parallel_loop3A_48 = arith.index_cast %parallel_loop3A_15 : i32 to index
      %parallel_loop3A_49 = arith.constant 32 : index
      %parallel_loop3A_50 = tpu.vector_load %arg9[%parallel_loop3A_48, %parallel_loop3A_49] {strides = array<i32>} : memref<64x768xf32, #tpu.memory_space<vmem>>, vector<1x16xf32>,
      %parallel_loop3A_51 = vector.shape_cast %parallel_loop3A_50 : vector<1x16xf32> to vector<16xf32>
      %parallel_loop3A_52 = arith.addf %parallel_loop3A_47, %parallel_loop3A_51 : vector<16xf32>
      %parallel_loop3A_53 = arith.index_cast %parallel_loop3A_15 : i32 to index
      %parallel_loop3A_54 = arith.constant 32 : index
      %parallel_loop3A_55 = tpu.vector_load %arg8[%parallel_loop3A_53, %parallel_loop3A_54] {strides = array<i32>} : memref<64x768xf32, #tpu.memory_space<vmem>>, vector<1x16xf32>,
      %parallel_loop3A_56 = vector.shape_cast %parallel_loop3A_55 : vector<1x16xf32> to vector<16xf32>
      %parallel_loop3A_57 = vector.shape_cast %parallel_loop3A_52 : vector<16xf32> to vector<1x16xf32>
      tpu.vector_store %arg8[%parallel_loop3A_53, %parallel_loop3A_54], %parallel_loop3A_57 {strides = array<i32>} : memref<64x768xf32, #tpu.memory_space<vmem>>, vector<1x16xf32>,
      %parallel_loop3A_58 = arith.index_cast %parallel_loop3A_15 : i32 to index
      %parallel_loop3A_59 = arith.constant 48 : index
      %parallel_loop3A_60 = tpu.vector_load %arg8[%parallel_loop3A_58, %parallel_loop3A_59] {strides = array<i32>} : memref<64x768xf32, #tpu.memory_space<vmem>>, vector<1x16xf32>,
      %parallel_loop3A_61 = vector.shape_cast %parallel_loop3A_60 : vector<1x16xf32> to vector<16xf32>
      %parallel_loop3A_62 = arith.index_cast %parallel_loop3A_15 : i32 to index
      %parallel_loop3A_63 = arith.constant 48 : index
      %parallel_loop3A_64 = tpu.vector_load %arg9[%parallel_loop3A_62, %parallel_loop3A_63] {strides = array<i32>} : memref<64x768xf32, #tpu.memory_space<vmem>>, vector<1x16xf32>,
      %parallel_loop3A_65 = vector.shape_cast %parallel_loop3A_64 : vector<1x16xf32> to vector<16xf32>
      %parallel_loop3A_66 = arith.addf %parallel_loop3A_61, %parallel_loop3A_65 : vector<16xf32>
      %parallel_loop3A_67 = arith.index_cast %parallel_loop3A_15 : i32 to index
      %parallel_loop3A_68 = arith.constant 48 : index
      %parallel_loop3A_69 = tpu.vector_load %arg8[%parallel_loop3A_67, %parallel_loop3A_68] {strides = array<i32>} : memref<64x768xf32, #tpu.memory_space<vmem>>, vector<1x16xf32>,
      %parallel_loop3A_70 = vector.shape_cast %parallel_loop3A_69 : vector<1x16xf32> to vector<16xf32>
      %parallel_loop3A_71 = vector.shape_cast %parallel_loop3A_66 : vector<16xf32> to vector<1x16xf32>
      tpu.vector_store %arg8[%parallel_loop3A_67, %parallel_loop3A_68], %parallel_loop3A_71 {strides = array<i32>} : memref<64x768xf32, #tpu.memory_space<vmem>>, vector<1x16xf32>,
      %parallel_loop3A_72 = arith.index_cast %parallel_loop3A_15 : i32 to index
      %parallel_loop3A_73 = arith.constant 64 : index
      %parallel_loop3A_74 = tpu.vector_load %arg8[%parallel_loop3A_72, %parallel_loop3A_73] {strides = array<i32>} : memref<64x768xf32, #tpu.memory_space<vmem>>, vector<1x16xf32>,
      %parallel_loop3A_75 = vector.shape_cast %parallel_loop3A_74 : vector<1x16xf32> to vector<16xf32>
      %parallel_loop3A_76 = arith.index_cast %parallel_loop3A_15 : i32 to index
      %parallel_loop3A_77 = arith.constant 64 : index
      %parallel_loop3A_78 = tpu.vector_load %arg9[%parallel_loop3A_76, %parallel_loop3A_77] {strides = array<i32>} : memref<64x768xf32, #tpu.memory_space<vmem>>, vector<1x16xf32>,
      %parallel_loop3A_79 = vector.shape_cast %parallel_loop3A_78 : vector<1x16xf32> to vector<16xf32>
      %parallel_loop3A_80 = arith.addf %parallel_loop3A_75, %parallel_loop3A_79 : vector<16xf32>
      %parallel_loop3A_81 = arith.index_cast %parallel_loop3A_15 : i32 to index
      %parallel_loop3A_82 = arith.constant 64 : index
      %parallel_loop3A_83 = tpu.vector_load %arg8[%parallel_loop3A_81, %parallel_loop3A_82] {strides = array<i32>} : memref<64x768xf32, #tpu.memory_space<vmem>>, vector<1x16xf32>,
      %parallel_loop3A_84 = vector.shape_cast %parallel_loop3A_83 : vector<1x16xf32> to vector<16xf32>
      %parallel_loop3A_85 = vector.shape_cast %parallel_loop3A_80 : vector<16xf32> to vector<1x16xf32>
      tpu.vector_store %arg8[%parallel_loop3A_81, %parallel_loop3A_82], %parallel_loop3A_85 {strides = array<i32>} : memref<64x768xf32, #tpu.memory_space<vmem>>, vector<1x16xf32>,
      %parallel_loop3A_86 = arith.index_cast %parallel_loop3A_15 : i32 to index
      %parallel_loop3A_87 = arith.constant 80 : index
      %parallel_loop3A_88 = tpu.vector_load %arg8[%parallel_loop3A_86, %parallel_loop3A_87] {strides = array<i32>} : memref<64x768xf32, #tpu.memory_space<vmem>>, vector<1x16xf32>,
      %parallel_loop3A_89 = vector.shape_cast %parallel_loop3A_88 : vector<1x16xf32> to vector<16xf32>
      %parallel_loop3A_90 = arith.index_cast %parallel_loop3A_15 : i32 to index
      %parallel_loop3A_91 = arith.constant 80 : index
      %parallel_loop3A_92 = tpu.vector_load %arg9[%parallel_loop3A_90, %parallel_loop3A_91] {strides = array<i32>} : memref<64x768xf32, #tpu.memory_space<vmem>>, vector<1x16xf32>,
      %parallel_loop3A_93 = vector.shape_cast %parallel_loop3A_92 : vector<1x16xf32> to vector<16xf32>
      %parallel_loop3A_94 = arith.addf %parallel_loop3A_89, %parallel_loop3A_93 : vector<16xf32>
      %parallel_loop3A_95 = arith.index_cast %parallel_loop3A_15 : i32 to index
      %parallel_loop3A_96 = arith.constant 80 : index
      %parallel_loop3A_97 = tpu.vector_load %arg8[%parallel_loop3A_95, %parallel_loop3A_96] {strides = array<i32>} : memref<64x768xf32, #tpu.memory_space<vmem>>, vector<1x16xf32>,
      %parallel_loop3A_98 = vector.shape_cast %parallel_loop3A_97 : vector<1x16xf32> to vector<16xf32>
      %parallel_loop3A_99 = vector.shape_cast %parallel_loop3A_94 : vector<16xf32> to vector<1x16xf32>
      tpu.vector_store %arg8[%parallel_loop3A_95, %parallel_loop3A_96], %parallel_loop3A_99 {strides = array<i32>} : memref<64x768xf32, #tpu.memory_space<vmem>>, vector<1x16xf32>,
      %parallel_loop3A_100 = arith.index_cast %parallel_loop3A_15 : i32 to index
      %parallel_loop3A_101 = arith.constant 96 : index
      %parallel_loop3A_102 = tpu.vector_load %arg8[%parallel_loop3A_100, %parallel_loop3A_101] {strides = array<i32>} : memref<64x768xf32, #tpu.memory_space<vmem>>, vector<1x16xf32>,
      %parallel_loop3A_103 = vector.shape_cast %parallel_loop3A_102 : vector<1x16xf32> to vector<16xf32>
      %parallel_loop3A_104 = arith.index_cast %parallel_loop3A_15 : i32 to index
      %parallel_loop3A_105 = arith.constant 96 : index
      %parallel_loop3A_106 = tpu.vector_load %arg9[%parallel_loop3A_104, %parallel_loop3A_105] {strides = array<i32>} : memref<64x768xf32, #tpu.memory_space<vmem>>, vector<1x16xf32>,
      %parallel_loop3A_107 = vector.shape_cast %parallel_loop3A_106 : vector<1x16xf32> to vector<16xf32>
      %parallel_loop3A_108 = arith.addf %parallel_loop3A_103, %parallel_loop3A_107 : vector<16xf32>
      %parallel_loop3A_109 = arith.index_cast %parallel_loop3A_15 : i32 to index
      %parallel_loop3A_110 = arith.constant 96 : index
      %parallel_loop3A_111 = tpu.vector_load %arg8[%parallel_loop3A_109, %parallel_loop3A_110] {strides = array<i32>} : memref<64x768xf32, #tpu.memory_space<vmem>>, vector<1x16xf32>,
      %parallel_loop3A_112 = vector.shape_cast %parallel_loop3A_111 : vector<1x16xf32> to vector<16xf32>
      %parallel_loop3A_113 = vector.shape_cast %parallel_loop3A_108 : vector<16xf32> to vector<1x16xf32>
      tpu.vector_store %arg8[%parallel_loop3A_109, %parallel_loop3A_110], %parallel_loop3A_113 {strides = array<i32>} : memref<64x768xf32, #tpu.memory_space<vmem>>, vector<1x16xf32>,
      %parallel_loop3A_114 = arith.index_cast %parallel_loop3A_15 : i32 to index
      %parallel_loop3A_115 = arith.constant 112 : index
      %parallel_loop3A_116 = tpu.vector_load %arg8[%parallel_loop3A_114, %parallel_loop3A_115] {strides = array<i32>} : memref<64x768xf32, #tpu.memory_space<vmem>>, vector<1x16xf32>,
      %parallel_loop3A_117 = vector.shape_cast %parallel_loop3A_116 : vector<1x16xf32> to vector<16xf32>
      %parallel_loop3A_118 = arith.index_cast %parallel_loop3A_15 : i32 to index
      %parallel_loop3A_119 = arith.constant 112 : index
      %parallel_loop3A_120 = tpu.vector_load %arg9[%parallel_loop3A_118, %parallel_loop3A_119] {strides = array<i32>} : memref<64x768xf32, #tpu.memory_space<vmem>>, vector<1x16xf32>,
      %parallel_loop3A_121 = vector.shape_cast %parallel_loop3A_120 : vector<1x16xf32> to vector<16xf32>
      %parallel_loop3A_122 = arith.addf %parallel_loop3A_117, %parallel_loop3A_121 : vector<16xf32>
      %parallel_loop3A_123 = arith.index_cast %parallel_loop3A_15 : i32 to index
      %parallel_loop3A_124 = arith.constant 112 : index
      %parallel_loop3A_125 = tpu.vector_load %arg8[%parallel_loop3A_123, %parallel_loop3A_124] {strides = array<i32>} : memref<64x768xf32, #tpu.memory_space<vmem>>, vector<1x16xf32>,
      %parallel_loop3A_126 = vector.shape_cast %parallel_loop3A_125 : vector<1x16xf32> to vector<16xf32>
      %parallel_loop3A_127 = vector.shape_cast %parallel_loop3A_122 : vector<16xf32> to vector<1x16xf32>
      tpu.vector_store %arg8[%parallel_loop3A_123, %parallel_loop3A_124], %parallel_loop3A_127 {strides = array<i32>} : memref<64x768xf32, #tpu.memory_space<vmem>>, vector<1x16xf32>,
      %parallel_loop3A_128 = arith.index_cast %parallel_loop3A_15 : i32 to index
      %parallel_loop3A_129 = arith.constant 128 : index
      %parallel_loop3A_130 = tpu.vector_load %arg8[%parallel_loop3A_128, %parallel_loop3A_129] {strides = array<i32>} : memref<64x768xf32, #tpu.memory_space<vmem>>, vector<1x16xf32>,
      %parallel_loop3A_131 = vector.shape_cast %parallel_loop3A_130 : vector<1x16xf32> to vector<16xf32>
      %parallel_loop3A_132 = arith.index_cast %parallel_loop3A_15 : i32 to index
      %parallel_loop3A_133 = arith.constant 128 : index
      %parallel_loop3A_134 = tpu.vector_load %arg9[%parallel_loop3A_132, %parallel_loop3A_133] {strides = array<i32>} : memref<64x768xf32, #tpu.memory_space<vmem>>, vector<1x16xf32>,
      %parallel_loop3A_135 = vector.shape_cast %parallel_loop3A_134 : vector<1x16xf32> to vector<16xf32>
      %parallel_loop3A_136 = arith.addf %parallel_loop3A_131, %parallel_loop3A_135 : vector<16xf32>
      %parallel_loop3A_137 = arith.index_cast %parallel_loop3A_15 : i32 to index
      %parallel_loop3A_138 = arith.constant 128 : index
      %parallel_loop3A_139 = tpu.vector_load %arg8[%parallel_loop3A_137, %parallel_loop3A_138] {strides = array<i32>} : memref<64x768xf32, #tpu.memory_space<vmem>>, vector<1x16xf32>,
      %parallel_loop3A_140 = vector.shape_cast %parallel_loop3A_139 : vector<1x16xf32> to vector<16xf32>
      %parallel_loop3A_141 = vector.shape_cast %parallel_loop3A_136 : vector<16xf32> to vector<1x16xf32>
      tpu.vector_store %arg8[%parallel_loop3A_137, %parallel_loop3A_138], %parallel_loop3A_141 {strides = array<i32>} : memref<64x768xf32, #tpu.memory_space<vmem>>, vector<1x16xf32>,
      %parallel_loop3A_142 = arith.index_cast %parallel_loop3A_15 : i32 to index
      %parallel_loop3A_143 = arith.constant 144 : index
      %parallel_loop3A_144 = tpu.vector_load %arg8[%parallel_loop3A_142, %parallel_loop3A_143] {strides = array<i32>} : memref<64x768xf32, #tpu.memory_space<vmem>>, vector<1x16xf32>,
      %parallel_loop3A_145 = vector.shape_cast %parallel_loop3A_144 : vector<1x16xf32> to vector<16xf32>
      %parallel_loop3A_146 = arith.index_cast %parallel_loop3A_15 : i32 to index
      %parallel_loop3A_147 = arith.constant 144 : index
      %parallel_loop3A_148 = tpu.vector_load %arg9[%parallel_loop3A_146, %parallel_loop3A_147] {strides = array<i32>} : memref<64x768xf32, #tpu.memory_space<vmem>>, vector<1x16xf32>,
      %parallel_loop3A_149 = vector.shape_cast %parallel_loop3A_148 : vector<1x16xf32> to vector<16xf32>
      %parallel_loop3A_150 = arith.addf %parallel_loop3A_145, %parallel_loop3A_149 : vector<16xf32>
      %parallel_loop3A_151 = arith.index_cast %parallel_loop3A_15 : i32 to index
      %parallel_loop3A_152 = arith.constant 144 : index
      %parallel_loop3A_153 = tpu.vector_load %arg8[%parallel_loop3A_151, %parallel_loop3A_152] {strides = array<i32>} : memref<64x768xf32, #tpu.memory_space<vmem>>, vector<1x16xf32>,
      %parallel_loop3A_154 = vector.shape_cast %parallel_loop3A_153 : vector<1x16xf32> to vector<16xf32>
      %parallel_loop3A_155 = vector.shape_cast %parallel_loop3A_150 : vector<16xf32> to vector<1x16xf32>
      tpu.vector_store %arg8[%parallel_loop3A_151, %parallel_loop3A_152], %parallel_loop3A_155 {strides = array<i32>} : memref<64x768xf32, #tpu.memory_space<vmem>>, vector<1x16xf32>,
      %parallel_loop3A_156 = arith.index_cast %parallel_loop3A_15 : i32 to index
      %parallel_loop3A_157 = arith.constant 160 : index
      %parallel_loop3A_158 = tpu.vector_load %arg8[%parallel_loop3A_156, %parallel_loop3A_157] {strides = array<i32>} : memref<64x768xf32, #tpu.memory_space<vmem>>, vector<1x16xf32>,
      %parallel_loop3A_159 = vector.shape_cast %parallel_loop3A_158 : vector<1x16xf32> to vector<16xf32>
      %parallel_loop3A_160 = arith.index_cast %parallel_loop3A_15 : i32 to index
      %parallel_loop3A_161 = arith.constant 160 : index
      %parallel_loop3A_162 = tpu.vector_load %arg9[%parallel_loop3A_160, %parallel_loop3A_161] {strides = array<i32>} : memref<64x768xf32, #tpu.memory_space<vmem>>, vector<1x16xf32>,
      %parallel_loop3A_163 = vector.shape_cast %parallel_loop3A_162 : vector<1x16xf32> to vector<16xf32>
      %parallel_loop3A_164 = arith.addf %parallel_loop3A_159, %parallel_loop3A_163 : vector<16xf32>
      %parallel_loop3A_165 = arith.index_cast %parallel_loop3A_15 : i32 to index
      %parallel_loop3A_166 = arith.constant 160 : index
      %parallel_loop3A_167 = tpu.vector_load %arg8[%parallel_loop3A_165, %parallel_loop3A_166] {strides = array<i32>} : memref<64x768xf32, #tpu.memory_space<vmem>>, vector<1x16xf32>,
      %parallel_loop3A_168 = vector.shape_cast %parallel_loop3A_167 : vector<1x16xf32> to vector<16xf32>
      %parallel_loop3A_169 = vector.shape_cast %parallel_loop3A_164 : vector<16xf32> to vector<1x16xf32>
      tpu.vector_store %arg8[%parallel_loop3A_165, %parallel_loop3A_166], %parallel_loop3A_169 {strides = array<i32>} : memref<64x768xf32, #tpu.memory_space<vmem>>, vector<1x16xf32>,
      %parallel_loop3A_170 = arith.index_cast %parallel_loop3A_15 : i32 to index
      %parallel_loop3A_171 = arith.constant 176 : index
      %parallel_loop3A_172 = tpu.vector_load %arg8[%parallel_loop3A_170, %parallel_loop3A_171] {strides = array<i32>} : memref<64x768xf32, #tpu.memory_space<vmem>>, vector<1x16xf32>,
      %parallel_loop3A_173 = vector.shape_cast %parallel_loop3A_172 : vector<1x16xf32> to vector<16xf32>
      %parallel_loop3A_174 = arith.index_cast %parallel_loop3A_15 : i32 to index
      %parallel_loop3A_175 = arith.constant 176 : index
      %parallel_loop3A_176 = tpu.vector_load %arg9[%parallel_loop3A_174, %parallel_loop3A_175] {strides = array<i32>} : memref<64x768xf32, #tpu.memory_space<vmem>>, vector<1x16xf32>,
      %parallel_loop3A_177 = vector.shape_cast %parallel_loop3A_176 : vector<1x16xf32> to vector<16xf32>
      %parallel_loop3A_178 = arith.addf %parallel_loop3A_173, %parallel_loop3A_177 : vector<16xf32>
      %parallel_loop3A_179 = arith.index_cast %parallel_loop3A_15 : i32 to index
      %parallel_loop3A_180 = arith.constant 176 : index
      %parallel_loop3A_181 = tpu.vector_load %arg8[%parallel_loop3A_179, %parallel_loop3A_180] {strides = array<i32>} : memref<64x768xf32, #tpu.memory_space<vmem>>, vector<1x16xf32>,
      %parallel_loop3A_182 = vector.shape_cast %parallel_loop3A_181 : vector<1x16xf32> to vector<16xf32>
      %parallel_loop3A_183 = vector.shape_cast %parallel_loop3A_178 : vector<16xf32> to vector<1x16xf32>
      tpu.vector_store %arg8[%parallel_loop3A_179, %parallel_loop3A_180], %parallel_loop3A_183 {strides = array<i32>} : memref<64x768xf32, #tpu.memory_space<vmem>>, vector<1x16xf32>,
      %parallel_loop3A_184 = arith.index_cast %parallel_loop3A_15 : i32 to index
      %parallel_loop3A_185 = arith.constant 192 : index
      %parallel_loop3A_186 = tpu.vector_load %arg8[%parallel_loop3A_184, %parallel_loop3A_185] {strides = array<i32>} : memref<64x768xf32, #tpu.memory_space<vmem>>, vector<1x16xf32>,
      %parallel_loop3A_187 = vector.shape_cast %parallel_loop3A_186 : vector<1x16xf32> to vector<16xf32>
      %parallel_loop3A_188 = arith.index_cast %parallel_loop3A_15 : i32 to index
      %parallel_loop3A_189 = arith.constant 192 : index
      %parallel_loop3A_190 = tpu.vector_load %arg9[%parallel_loop3A_188, %parallel_loop3A_189] {strides = array<i32>} : memref<64x768xf32, #tpu.memory_space<vmem>>, vector<1x16xf32>,
      %parallel_loop3A_191 = vector.shape_cast %parallel_loop3A_190 : vector<1x16xf32> to vector<16xf32>
      %parallel_loop3A_192 = arith.addf %parallel_loop3A_187, %parallel_loop3A_191 : vector<16xf32>
      %parallel_loop3A_193 = arith.index_cast %parallel_loop3A_15 : i32 to index
      %parallel_loop3A_194 = arith.constant 192 : index
      %parallel_loop3A_195 = tpu.vector_load %arg8[%parallel_loop3A_193, %parallel_loop3A_194] {strides = array<i32>} : memref<64x768xf32, #tpu.memory_space<vmem>>, vector<1x16xf32>,
      %parallel_loop3A_196 = vector.shape_cast %parallel_loop3A_195 : vector<1x16xf32> to vector<16xf32>
      %parallel_loop3A_197 = vector.shape_cast %parallel_loop3A_192 : vector<16xf32> to vector<1x16xf32>
      tpu.vector_store %arg8[%parallel_loop3A_193, %parallel_loop3A_194], %parallel_loop3A_197 {strides = array<i32>} : memref<64x768xf32, #tpu.memory_space<vmem>>, vector<1x16xf32>,
      %parallel_loop3A_198 = arith.index_cast %parallel_loop3A_15 : i32 to index
      %parallel_loop3A_199 = arith.constant 208 : index
      %parallel_loop3A_200 = tpu.vector_load %arg8[%parallel_loop3A_198, %parallel_loop3A_199] {strides = array<i32>} : memref<64x768xf32, #tpu.memory_space<vmem>>, vector<1x16xf32>,
      %parallel_loop3A_201 = vector.shape_cast %parallel_loop3A_200 : vector<1x16xf32> to vector<16xf32>
      %parallel_loop3A_202 = arith.index_cast %parallel_loop3A_15 : i32 to index
      %parallel_loop3A_203 = arith.constant 208 : index
      %parallel_loop3A_204 = tpu.vector_load %arg9[%parallel_loop3A_202, %parallel_loop3A_203] {strides = array<i32>} : memref<64x768xf32, #tpu.memory_space<vmem>>, vector<1x16xf32>,
      %parallel_loop3A_205 = vector.shape_cast %parallel_loop3A_204 : vector<1x16xf32> to vector<16xf32>
      %parallel_loop3A_206 = arith.addf %parallel_loop3A_201, %parallel_loop3A_205 : vector<16xf32>
      %parallel_loop3A_207 = arith.index_cast %parallel_loop3A_15 : i32 to index
      %parallel_loop3A_208 = arith.constant 208 : index
      %parallel_loop3A_209 = tpu.vector_load %arg8[%parallel_loop3A_207, %parallel_loop3A_208] {strides = array<i32>} : memref<64x768xf32, #tpu.memory_space<vmem>>, vector<1x16xf32>,
      %parallel_loop3A_210 = vector.shape_cast %parallel_loop3A_209 : vector<1x16xf32> to vector<16xf32>
      %parallel_loop3A_211 = vector.shape_cast %parallel_loop3A_206 : vector<16xf32> to vector<1x16xf32>
      tpu.vector_store %arg8[%parallel_loop3A_207, %parallel_loop3A_208], %parallel_loop3A_211 {strides = array<i32>} : memref<64x768xf32, #tpu.memory_space<vmem>>, vector<1x16xf32>,
      %parallel_loop3A_212 = arith.index_cast %parallel_loop3A_15 : i32 to index
      %parallel_loop3A_213 = arith.constant 224 : index
      %parallel_loop3A_214 = tpu.vector_load %arg8[%parallel_loop3A_212, %parallel_loop3A_213] {strides = array<i32>} : memref<64x768xf32, #tpu.memory_space<vmem>>, vector<1x16xf32>,
      %parallel_loop3A_215 = vector.shape_cast %parallel_loop3A_214 : vector<1x16xf32> to vector<16xf32>
      %parallel_loop3A_216 = arith.index_cast %parallel_loop3A_15 : i32 to index
      %parallel_loop3A_217 = arith.constant 224 : index
      %parallel_loop3A_218 = tpu.vector_load %arg9[%parallel_loop3A_216, %parallel_loop3A_217] {strides = array<i32>} : memref<64x768xf32, #tpu.memory_space<vmem>>, vector<1x16xf32>,
      %parallel_loop3A_219 = vector.shape_cast %parallel_loop3A_218 : vector<1x16xf32> to vector<16xf32>
      %parallel_loop3A_220 = arith.addf %parallel_loop3A_215, %parallel_loop3A_219 : vector<16xf32>
      %parallel_loop3A_221 = arith.index_cast %parallel_loop3A_15 : i32 to index
      %parallel_loop3A_222 = arith.constant 224 : index
      %parallel_loop3A_223 = tpu.vector_load %arg8[%parallel_loop3A_221, %parallel_loop3A_222] {strides = array<i32>} : memref<64x768xf32, #tpu.memory_space<vmem>>, vector<1x16xf32>,
      %parallel_loop3A_224 = vector.shape_cast %parallel_loop3A_223 : vector<1x16xf32> to vector<16xf32>
      %parallel_loop3A_225 = vector.shape_cast %parallel_loop3A_220 : vector<16xf32> to vector<1x16xf32>
      tpu.vector_store %arg8[%parallel_loop3A_221, %parallel_loop3A_222], %parallel_loop3A_225 {strides = array<i32>} : memref<64x768xf32, #tpu.memory_space<vmem>>, vector<1x16xf32>,
      %parallel_loop3A_226 = arith.index_cast %parallel_loop3A_15 : i32 to index
      %parallel_loop3A_227 = arith.constant 240 : index
      %parallel_loop3A_228 = tpu.vector_load %arg8[%parallel_loop3A_226, %parallel_loop3A_227] {strides = array<i32>} : memref<64x768xf32, #tpu.memory_space<vmem>>, vector<1x16xf32>,
      %parallel_loop3A_229 = vector.shape_cast %parallel_loop3A_228 : vector<1x16xf32> to vector<16xf32>
      %parallel_loop3A_230 = arith.index_cast %parallel_loop3A_15 : i32 to index
      %parallel_loop3A_231 = arith.constant 240 : index
      %parallel_loop3A_232 = tpu.vector_load %arg9[%parallel_loop3A_230, %parallel_loop3A_231] {strides = array<i32>} : memref<64x768xf32, #tpu.memory_space<vmem>>, vector<1x16xf32>,
      %parallel_loop3A_233 = vector.shape_cast %parallel_loop3A_232 : vector<1x16xf32> to vector<16xf32>
      %parallel_loop3A_234 = arith.addf %parallel_loop3A_229, %parallel_loop3A_233 : vector<16xf32>
      %parallel_loop3A_235 = arith.index_cast %parallel_loop3A_15 : i32 to index
      %parallel_loop3A_236 = arith.constant 240 : index
      %parallel_loop3A_237 = tpu.vector_load %arg8[%parallel_loop3A_235, %parallel_loop3A_236] {strides = array<i32>} : memref<64x768xf32, #tpu.memory_space<vmem>>, vector<1x16xf32>,
      %parallel_loop3A_238 = vector.shape_cast %parallel_loop3A_237 : vector<1x16xf32> to vector<16xf32>
      %parallel_loop3A_239 = vector.shape_cast %parallel_loop3A_234 : vector<16xf32> to vector<1x16xf32>
      tpu.vector_store %arg8[%parallel_loop3A_235, %parallel_loop3A_236], %parallel_loop3A_239 {strides = array<i32>} : memref<64x768xf32, #tpu.memory_space<vmem>>, vector<1x16xf32>,
      %parallel_loop3A_240 = arith.index_cast %parallel_loop3A_15 : i32 to index
      %parallel_loop3A_241 = arith.constant 256 : index
      %parallel_loop3A_242 = tpu.vector_load %arg8[%parallel_loop3A_240, %parallel_loop3A_241] {strides = array<i32>} : memref<64x768xf32, #tpu.memory_space<vmem>>, vector<1x16xf32>,
      %parallel_loop3A_243 = vector.shape_cast %parallel_loop3A_242 : vector<1x16xf32> to vector<16xf32>
      %parallel_loop3A_244 = arith.index_cast %parallel_loop3A_15 : i32 to index
      %parallel_loop3A_245 = arith.constant 256 : index
      %parallel_loop3A_246 = tpu.vector_load %arg9[%parallel_loop3A_244, %parallel_loop3A_245] {strides = array<i32>} : memref<64x768xf32, #tpu.memory_space<vmem>>, vector<1x16xf32>,
      %parallel_loop3A_247 = vector.shape_cast %parallel_loop3A_246 : vector<1x16xf32> to vector<16xf32>
      %parallel_loop3A_248 = arith.addf %parallel_loop3A_243, %parallel_loop3A_247 : vector<16xf32>
      %parallel_loop3A_249 = arith.index_cast %parallel_loop3A_15 : i32 to index
      %parallel_loop3A_250 = arith.constant 256 : index
      %parallel_loop3A_251 = tpu.vector_load %arg8[%parallel_loop3A_249, %parallel_loop3A_250] {strides = array<i32>} : memref<64x768xf32, #tpu.memory_space<vmem>>, vector<1x16xf32>,
      %parallel_loop3A_252 = vector.shape_cast %parallel_loop3A_251 : vector<1x16xf32> to vector<16xf32>
      %parallel_loop3A_253 = vector.shape_cast %parallel_loop3A_248 : vector<16xf32> to vector<1x16xf32>
      tpu.vector_store %arg8[%parallel_loop3A_249, %parallel_loop3A_250], %parallel_loop3A_253 {strides = array<i32>} : memref<64x768xf32, #tpu.memory_space<vmem>>, vector<1x16xf32>,
      %parallel_loop3A_254 = arith.index_cast %parallel_loop3A_15 : i32 to index
      %parallel_loop3A_255 = arith.constant 272 : index
      %parallel_loop3A_256 = tpu.vector_load %arg8[%parallel_loop3A_254, %parallel_loop3A_255] {strides = array<i32>} : memref<64x768xf32, #tpu.memory_space<vmem>>, vector<1x16xf32>,
      %parallel_loop3A_257 = vector.shape_cast %parallel_loop3A_256 : vector<1x16xf32> to vector<16xf32>
      %parallel_loop3A_258 = arith.index_cast %parallel_loop3A_15 : i32 to index
      %parallel_loop3A_259 = arith.constant 272 : index
      %parallel_loop3A_260 = tpu.vector_load %arg9[%parallel_loop3A_258, %parallel_loop3A_259] {strides = array<i32>} : memref<64x768xf32, #tpu.memory_space<vmem>>, vector<1x16xf32>,
      %parallel_loop3A_261 = vector.shape_cast %parallel_loop3A_260 : vector<1x16xf32> to vector<16xf32>
      %parallel_loop3A_262 = arith.addf %parallel_loop3A_257, %parallel_loop3A_261 : vector<16xf32>
      %parallel_loop3A_263 = arith.index_cast %parallel_loop3A_15 : i32 to index
      %parallel_loop3A_264 = arith.constant 272 : index
      %parallel_loop3A_265 = tpu.vector_load %arg8[%parallel_loop3A_263, %parallel_loop3A_264] {strides = array<i32>} : memref<64x768xf32, #tpu.memory_space<vmem>>, vector<1x16xf32>,
      %parallel_loop3A_266 = vector.shape_cast %parallel_loop3A_265 : vector<1x16xf32> to vector<16xf32>
      %parallel_loop3A_267 = vector.shape_cast %parallel_loop3A_262 : vector<16xf32> to vector<1x16xf32>
      tpu.vector_store %arg8[%parallel_loop3A_263, %parallel_loop3A_264], %parallel_loop3A_267 {strides = array<i32>} : memref<64x768xf32, #tpu.memory_space<vmem>>, vector<1x16xf32>,
      %parallel_loop3A_268 = arith.index_cast %parallel_loop3A_15 : i32 to index
      %parallel_loop3A_269 = arith.constant 288 : index
      %parallel_loop3A_270 = tpu.vector_load %arg8[%parallel_loop3A_268, %parallel_loop3A_269] {strides = array<i32>} : memref<64x768xf32, #tpu.memory_space<vmem>>, vector<1x16xf32>,
      %parallel_loop3A_271 = vector.shape_cast %parallel_loop3A_270 : vector<1x16xf32> to vector<16xf32>
      %parallel_loop3A_272 = arith.index_cast %parallel_loop3A_15 : i32 to index
      %parallel_loop3A_273 = arith.constant 288 : index
      %parallel_loop3A_274 = tpu.vector_load %arg9[%parallel_loop3A_272, %parallel_loop3A_273] {strides = array<i32>} : memref<64x768xf32, #tpu.memory_space<vmem>>, vector<1x16xf32>,
      %parallel_loop3A_275 = vector.shape_cast %parallel_loop3A_274 : vector<1x16xf32> to vector<16xf32>
      %parallel_loop3A_276 = arith.addf %parallel_loop3A_271, %parallel_loop3A_275 : vector<16xf32>
      %parallel_loop3A_277 = arith.index_cast %parallel_loop3A_15 : i32 to index
      %parallel_loop3A_278 = arith.constant 288 : index
      %parallel_loop3A_279 = tpu.vector_load %arg8[%parallel_loop3A_277, %parallel_loop3A_278] {strides = array<i32>} : memref<64x768xf32, #tpu.memory_space<vmem>>, vector<1x16xf32>,
      %parallel_loop3A_280 = vector.shape_cast %parallel_loop3A_279 : vector<1x16xf32> to vector<16xf32>
      %parallel_loop3A_281 = vector.shape_cast %parallel_loop3A_276 : vector<16xf32> to vector<1x16xf32>
      tpu.vector_store %arg8[%parallel_loop3A_277, %parallel_loop3A_278], %parallel_loop3A_281 {strides = array<i32>} : memref<64x768xf32, #tpu.memory_space<vmem>>, vector<1x16xf32>,
      %parallel_loop3A_282 = arith.index_cast %parallel_loop3A_15 : i32 to index
      %parallel_loop3A_283 = arith.constant 304 : index
      %parallel_loop3A_284 = tpu.vector_load %arg8[%parallel_loop3A_282, %parallel_loop3A_283] {strides = array<i32>} : memref<64x768xf32, #tpu.memory_space<vmem>>, vector<1x16xf32>,
      %parallel_loop3A_285 = vector.shape_cast %parallel_loop3A_284 : vector<1x16xf32> to vector<16xf32>
      %parallel_loop3A_286 = arith.index_cast %parallel_loop3A_15 : i32 to index
      %parallel_loop3A_287 = arith.constant 304 : index
      %parallel_loop3A_288 = tpu.vector_load %arg9[%parallel_loop3A_286, %parallel_loop3A_287] {strides = array<i32>} : memref<64x768xf32, #tpu.memory_space<vmem>>, vector<1x16xf32>,
      %parallel_loop3A_289 = vector.shape_cast %parallel_loop3A_288 : vector<1x16xf32> to vector<16xf32>
      %parallel_loop3A_290 = arith.addf %parallel_loop3A_285, %parallel_loop3A_289 : vector<16xf32>
      %parallel_loop3A_291 = arith.index_cast %parallel_loop3A_15 : i32 to index
      %parallel_loop3A_292 = arith.constant 304 : index
      %parallel_loop3A_293 = tpu.vector_load %arg8[%parallel_loop3A_291, %parallel_loop3A_292] {strides = array<i32>} : memref<64x768xf32, #tpu.memory_space<vmem>>, vector<1x16xf32>,
      %parallel_loop3A_294 = vector.shape_cast %parallel_loop3A_293 : vector<1x16xf32> to vector<16xf32>
      %parallel_loop3A_295 = vector.shape_cast %parallel_loop3A_290 : vector<16xf32> to vector<1x16xf32>
      tpu.vector_store %arg8[%parallel_loop3A_291, %parallel_loop3A_292], %parallel_loop3A_295 {strides = array<i32>} : memref<64x768xf32, #tpu.memory_space<vmem>>, vector<1x16xf32>,
      %parallel_loop3A_296 = arith.index_cast %parallel_loop3A_15 : i32 to index
      %parallel_loop3A_297 = arith.constant 320 : index
      %parallel_loop3A_298 = tpu.vector_load %arg8[%parallel_loop3A_296, %parallel_loop3A_297] {strides = array<i32>} : memref<64x768xf32, #tpu.memory_space<vmem>>, vector<1x16xf32>,
      %parallel_loop3A_299 = vector.shape_cast %parallel_loop3A_298 : vector<1x16xf32> to vector<16xf32>
      %parallel_loop3A_300 = arith.index_cast %parallel_loop3A_15 : i32 to index
      %parallel_loop3A_301 = arith.constant 320 : index
      %parallel_loop3A_302 = tpu.vector_load %arg9[%parallel_loop3A_300, %parallel_loop3A_301] {strides = array<i32>} : memref<64x768xf32, #tpu.memory_space<vmem>>, vector<1x16xf32>,
      %parallel_loop3A_303 = vector.shape_cast %parallel_loop3A_302 : vector<1x16xf32> to vector<16xf32>
      %parallel_loop3A_304 = arith.addf %parallel_loop3A_299, %parallel_loop3A_303 : vector<16xf32>
      %parallel_loop3A_305 = arith.index_cast %parallel_loop3A_15 : i32 to index
      %parallel_loop3A_306 = arith.constant 320 : index
      %parallel_loop3A_307 = tpu.vector_load %arg8[%parallel_loop3A_305, %parallel_loop3A_306] {strides = array<i32>} : memref<64x768xf32, #tpu.memory_space<vmem>>, vector<1x16xf32>,
      %parallel_loop3A_308 = vector.shape_cast %parallel_loop3A_307 : vector<1x16xf32> to vector<16xf32>
      %parallel_loop3A_309 = vector.shape_cast %parallel_loop3A_304 : vector<16xf32> to vector<1x16xf32>
      tpu.vector_store %arg8[%parallel_loop3A_305, %parallel_loop3A_306], %parallel_loop3A_309 {strides = array<i32>} : memref<64x768xf32, #tpu.memory_space<vmem>>, vector<1x16xf32>,
      %parallel_loop3A_310 = arith.index_cast %parallel_loop3A_15 : i32 to index
      %parallel_loop3A_311 = arith.constant 336 : index
      %parallel_loop3A_312 = tpu.vector_load %arg8[%parallel_loop3A_310, %parallel_loop3A_311] {strides = array<i32>} : memref<64x768xf32, #tpu.memory_space<vmem>>, vector<1x16xf32>,
      %parallel_loop3A_313 = vector.shape_cast %parallel_loop3A_312 : vector<1x16xf32> to vector<16xf32>
      %parallel_loop3A_314 = arith.index_cast %parallel_loop3A_15 : i32 to index
      %parallel_loop3A_315 = arith.constant 336 : index
      %parallel_loop3A_316 = tpu.vector_load %arg9[%parallel_loop3A_314, %parallel_loop3A_315] {strides = array<i32>} : memref<64x768xf32, #tpu.memory_space<vmem>>, vector<1x16xf32>,
      %parallel_loop3A_317 = vector.shape_cast %parallel_loop3A_316 : vector<1x16xf32> to vector<16xf32>
      %parallel_loop3A_318 = arith.addf %parallel_loop3A_313, %parallel_loop3A_317 : vector<16xf32>
      %parallel_loop3A_319 = arith.index_cast %parallel_loop3A_15 : i32 to index
      %parallel_loop3A_320 = arith.constant 336 : index
      %parallel_loop3A_321 = tpu.vector_load %arg8[%parallel_loop3A_319, %parallel_loop3A_320] {strides = array<i32>} : memref<64x768xf32, #tpu.memory_space<vmem>>, vector<1x16xf32>,
      %parallel_loop3A_322 = vector.shape_cast %parallel_loop3A_321 : vector<1x16xf32> to vector<16xf32>
      %parallel_loop3A_323 = vector.shape_cast %parallel_loop3A_318 : vector<16xf32> to vector<1x16xf32>
      tpu.vector_store %arg8[%parallel_loop3A_319, %parallel_loop3A_320], %parallel_loop3A_323 {strides = array<i32>} : memref<64x768xf32, #tpu.memory_space<vmem>>, vector<1x16xf32>,
      %parallel_loop3A_324 = arith.index_cast %parallel_loop3A_15 : i32 to index
      %parallel_loop3A_325 = arith.constant 352 : index
      %parallel_loop3A_326 = tpu.vector_load %arg8[%parallel_loop3A_324, %parallel_loop3A_325] {strides = array<i32>} : memref<64x768xf32, #tpu.memory_space<vmem>>, vector<1x16xf32>,
      %parallel_loop3A_327 = vector.shape_cast %parallel_loop3A_326 : vector<1x16xf32> to vector<16xf32>
      %parallel_loop3A_328 = arith.index_cast %parallel_loop3A_15 : i32 to index
      %parallel_loop3A_329 = arith.constant 352 : index
      %parallel_loop3A_330 = tpu.vector_load %arg9[%parallel_loop3A_328, %parallel_loop3A_329] {strides = array<i32>} : memref<64x768xf32, #tpu.memory_space<vmem>>, vector<1x16xf32>,
      %parallel_loop3A_331 = vector.shape_cast %parallel_loop3A_330 : vector<1x16xf32> to vector<16xf32>
      %parallel_loop3A_332 = arith.addf %parallel_loop3A_327, %parallel_loop3A_331 : vector<16xf32>
      %parallel_loop3A_333 = arith.index_cast %parallel_loop3A_15 : i32 to index
      %parallel_loop3A_334 = arith.constant 352 : index
      %parallel_loop3A_335 = tpu.vector_load %arg8[%parallel_loop3A_333, %parallel_loop3A_334] {strides = array<i32>} : memref<64x768xf32, #tpu.memory_space<vmem>>, vector<1x16xf32>,
      %parallel_loop3A_336 = vector.shape_cast %parallel_loop3A_335 : vector<1x16xf32> to vector<16xf32>
      %parallel_loop3A_337 = vector.shape_cast %parallel_loop3A_332 : vector<16xf32> to vector<1x16xf32>
      tpu.vector_store %arg8[%parallel_loop3A_333, %parallel_loop3A_334], %parallel_loop3A_337 {strides = array<i32>} : memref<64x768xf32, #tpu.memory_space<vmem>>, vector<1x16xf32>,
      %parallel_loop3A_338 = arith.index_cast %parallel_loop3A_15 : i32 to index
      %parallel_loop3A_339 = arith.constant 368 : index
      %parallel_loop3A_340 = tpu.vector_load %arg8[%parallel_loop3A_338, %parallel_loop3A_339] {strides = array<i32>} : memref<64x768xf32, #tpu.memory_space<vmem>>, vector<1x16xf32>,
      %parallel_loop3A_341 = vector.shape_cast %parallel_loop3A_340 : vector<1x16xf32> to vector<16xf32>
      %parallel_loop3A_342 = arith.index_cast %parallel_loop3A_15 : i32 to index
      %parallel_loop3A_343 = arith.constant 368 : index
      %parallel_loop3A_344 = tpu.vector_load %arg9[%parallel_loop3A_342, %parallel_loop3A_343] {strides = array<i32>} : memref<64x768xf32, #tpu.memory_space<vmem>>, vector<1x16xf32>,
      %parallel_loop3A_345 = vector.shape_cast %parallel_loop3A_344 : vector<1x16xf32> to vector<16xf32>
      %parallel_loop3A_346 = arith.addf %parallel_loop3A_341, %parallel_loop3A_345 : vector<16xf32>
      %parallel_loop3A_347 = arith.index_cast %parallel_loop3A_15 : i32 to index
      %parallel_loop3A_348 = arith.constant 368 : index
      %parallel_loop3A_349 = tpu.vector_load %arg8[%parallel_loop3A_347, %parallel_loop3A_348] {strides = array<i32>} : memref<64x768xf32, #tpu.memory_space<vmem>>, vector<1x16xf32>,
      %parallel_loop3A_350 = vector.shape_cast %parallel_loop3A_349 : vector<1x16xf32> to vector<16xf32>
      %parallel_loop3A_351 = vector.shape_cast %parallel_loop3A_346 : vector<16xf32> to vector<1x16xf32>
      tpu.vector_store %arg8[%parallel_loop3A_347, %parallel_loop3A_348], %parallel_loop3A_351 {strides = array<i32>} : memref<64x768xf32, #tpu.memory_space<vmem>>, vector<1x16xf32>,
      %parallel_loop3A_352 = arith.index_cast %parallel_loop3A_15 : i32 to index
      %parallel_loop3A_353 = arith.constant 384 : index
      %parallel_loop3A_354 = tpu.vector_load %arg8[%parallel_loop3A_352, %parallel_loop3A_353] {strides = array<i32>} : memref<64x768xf32, #tpu.memory_space<vmem>>, vector<1x16xf32>,
      %parallel_loop3A_355 = vector.shape_cast %parallel_loop3A_354 : vector<1x16xf32> to vector<16xf32>
      %parallel_loop3A_356 = arith.index_cast %parallel_loop3A_15 : i32 to index
      %parallel_loop3A_357 = arith.constant 384 : index
      %parallel_loop3A_358 = tpu.vector_load %arg9[%parallel_loop3A_356, %parallel_loop3A_357] {strides = array<i32>} : memref<64x768xf32, #tpu.memory_space<vmem>>, vector<1x16xf32>,
      %parallel_loop3A_359 = vector.shape_cast %parallel_loop3A_358 : vector<1x16xf32> to vector<16xf32>
      %parallel_loop3A_360 = arith.addf %parallel_loop3A_355, %parallel_loop3A_359 : vector<16xf32>
      %parallel_loop3A_361 = arith.index_cast %parallel_loop3A_15 : i32 to index
      %parallel_loop3A_362 = arith.constant 384 : index
      %parallel_loop3A_363 = tpu.vector_load %arg8[%parallel_loop3A_361, %parallel_loop3A_362] {strides = array<i32>} : memref<64x768xf32, #tpu.memory_space<vmem>>, vector<1x16xf32>,
      %parallel_loop3A_364 = vector.shape_cast %parallel_loop3A_363 : vector<1x16xf32> to vector<16xf32>
      %parallel_loop3A_365 = vector.shape_cast %parallel_loop3A_360 : vector<16xf32> to vector<1x16xf32>
      tpu.vector_store %arg8[%parallel_loop3A_361, %parallel_loop3A_362], %parallel_loop3A_365 {strides = array<i32>} : memref<64x768xf32, #tpu.memory_space<vmem>>, vector<1x16xf32>,
      %parallel_loop3A_366 = arith.index_cast %parallel_loop3A_15 : i32 to index
      %parallel_loop3A_367 = arith.constant 400 : index
      %parallel_loop3A_368 = tpu.vector_load %arg8[%parallel_loop3A_366, %parallel_loop3A_367] {strides = array<i32>} : memref<64x768xf32, #tpu.memory_space<vmem>>, vector<1x16xf32>,
      %parallel_loop3A_369 = vector.shape_cast %parallel_loop3A_368 : vector<1x16xf32> to vector<16xf32>
      %parallel_loop3A_370 = arith.index_cast %parallel_loop3A_15 : i32 to index
      %parallel_loop3A_371 = arith.constant 400 : index
      %parallel_loop3A_372 = tpu.vector_load %arg9[%parallel_loop3A_370, %parallel_loop3A_371] {strides = array<i32>} : memref<64x768xf32, #tpu.memory_space<vmem>>, vector<1x16xf32>,
      %parallel_loop3A_373 = vector.shape_cast %parallel_loop3A_372 : vector<1x16xf32> to vector<16xf32>
      %parallel_loop3A_374 = arith.addf %parallel_loop3A_369, %parallel_loop3A_373 : vector<16xf32>
      %parallel_loop3A_375 = arith.index_cast %parallel_loop3A_15 : i32 to index
      %parallel_loop3A_376 = arith.constant 400 : index
      %parallel_loop3A_377 = tpu.vector_load %arg8[%parallel_loop3A_375, %parallel_loop3A_376] {strides = array<i32>} : memref<64x768xf32, #tpu.memory_space<vmem>>, vector<1x16xf32>,
      %parallel_loop3A_378 = vector.shape_cast %parallel_loop3A_377 : vector<1x16xf32> to vector<16xf32>
      %parallel_loop3A_379 = vector.shape_cast %parallel_loop3A_374 : vector<16xf32> to vector<1x16xf32>
      tpu.vector_store %arg8[%parallel_loop3A_375, %parallel_loop3A_376], %parallel_loop3A_379 {strides = array<i32>} : memref<64x768xf32, #tpu.memory_space<vmem>>, vector<1x16xf32>,
      %parallel_loop3A_380 = arith.index_cast %parallel_loop3A_15 : i32 to index
      %parallel_loop3A_381 = arith.constant 416 : index
      %parallel_loop3A_382 = tpu.vector_load %arg8[%parallel_loop3A_380, %parallel_loop3A_381] {strides = array<i32>} : memref<64x768xf32, #tpu.memory_space<vmem>>, vector<1x16xf32>,
      %parallel_loop3A_383 = vector.shape_cast %parallel_loop3A_382 : vector<1x16xf32> to vector<16xf32>
      %parallel_loop3A_384 = arith.index_cast %parallel_loop3A_15 : i32 to index
      %parallel_loop3A_385 = arith.constant 416 : index
      %parallel_loop3A_386 = tpu.vector_load %arg9[%parallel_loop3A_384, %parallel_loop3A_385] {strides = array<i32>} : memref<64x768xf32, #tpu.memory_space<vmem>>, vector<1x16xf32>,
      %parallel_loop3A_387 = vector.shape_cast %parallel_loop3A_386 : vector<1x16xf32> to vector<16xf32>
      %parallel_loop3A_388 = arith.addf %parallel_loop3A_383, %parallel_loop3A_387 : vector<16xf32>
      %parallel_loop3A_389 = arith.index_cast %parallel_loop3A_15 : i32 to index
      %parallel_loop3A_390 = arith.constant 416 : index
      %parallel_loop3A_391 = tpu.vector_load %arg8[%parallel_loop3A_389, %parallel_loop3A_390] {strides = array<i32>} : memref<64x768xf32, #tpu.memory_space<vmem>>, vector<1x16xf32>,
      %parallel_loop3A_392 = vector.shape_cast %parallel_loop3A_391 : vector<1x16xf32> to vector<16xf32>
      %parallel_loop3A_393 = vector.shape_cast %parallel_loop3A_388 : vector<16xf32> to vector<1x16xf32>
      tpu.vector_store %arg8[%parallel_loop3A_389, %parallel_loop3A_390], %parallel_loop3A_393 {strides = array<i32>} : memref<64x768xf32, #tpu.memory_space<vmem>>, vector<1x16xf32>,
      %parallel_loop3A_394 = arith.index_cast %parallel_loop3A_15 : i32 to index
      %parallel_loop3A_395 = arith.constant 432 : index
      %parallel_loop3A_396 = tpu.vector_load %arg8[%parallel_loop3A_394, %parallel_loop3A_395] {strides = array<i32>} : memref<64x768xf32, #tpu.memory_space<vmem>>, vector<1x16xf32>,
      %parallel_loop3A_397 = vector.shape_cast %parallel_loop3A_396 : vector<1x16xf32> to vector<16xf32>
      %parallel_loop3A_398 = arith.index_cast %parallel_loop3A_15 : i32 to index
      %parallel_loop3A_399 = arith.constant 432 : index
      %parallel_loop3A_400 = tpu.vector_load %arg9[%parallel_loop3A_398, %parallel_loop3A_399] {strides = array<i32>} : memref<64x768xf32, #tpu.memory_space<vmem>>, vector<1x16xf32>,
      %parallel_loop3A_401 = vector.shape_cast %parallel_loop3A_400 : vector<1x16xf32> to vector<16xf32>
      %parallel_loop3A_402 = arith.addf %parallel_loop3A_397, %parallel_loop3A_401 : vector<16xf32>
      %parallel_loop3A_403 = arith.index_cast %parallel_loop3A_15 : i32 to index
      %parallel_loop3A_404 = arith.constant 432 : index
      %parallel_loop3A_405 = tpu.vector_load %arg8[%parallel_loop3A_403, %parallel_loop3A_404] {strides = array<i32>} : memref<64x768xf32, #tpu.memory_space<vmem>>, vector<1x16xf32>,
      %parallel_loop3A_406 = vector.shape_cast %parallel_loop3A_405 : vector<1x16xf32> to vector<16xf32>
      %parallel_loop3A_407 = vector.shape_cast %parallel_loop3A_402 : vector<16xf32> to vector<1x16xf32>
      tpu.vector_store %arg8[%parallel_loop3A_403, %parallel_loop3A_404], %parallel_loop3A_407 {strides = array<i32>} : memref<64x768xf32, #tpu.memory_space<vmem>>, vector<1x16xf32>,
      %parallel_loop3A_408 = arith.index_cast %parallel_loop3A_15 : i32 to index
      %parallel_loop3A_409 = arith.constant 448 : index
      %parallel_loop3A_410 = tpu.vector_load %arg8[%parallel_loop3A_408, %parallel_loop3A_409] {strides = array<i32>} : memref<64x768xf32, #tpu.memory_space<vmem>>, vector<1x16xf32>,
      %parallel_loop3A_411 = vector.shape_cast %parallel_loop3A_410 : vector<1x16xf32> to vector<16xf32>
      %parallel_loop3A_412 = arith.index_cast %parallel_loop3A_15 : i32 to index
      %parallel_loop3A_413 = arith.constant 448 : index
      %parallel_loop3A_414 = tpu.vector_load %arg9[%parallel_loop3A_412, %parallel_loop3A_413] {strides = array<i32>} : memref<64x768xf32, #tpu.memory_space<vmem>>, vector<1x16xf32>,
      %parallel_loop3A_415 = vector.shape_cast %parallel_loop3A_414 : vector<1x16xf32> to vector<16xf32>
      %parallel_loop3A_416 = arith.addf %parallel_loop3A_411, %parallel_loop3A_415 : vector<16xf32>
      %parallel_loop3A_417 = arith.index_cast %parallel_loop3A_15 : i32 to index
      %parallel_loop3A_418 = arith.constant 448 : index
      %parallel_loop3A_419 = tpu.vector_load %arg8[%parallel_loop3A_417, %parallel_loop3A_418] {strides = array<i32>} : memref<64x768xf32, #tpu.memory_space<vmem>>, vector<1x16xf32>,
      %parallel_loop3A_420 = vector.shape_cast %parallel_loop3A_419 : vector<1x16xf32> to vector<16xf32>
      %parallel_loop3A_421 = vector.shape_cast %parallel_loop3A_416 : vector<16xf32> to vector<1x16xf32>
      tpu.vector_store %arg8[%parallel_loop3A_417, %parallel_loop3A_418], %parallel_loop3A_421 {strides = array<i32>} : memref<64x768xf32, #tpu.memory_space<vmem>>, vector<1x16xf32>,
      %parallel_loop3A_422 = arith.index_cast %parallel_loop3A_15 : i32 to index
      %parallel_loop3A_423 = arith.constant 464 : index
      %parallel_loop3A_424 = tpu.vector_load %arg8[%parallel_loop3A_422, %parallel_loop3A_423] {strides = array<i32>} : memref<64x768xf32, #tpu.memory_space<vmem>>, vector<1x16xf32>,
      %parallel_loop3A_425 = vector.shape_cast %parallel_loop3A_424 : vector<1x16xf32> to vector<16xf32>
      %parallel_loop3A_426 = arith.index_cast %parallel_loop3A_15 : i32 to index
      %parallel_loop3A_427 = arith.constant 464 : index
      %parallel_loop3A_428 = tpu.vector_load %arg9[%parallel_loop3A_426, %parallel_loop3A_427] {strides = array<i32>} : memref<64x768xf32, #tpu.memory_space<vmem>>, vector<1x16xf32>,
      %parallel_loop3A_429 = vector.shape_cast %parallel_loop3A_428 : vector<1x16xf32> to vector<16xf32>
      %parallel_loop3A_430 = arith.addf %parallel_loop3A_425, %parallel_loop3A_429 : vector<16xf32>
      %parallel_loop3A_431 = arith.index_cast %parallel_loop3A_15 : i32 to index
      %parallel_loop3A_432 = arith.constant 464 : index
      %parallel_loop3A_433 = tpu.vector_load %arg8[%parallel_loop3A_431, %parallel_loop3A_432] {strides = array<i32>} : memref<64x768xf32, #tpu.memory_space<vmem>>, vector<1x16xf32>,
      %parallel_loop3A_434 = vector.shape_cast %parallel_loop3A_433 : vector<1x16xf32> to vector<16xf32>
      %parallel_loop3A_435 = vector.shape_cast %parallel_loop3A_430 : vector<16xf32> to vector<1x16xf32>
      tpu.vector_store %arg8[%parallel_loop3A_431, %parallel_loop3A_432], %parallel_loop3A_435 {strides = array<i32>} : memref<64x768xf32, #tpu.memory_space<vmem>>, vector<1x16xf32>,
      %parallel_loop3A_436 = arith.index_cast %parallel_loop3A_15 : i32 to index
      %parallel_loop3A_437 = arith.constant 480 : index
      %parallel_loop3A_438 = tpu.vector_load %arg8[%parallel_loop3A_436, %parallel_loop3A_437] {strides = array<i32>} : memref<64x768xf32, #tpu.memory_space<vmem>>, vector<1x16xf32>,
      %parallel_loop3A_439 = vector.shape_cast %parallel_loop3A_438 : vector<1x16xf32> to vector<16xf32>
      %parallel_loop3A_440 = arith.index_cast %parallel_loop3A_15 : i32 to index
      %parallel_loop3A_441 = arith.constant 480 : index
      %parallel_loop3A_442 = tpu.vector_load %arg9[%parallel_loop3A_440, %parallel_loop3A_441] {strides = array<i32>} : memref<64x768xf32, #tpu.memory_space<vmem>>, vector<1x16xf32>,
      %parallel_loop3A_443 = vector.shape_cast %parallel_loop3A_442 : vector<1x16xf32> to vector<16xf32>
      %parallel_loop3A_444 = arith.addf %parallel_loop3A_439, %parallel_loop3A_443 : vector<16xf32>
      %parallel_loop3A_445 = arith.index_cast %parallel_loop3A_15 : i32 to index
      %parallel_loop3A_446 = arith.constant 480 : index
      %parallel_loop3A_447 = tpu.vector_load %arg8[%parallel_loop3A_445, %parallel_loop3A_446] {strides = array<i32>} : memref<64x768xf32, #tpu.memory_space<vmem>>, vector<1x16xf32>,
      %parallel_loop3A_448 = vector.shape_cast %parallel_loop3A_447 : vector<1x16xf32> to vector<16xf32>
      %parallel_loop3A_449 = vector.shape_cast %parallel_loop3A_444 : vector<16xf32> to vector<1x16xf32>
      tpu.vector_store %arg8[%parallel_loop3A_445, %parallel_loop3A_446], %parallel_loop3A_449 {strides = array<i32>} : memref<64x768xf32, #tpu.memory_space<vmem>>, vector<1x16xf32>,
      %parallel_loop3A_450 = arith.index_cast %parallel_loop3A_15 : i32 to index
      %parallel_loop3A_451 = arith.constant 496 : index
      %parallel_loop3A_452 = tpu.vector_load %arg8[%parallel_loop3A_450, %parallel_loop3A_451] {strides = array<i32>} : memref<64x768xf32, #tpu.memory_space<vmem>>, vector<1x16xf32>,
      %parallel_loop3A_453 = vector.shape_cast %parallel_loop3A_452 : vector<1x16xf32> to vector<16xf32>
      %parallel_loop3A_454 = arith.index_cast %parallel_loop3A_15 : i32 to index
      %parallel_loop3A_455 = arith.constant 496 : index
      %parallel_loop3A_456 = tpu.vector_load %arg9[%parallel_loop3A_454, %parallel_loop3A_455] {strides = array<i32>} : memref<64x768xf32, #tpu.memory_space<vmem>>, vector<1x16xf32>,
      %parallel_loop3A_457 = vector.shape_cast %parallel_loop3A_456 : vector<1x16xf32> to vector<16xf32>
      %parallel_loop3A_458 = arith.addf %parallel_loop3A_453, %parallel_loop3A_457 : vector<16xf32>
      %parallel_loop3A_459 = arith.index_cast %parallel_loop3A_15 : i32 to index
      %parallel_loop3A_460 = arith.constant 496 : index
      %parallel_loop3A_461 = tpu.vector_load %arg8[%parallel_loop3A_459, %parallel_loop3A_460] {strides = array<i32>} : memref<64x768xf32, #tpu.memory_space<vmem>>, vector<1x16xf32>,
      %parallel_loop3A_462 = vector.shape_cast %parallel_loop3A_461 : vector<1x16xf32> to vector<16xf32>
      %parallel_loop3A_463 = vector.shape_cast %parallel_loop3A_458 : vector<16xf32> to vector<1x16xf32>
      tpu.vector_store %arg8[%parallel_loop3A_459, %parallel_loop3A_460], %parallel_loop3A_463 {strides = array<i32>} : memref<64x768xf32, #tpu.memory_space<vmem>>, vector<1x16xf32>,
      %parallel_loop3A_464 = arith.index_cast %parallel_loop3A_15 : i32 to index
      %parallel_loop3A_465 = arith.constant 512 : index
      %parallel_loop3A_466 = tpu.vector_load %arg8[%parallel_loop3A_464, %parallel_loop3A_465] {strides = array<i32>} : memref<64x768xf32, #tpu.memory_space<vmem>>, vector<1x16xf32>,
      %parallel_loop3A_467 = vector.shape_cast %parallel_loop3A_466 : vector<1x16xf32> to vector<16xf32>
      %parallel_loop3A_468 = arith.index_cast %parallel_loop3A_15 : i32 to index
      %parallel_loop3A_469 = arith.constant 512 : index
      %parallel_loop3A_470 = tpu.vector_load %arg9[%parallel_loop3A_468, %parallel_loop3A_469] {strides = array<i32>} : memref<64x768xf32, #tpu.memory_space<vmem>>, vector<1x16xf32>,
      %parallel_loop3A_471 = vector.shape_cast %parallel_loop3A_470 : vector<1x16xf32> to vector<16xf32>
      %parallel_loop3A_472 = arith.addf %parallel_loop3A_467, %parallel_loop3A_471 : vector<16xf32>
      %parallel_loop3A_473 = arith.index_cast %parallel_loop3A_15 : i32 to index
      %parallel_loop3A_474 = arith.constant 512 : index
      %parallel_loop3A_475 = tpu.vector_load %arg8[%parallel_loop3A_473, %parallel_loop3A_474] {strides = array<i32>} : memref<64x768xf32, #tpu.memory_space<vmem>>, vector<1x16xf32>,
      %parallel_loop3A_476 = vector.shape_cast %parallel_loop3A_475 : vector<1x16xf32> to vector<16xf32>
      %parallel_loop3A_477 = vector.shape_cast %parallel_loop3A_472 : vector<16xf32> to vector<1x16xf32>
      tpu.vector_store %arg8[%parallel_loop3A_473, %parallel_loop3A_474], %parallel_loop3A_477 {strides = array<i32>} : memref<64x768xf32, #tpu.memory_space<vmem>>, vector<1x16xf32>,
      %parallel_loop3A_478 = arith.index_cast %parallel_loop3A_15 : i32 to index
      %parallel_loop3A_479 = arith.constant 528 : index
      %parallel_loop3A_480 = tpu.vector_load %arg8[%parallel_loop3A_478, %parallel_loop3A_479] {strides = array<i32>} : memref<64x768xf32, #tpu.memory_space<vmem>>, vector<1x16xf32>,
      %parallel_loop3A_481 = vector.shape_cast %parallel_loop3A_480 : vector<1x16xf32> to vector<16xf32>
      %parallel_loop3A_482 = arith.index_cast %parallel_loop3A_15 : i32 to index
      %parallel_loop3A_483 = arith.constant 528 : index
      %parallel_loop3A_484 = tpu.vector_load %arg9[%parallel_loop3A_482, %parallel_loop3A_483] {strides = array<i32>} : memref<64x768xf32, #tpu.memory_space<vmem>>, vector<1x16xf32>,
      %parallel_loop3A_485 = vector.shape_cast %parallel_loop3A_484 : vector<1x16xf32> to vector<16xf32>
      %parallel_loop3A_486 = arith.addf %parallel_loop3A_481, %parallel_loop3A_485 : vector<16xf32>
      %parallel_loop3A_487 = arith.index_cast %parallel_loop3A_15 : i32 to index
      %parallel_loop3A_488 = arith.constant 528 : index
      %parallel_loop3A_489 = tpu.vector_load %arg8[%parallel_loop3A_487, %parallel_loop3A_488] {strides = array<i32>} : memref<64x768xf32, #tpu.memory_space<vmem>>, vector<1x16xf32>,
      %parallel_loop3A_490 = vector.shape_cast %parallel_loop3A_489 : vector<1x16xf32> to vector<16xf32>
      %parallel_loop3A_491 = vector.shape_cast %parallel_loop3A_486 : vector<16xf32> to vector<1x16xf32>
      tpu.vector_store %arg8[%parallel_loop3A_487, %parallel_loop3A_488], %parallel_loop3A_491 {strides = array<i32>} : memref<64x768xf32, #tpu.memory_space<vmem>>, vector<1x16xf32>,
      %parallel_loop3A_492 = arith.index_cast %parallel_loop3A_15 : i32 to index
      %parallel_loop3A_493 = arith.constant 544 : index
      %parallel_loop3A_494 = tpu.vector_load %arg8[%parallel_loop3A_492, %parallel_loop3A_493] {strides = array<i32>} : memref<64x768xf32, #tpu.memory_space<vmem>>, vector<1x16xf32>,
      %parallel_loop3A_495 = vector.shape_cast %parallel_loop3A_494 : vector<1x16xf32> to vector<16xf32>
      %parallel_loop3A_496 = arith.index_cast %parallel_loop3A_15 : i32 to index
      %parallel_loop3A_497 = arith.constant 544 : index
      %parallel_loop3A_498 = tpu.vector_load %arg9[%parallel_loop3A_496, %parallel_loop3A_497] {strides = array<i32>} : memref<64x768xf32, #tpu.memory_space<vmem>>, vector<1x16xf32>,
      %parallel_loop3A_499 = vector.shape_cast %parallel_loop3A_498 : vector<1x16xf32> to vector<16xf32>
      %parallel_loop3A_500 = arith.addf %parallel_loop3A_495, %parallel_loop3A_499 : vector<16xf32>
      %parallel_loop3A_501 = arith.index_cast %parallel_loop3A_15 : i32 to index
      %parallel_loop3A_502 = arith.constant 544 : index
      %parallel_loop3A_503 = tpu.vector_load %arg8[%parallel_loop3A_501, %parallel_loop3A_502] {strides = array<i32>} : memref<64x768xf32, #tpu.memory_space<vmem>>, vector<1x16xf32>,
      %parallel_loop3A_504 = vector.shape_cast %parallel_loop3A_503 : vector<1x16xf32> to vector<16xf32>
      %parallel_loop3A_505 = vector.shape_cast %parallel_loop3A_500 : vector<16xf32> to vector<1x16xf32>
      tpu.vector_store %arg8[%parallel_loop3A_501, %parallel_loop3A_502], %parallel_loop3A_505 {strides = array<i32>} : memref<64x768xf32, #tpu.memory_space<vmem>>, vector<1x16xf32>,
      %parallel_loop3A_506 = arith.index_cast %parallel_loop3A_15 : i32 to index
      %parallel_loop3A_507 = arith.constant 560 : index
      %parallel_loop3A_508 = tpu.vector_load %arg8[%parallel_loop3A_506, %parallel_loop3A_507] {strides = array<i32>} : memref<64x768xf32, #tpu.memory_space<vmem>>, vector<1x16xf32>,
      %parallel_loop3A_509 = vector.shape_cast %parallel_loop3A_508 : vector<1x16xf32> to vector<16xf32>
      %parallel_loop3A_510 = arith.index_cast %parallel_loop3A_15 : i32 to index
      %parallel_loop3A_511 = arith.constant 560 : index
      %parallel_loop3A_512 = tpu.vector_load %arg9[%parallel_loop3A_510, %parallel_loop3A_511] {strides = array<i32>} : memref<64x768xf32, #tpu.memory_space<vmem>>, vector<1x16xf32>,
      %parallel_loop3A_513 = vector.shape_cast %parallel_loop3A_512 : vector<1x16xf32> to vector<16xf32>
      %parallel_loop3A_514 = arith.addf %parallel_loop3A_509, %parallel_loop3A_513 : vector<16xf32>
      %parallel_loop3A_515 = arith.index_cast %parallel_loop3A_15 : i32 to index
      %parallel_loop3A_516 = arith.constant 560 : index
      %parallel_loop3A_517 = tpu.vector_load %arg8[%parallel_loop3A_515, %parallel_loop3A_516] {strides = array<i32>} : memref<64x768xf32, #tpu.memory_space<vmem>>, vector<1x16xf32>,
      %parallel_loop3A_518 = vector.shape_cast %parallel_loop3A_517 : vector<1x16xf32> to vector<16xf32>
      %parallel_loop3A_519 = vector.shape_cast %parallel_loop3A_514 : vector<16xf32> to vector<1x16xf32>
      tpu.vector_store %arg8[%parallel_loop3A_515, %parallel_loop3A_516], %parallel_loop3A_519 {strides = array<i32>} : memref<64x768xf32, #tpu.memory_space<vmem>>, vector<1x16xf32>,
      %parallel_loop3A_520 = arith.index_cast %parallel_loop3A_15 : i32 to index
      %parallel_loop3A_521 = arith.constant 576 : index
      %parallel_loop3A_522 = tpu.vector_load %arg8[%parallel_loop3A_520, %parallel_loop3A_521] {strides = array<i32>} : memref<64x768xf32, #tpu.memory_space<vmem>>, vector<1x16xf32>,
      %parallel_loop3A_523 = vector.shape_cast %parallel_loop3A_522 : vector<1x16xf32> to vector<16xf32>
      %parallel_loop3A_524 = arith.index_cast %parallel_loop3A_15 : i32 to index
      %parallel_loop3A_525 = arith.constant 576 : index
      %parallel_loop3A_526 = tpu.vector_load %arg9[%parallel_loop3A_524, %parallel_loop3A_525] {strides = array<i32>} : memref<64x768xf32, #tpu.memory_space<vmem>>, vector<1x16xf32>,
      %parallel_loop3A_527 = vector.shape_cast %parallel_loop3A_526 : vector<1x16xf32> to vector<16xf32>
      %parallel_loop3A_528 = arith.addf %parallel_loop3A_523, %parallel_loop3A_527 : vector<16xf32>
      %parallel_loop3A_529 = arith.index_cast %parallel_loop3A_15 : i32 to index
      %parallel_loop3A_530 = arith.constant 576 : index
      %parallel_loop3A_531 = tpu.vector_load %arg8[%parallel_loop3A_529, %parallel_loop3A_530] {strides = array<i32>} : memref<64x768xf32, #tpu.memory_space<vmem>>, vector<1x16xf32>,
      %parallel_loop3A_532 = vector.shape_cast %parallel_loop3A_531 : vector<1x16xf32> to vector<16xf32>
      %parallel_loop3A_533 = vector.shape_cast %parallel_loop3A_528 : vector<16xf32> to vector<1x16xf32>
      tpu.vector_store %arg8[%parallel_loop3A_529, %parallel_loop3A_530], %parallel_loop3A_533 {strides = array<i32>} : memref<64x768xf32, #tpu.memory_space<vmem>>, vector<1x16xf32>,
      %parallel_loop3A_534 = arith.index_cast %parallel_loop3A_15 : i32 to index
      %parallel_loop3A_535 = arith.constant 592 : index
      %parallel_loop3A_536 = tpu.vector_load %arg8[%parallel_loop3A_534, %parallel_loop3A_535] {strides = array<i32>} : memref<64x768xf32, #tpu.memory_space<vmem>>, vector<1x16xf32>,
      %parallel_loop3A_537 = vector.shape_cast %parallel_loop3A_536 : vector<1x16xf32> to vector<16xf32>
      %parallel_loop3A_538 = arith.index_cast %parallel_loop3A_15 : i32 to index
      %parallel_loop3A_539 = arith.constant 592 : index
      %parallel_loop3A_540 = tpu.vector_load %arg9[%parallel_loop3A_538, %parallel_loop3A_539] {strides = array<i32>} : memref<64x768xf32, #tpu.memory_space<vmem>>, vector<1x16xf32>,
      %parallel_loop3A_541 = vector.shape_cast %parallel_loop3A_540 : vector<1x16xf32> to vector<16xf32>
      %parallel_loop3A_542 = arith.addf %parallel_loop3A_537, %parallel_loop3A_541 : vector<16xf32>
      %parallel_loop3A_543 = arith.index_cast %parallel_loop3A_15 : i32 to index
      %parallel_loop3A_544 = arith.constant 592 : index
      %parallel_loop3A_545 = tpu.vector_load %arg8[%parallel_loop3A_543, %parallel_loop3A_544] {strides = array<i32>} : memref<64x768xf32, #tpu.memory_space<vmem>>, vector<1x16xf32>,
      %parallel_loop3A_546 = vector.shape_cast %parallel_loop3A_545 : vector<1x16xf32> to vector<16xf32>
      %parallel_loop3A_547 = vector.shape_cast %parallel_loop3A_542 : vector<16xf32> to vector<1x16xf32>
      tpu.vector_store %arg8[%parallel_loop3A_543, %parallel_loop3A_544], %parallel_loop3A_547 {strides = array<i32>} : memref<64x768xf32, #tpu.memory_space<vmem>>, vector<1x16xf32>,
      %parallel_loop3A_548 = arith.index_cast %parallel_loop3A_15 : i32 to index
      %parallel_loop3A_549 = arith.constant 608 : index
      %parallel_loop3A_550 = tpu.vector_load %arg8[%parallel_loop3A_548, %parallel_loop3A_549] {strides = array<i32>} : memref<64x768xf32, #tpu.memory_space<vmem>>, vector<1x16xf32>,
      %parallel_loop3A_551 = vector.shape_cast %parallel_loop3A_550 : vector<1x16xf32> to vector<16xf32>
      %parallel_loop3A_552 = arith.index_cast %parallel_loop3A_15 : i32 to index
      %parallel_loop3A_553 = arith.constant 608 : index
      %parallel_loop3A_554 = tpu.vector_load %arg9[%parallel_loop3A_552, %parallel_loop3A_553] {strides = array<i32>} : memref<64x768xf32, #tpu.memory_space<vmem>>, vector<1x16xf32>,
      %parallel_loop3A_555 = vector.shape_cast %parallel_loop3A_554 : vector<1x16xf32> to vector<16xf32>
      %parallel_loop3A_556 = arith.addf %parallel_loop3A_551, %parallel_loop3A_555 : vector<16xf32>
      %parallel_loop3A_557 = arith.index_cast %parallel_loop3A_15 : i32 to index
      %parallel_loop3A_558 = arith.constant 608 : index
      %parallel_loop3A_559 = tpu.vector_load %arg8[%parallel_loop3A_557, %parallel_loop3A_558] {strides = array<i32>} : memref<64x768xf32, #tpu.memory_space<vmem>>, vector<1x16xf32>,
      %parallel_loop3A_560 = vector.shape_cast %parallel_loop3A_559 : vector<1x16xf32> to vector<16xf32>
      %parallel_loop3A_561 = vector.shape_cast %parallel_loop3A_556 : vector<16xf32> to vector<1x16xf32>
      tpu.vector_store %arg8[%parallel_loop3A_557, %parallel_loop3A_558], %parallel_loop3A_561 {strides = array<i32>} : memref<64x768xf32, #tpu.memory_space<vmem>>, vector<1x16xf32>,
      %parallel_loop3A_562 = arith.index_cast %parallel_loop3A_15 : i32 to index
      %parallel_loop3A_563 = arith.constant 624 : index
      %parallel_loop3A_564 = tpu.vector_load %arg8[%parallel_loop3A_562, %parallel_loop3A_563] {strides = array<i32>} : memref<64x768xf32, #tpu.memory_space<vmem>>, vector<1x16xf32>,
      %parallel_loop3A_565 = vector.shape_cast %parallel_loop3A_564 : vector<1x16xf32> to vector<16xf32>
      %parallel_loop3A_566 = arith.index_cast %parallel_loop3A_15 : i32 to index
      %parallel_loop3A_567 = arith.constant 624 : index
      %parallel_loop3A_568 = tpu.vector_load %arg9[%parallel_loop3A_566, %parallel_loop3A_567] {strides = array<i32>} : memref<64x768xf32, #tpu.memory_space<vmem>>, vector<1x16xf32>,
      %parallel_loop3A_569 = vector.shape_cast %parallel_loop3A_568 : vector<1x16xf32> to vector<16xf32>
      %parallel_loop3A_570 = arith.addf %parallel_loop3A_565, %parallel_loop3A_569 : vector<16xf32>
      %parallel_loop3A_571 = arith.index_cast %parallel_loop3A_15 : i32 to index
      %parallel_loop3A_572 = arith.constant 624 : index
      %parallel_loop3A_573 = tpu.vector_load %arg8[%parallel_loop3A_571, %parallel_loop3A_572] {strides = array<i32>} : memref<64x768xf32, #tpu.memory_space<vmem>>, vector<1x16xf32>,
      %parallel_loop3A_574 = vector.shape_cast %parallel_loop3A_573 : vector<1x16xf32> to vector<16xf32>
      %parallel_loop3A_575 = vector.shape_cast %parallel_loop3A_570 : vector<16xf32> to vector<1x16xf32>
      tpu.vector_store %arg8[%parallel_loop3A_571, %parallel_loop3A_572], %parallel_loop3A_575 {strides = array<i32>} : memref<64x768xf32, #tpu.memory_space<vmem>>, vector<1x16xf32>,
      %parallel_loop3A_576 = arith.index_cast %parallel_loop3A_15 : i32 to index
      %parallel_loop3A_577 = arith.constant 640 : index
      %parallel_loop3A_578 = tpu.vector_load %arg8[%parallel_loop3A_576, %parallel_loop3A_577] {strides = array<i32>} : memref<64x768xf32, #tpu.memory_space<vmem>>, vector<1x16xf32>,
      %parallel_loop3A_579 = vector.shape_cast %parallel_loop3A_578 : vector<1x16xf32> to vector<16xf32>
      %parallel_loop3A_580 = arith.index_cast %parallel_loop3A_15 : i32 to index
      %parallel_loop3A_581 = arith.constant 640 : index
      %parallel_loop3A_582 = tpu.vector_load %arg9[%parallel_loop3A_580, %parallel_loop3A_581] {strides = array<i32>} : memref<64x768xf32, #tpu.memory_space<vmem>>, vector<1x16xf32>,
      %parallel_loop3A_583 = vector.shape_cast %parallel_loop3A_582 : vector<1x16xf32> to vector<16xf32>
      %parallel_loop3A_584 = arith.addf %parallel_loop3A_579, %parallel_loop3A_583 : vector<16xf32>
      %parallel_loop3A_585 = arith.index_cast %parallel_loop3A_15 : i32 to index
      %parallel_loop3A_586 = arith.constant 640 : index
      %parallel_loop3A_587 = tpu.vector_load %arg8[%parallel_loop3A_585, %parallel_loop3A_586] {strides = array<i32>} : memref<64x768xf32, #tpu.memory_space<vmem>>, vector<1x16xf32>,
      %parallel_loop3A_588 = vector.shape_cast %parallel_loop3A_587 : vector<1x16xf32> to vector<16xf32>
      %parallel_loop3A_589 = vector.shape_cast %parallel_loop3A_584 : vector<16xf32> to vector<1x16xf32>
      tpu.vector_store %arg8[%parallel_loop3A_585, %parallel_loop3A_586], %parallel_loop3A_589 {strides = array<i32>} : memref<64x768xf32, #tpu.memory_space<vmem>>, vector<1x16xf32>,
      %parallel_loop3A_590 = arith.index_cast %parallel_loop3A_15 : i32 to index
      %parallel_loop3A_591 = arith.constant 656 : index
      %parallel_loop3A_592 = tpu.vector_load %arg8[%parallel_loop3A_590, %parallel_loop3A_591] {strides = array<i32>} : memref<64x768xf32, #tpu.memory_space<vmem>>, vector<1x16xf32>,
      %parallel_loop3A_593 = vector.shape_cast %parallel_loop3A_592 : vector<1x16xf32> to vector<16xf32>
      %parallel_loop3A_594 = arith.index_cast %parallel_loop3A_15 : i32 to index
      %parallel_loop3A_595 = arith.constant 656 : index
      %parallel_loop3A_596 = tpu.vector_load %arg9[%parallel_loop3A_594, %parallel_loop3A_595] {strides = array<i32>} : memref<64x768xf32, #tpu.memory_space<vmem>>, vector<1x16xf32>,
      %parallel_loop3A_597 = vector.shape_cast %parallel_loop3A_596 : vector<1x16xf32> to vector<16xf32>
      %parallel_loop3A_598 = arith.addf %parallel_loop3A_593, %parallel_loop3A_597 : vector<16xf32>
      %parallel_loop3A_599 = arith.index_cast %parallel_loop3A_15 : i32 to index
      %parallel_loop3A_600 = arith.constant 656 : index
      %parallel_loop3A_601 = tpu.vector_load %arg8[%parallel_loop3A_599, %parallel_loop3A_600] {strides = array<i32>} : memref<64x768xf32, #tpu.memory_space<vmem>>, vector<1x16xf32>,
      %parallel_loop3A_602 = vector.shape_cast %parallel_loop3A_601 : vector<1x16xf32> to vector<16xf32>
      %parallel_loop3A_603 = vector.shape_cast %parallel_loop3A_598 : vector<16xf32> to vector<1x16xf32>
      tpu.vector_store %arg8[%parallel_loop3A_599, %parallel_loop3A_600], %parallel_loop3A_603 {strides = array<i32>} : memref<64x768xf32, #tpu.memory_space<vmem>>, vector<1x16xf32>,
      %parallel_loop3A_604 = arith.index_cast %parallel_loop3A_15 : i32 to index
      %parallel_loop3A_605 = arith.constant 672 : index
      %parallel_loop3A_606 = tpu.vector_load %arg8[%parallel_loop3A_604, %parallel_loop3A_605] {strides = array<i32>} : memref<64x768xf32, #tpu.memory_space<vmem>>, vector<1x16xf32>,
      %parallel_loop3A_607 = vector.shape_cast %parallel_loop3A_606 : vector<1x16xf32> to vector<16xf32>
      %parallel_loop3A_608 = arith.index_cast %parallel_loop3A_15 : i32 to index
      %parallel_loop3A_609 = arith.constant 672 : index
      %parallel_loop3A_610 = tpu.vector_load %arg9[%parallel_loop3A_608, %parallel_loop3A_609] {strides = array<i32>} : memref<64x768xf32, #tpu.memory_space<vmem>>, vector<1x16xf32>,
      %parallel_loop3A_611 = vector.shape_cast %parallel_loop3A_610 : vector<1x16xf32> to vector<16xf32>
      %parallel_loop3A_612 = arith.addf %parallel_loop3A_607, %parallel_loop3A_611 : vector<16xf32>
      %parallel_loop3A_613 = arith.index_cast %parallel_loop3A_15 : i32 to index
      %parallel_loop3A_614 = arith.constant 672 : index
      %parallel_loop3A_615 = tpu.vector_load %arg8[%parallel_loop3A_613, %parallel_loop3A_614] {strides = array<i32>} : memref<64x768xf32, #tpu.memory_space<vmem>>, vector<1x16xf32>,
      %parallel_loop3A_616 = vector.shape_cast %parallel_loop3A_615 : vector<1x16xf32> to vector<16xf32>
      %parallel_loop3A_617 = vector.shape_cast %parallel_loop3A_612 : vector<16xf32> to vector<1x16xf32>
      tpu.vector_store %arg8[%parallel_loop3A_613, %parallel_loop3A_614], %parallel_loop3A_617 {strides = array<i32>} : memref<64x768xf32, #tpu.memory_space<vmem>>, vector<1x16xf32>,
      %parallel_loop3A_618 = arith.index_cast %parallel_loop3A_15 : i32 to index
      %parallel_loop3A_619 = arith.constant 688 : index
      %parallel_loop3A_620 = tpu.vector_load %arg8[%parallel_loop3A_618, %parallel_loop3A_619] {strides = array<i32>} : memref<64x768xf32, #tpu.memory_space<vmem>>, vector<1x16xf32>,
      %parallel_loop3A_621 = vector.shape_cast %parallel_loop3A_620 : vector<1x16xf32> to vector<16xf32>
      %parallel_loop3A_622 = arith.index_cast %parallel_loop3A_15 : i32 to index
      %parallel_loop3A_623 = arith.constant 688 : index
      %parallel_loop3A_624 = tpu.vector_load %arg9[%parallel_loop3A_622, %parallel_loop3A_623] {strides = array<i32>} : memref<64x768xf32, #tpu.memory_space<vmem>>, vector<1x16xf32>,
      %parallel_loop3A_625 = vector.shape_cast %parallel_loop3A_624 : vector<1x16xf32> to vector<16xf32>
      %parallel_loop3A_626 = arith.addf %parallel_loop3A_621, %parallel_loop3A_625 : vector<16xf32>
      %parallel_loop3A_627 = arith.index_cast %parallel_loop3A_15 : i32 to index
      %parallel_loop3A_628 = arith.constant 688 : index
      %parallel_loop3A_629 = tpu.vector_load %arg8[%parallel_loop3A_627, %parallel_loop3A_628] {strides = array<i32>} : memref<64x768xf32, #tpu.memory_space<vmem>>, vector<1x16xf32>,
      %parallel_loop3A_630 = vector.shape_cast %parallel_loop3A_629 : vector<1x16xf32> to vector<16xf32>
      %parallel_loop3A_631 = vector.shape_cast %parallel_loop3A_626 : vector<16xf32> to vector<1x16xf32>
      tpu.vector_store %arg8[%parallel_loop3A_627, %parallel_loop3A_628], %parallel_loop3A_631 {strides = array<i32>} : memref<64x768xf32, #tpu.memory_space<vmem>>, vector<1x16xf32>,
      %parallel_loop3A_632 = arith.index_cast %parallel_loop3A_15 : i32 to index
      %parallel_loop3A_633 = arith.constant 704 : index
      %parallel_loop3A_634 = tpu.vector_load %arg8[%parallel_loop3A_632, %parallel_loop3A_633] {strides = array<i32>} : memref<64x768xf32, #tpu.memory_space<vmem>>, vector<1x16xf32>,
      %parallel_loop3A_635 = vector.shape_cast %parallel_loop3A_634 : vector<1x16xf32> to vector<16xf32>
      %parallel_loop3A_636 = arith.index_cast %parallel_loop3A_15 : i32 to index
      %parallel_loop3A_637 = arith.constant 704 : index
      %parallel_loop3A_638 = tpu.vector_load %arg9[%parallel_loop3A_636, %parallel_loop3A_637] {strides = array<i32>} : memref<64x768xf32, #tpu.memory_space<vmem>>, vector<1x16xf32>,
      %parallel_loop3A_639 = vector.shape_cast %parallel_loop3A_638 : vector<1x16xf32> to vector<16xf32>
      %parallel_loop3A_640 = arith.addf %parallel_loop3A_635, %parallel_loop3A_639 : vector<16xf32>
      %parallel_loop3A_641 = arith.index_cast %parallel_loop3A_15 : i32 to index
      %parallel_loop3A_642 = arith.constant 704 : index
      %parallel_loop3A_643 = tpu.vector_load %arg8[%parallel_loop3A_641, %parallel_loop3A_642] {strides = array<i32>} : memref<64x768xf32, #tpu.memory_space<vmem>>, vector<1x16xf32>,
      %parallel_loop3A_644 = vector.shape_cast %parallel_loop3A_643 : vector<1x16xf32> to vector<16xf32>
      %parallel_loop3A_645 = vector.shape_cast %parallel_loop3A_640 : vector<16xf32> to vector<1x16xf32>
      tpu.vector_store %arg8[%parallel_loop3A_641, %parallel_loop3A_642], %parallel_loop3A_645 {strides = array<i32>} : memref<64x768xf32, #tpu.memory_space<vmem>>, vector<1x16xf32>,
      %parallel_loop3A_646 = arith.index_cast %parallel_loop3A_15 : i32 to index
      %parallel_loop3A_647 = arith.constant 720 : index
      %parallel_loop3A_648 = tpu.vector_load %arg8[%parallel_loop3A_646, %parallel_loop3A_647] {strides = array<i32>} : memref<64x768xf32, #tpu.memory_space<vmem>>, vector<1x16xf32>,
      %parallel_loop3A_649 = vector.shape_cast %parallel_loop3A_648 : vector<1x16xf32> to vector<16xf32>
      %parallel_loop3A_650 = arith.index_cast %parallel_loop3A_15 : i32 to index
      %parallel_loop3A_651 = arith.constant 720 : index
      %parallel_loop3A_652 = tpu.vector_load %arg9[%parallel_loop3A_650, %parallel_loop3A_651] {strides = array<i32>} : memref<64x768xf32, #tpu.memory_space<vmem>>, vector<1x16xf32>,
      %parallel_loop3A_653 = vector.shape_cast %parallel_loop3A_652 : vector<1x16xf32> to vector<16xf32>
      %parallel_loop3A_654 = arith.addf %parallel_loop3A_649, %parallel_loop3A_653 : vector<16xf32>
      %parallel_loop3A_655 = arith.index_cast %parallel_loop3A_15 : i32 to index
      %parallel_loop3A_656 = arith.constant 720 : index
      %parallel_loop3A_657 = tpu.vector_load %arg8[%parallel_loop3A_655, %parallel_loop3A_656] {strides = array<i32>} : memref<64x768xf32, #tpu.memory_space<vmem>>, vector<1x16xf32>,
      %parallel_loop3A_658 = vector.shape_cast %parallel_loop3A_657 : vector<1x16xf32> to vector<16xf32>
      %parallel_loop3A_659 = vector.shape_cast %parallel_loop3A_654 : vector<16xf32> to vector<1x16xf32>
      tpu.vector_store %arg8[%parallel_loop3A_655, %parallel_loop3A_656], %parallel_loop3A_659 {strides = array<i32>} : memref<64x768xf32, #tpu.memory_space<vmem>>, vector<1x16xf32>,
      %parallel_loop3A_660 = arith.index_cast %parallel_loop3A_15 : i32 to index
      %parallel_loop3A_661 = arith.constant 736 : index
      %parallel_loop3A_662 = tpu.vector_load %arg8[%parallel_loop3A_660, %parallel_loop3A_661] {strides = array<i32>} : memref<64x768xf32, #tpu.memory_space<vmem>>, vector<1x16xf32>,
      %parallel_loop3A_663 = vector.shape_cast %parallel_loop3A_662 : vector<1x16xf32> to vector<16xf32>
      %parallel_loop3A_664 = arith.index_cast %parallel_loop3A_15 : i32 to index
      %parallel_loop3A_665 = arith.constant 736 : index
      %parallel_loop3A_666 = tpu.vector_load %arg9[%parallel_loop3A_664, %parallel_loop3A_665] {strides = array<i32>} : memref<64x768xf32, #tpu.memory_space<vmem>>, vector<1x16xf32>,
      %parallel_loop3A_667 = vector.shape_cast %parallel_loop3A_666 : vector<1x16xf32> to vector<16xf32>
      %parallel_loop3A_668 = arith.addf %parallel_loop3A_663, %parallel_loop3A_667 : vector<16xf32>
      %parallel_loop3A_669 = arith.index_cast %parallel_loop3A_15 : i32 to index
      %parallel_loop3A_670 = arith.constant 736 : index
      %parallel_loop3A_671 = tpu.vector_load %arg8[%parallel_loop3A_669, %parallel_loop3A_670] {strides = array<i32>} : memref<64x768xf32, #tpu.memory_space<vmem>>, vector<1x16xf32>,
      %parallel_loop3A_672 = vector.shape_cast %parallel_loop3A_671 : vector<1x16xf32> to vector<16xf32>
      %parallel_loop3A_673 = vector.shape_cast %parallel_loop3A_668 : vector<16xf32> to vector<1x16xf32>
      tpu.vector_store %arg8[%parallel_loop3A_669, %parallel_loop3A_670], %parallel_loop3A_673 {strides = array<i32>} : memref<64x768xf32, #tpu.memory_space<vmem>>, vector<1x16xf32>,
      %parallel_loop3A_674 = arith.index_cast %parallel_loop3A_15 : i32 to index
      %parallel_loop3A_675 = arith.constant 752 : index
      %parallel_loop3A_676 = tpu.vector_load %arg8[%parallel_loop3A_674, %parallel_loop3A_675] {strides = array<i32>} : memref<64x768xf32, #tpu.memory_space<vmem>>, vector<1x16xf32>,
      %parallel_loop3A_677 = vector.shape_cast %parallel_loop3A_676 : vector<1x16xf32> to vector<16xf32>
      %parallel_loop3A_678 = arith.index_cast %parallel_loop3A_15 : i32 to index
      %parallel_loop3A_679 = arith.constant 752 : index
      %parallel_loop3A_680 = tpu.vector_load %arg9[%parallel_loop3A_678, %parallel_loop3A_679] {strides = array<i32>} : memref<64x768xf32, #tpu.memory_space<vmem>>, vector<1x16xf32>,
      %parallel_loop3A_681 = vector.shape_cast %parallel_loop3A_680 : vector<1x16xf32> to vector<16xf32>
      %parallel_loop3A_682 = arith.addf %parallel_loop3A_677, %parallel_loop3A_681 : vector<16xf32>
      %parallel_loop3A_683 = arith.index_cast %parallel_loop3A_15 : i32 to index
      %parallel_loop3A_684 = arith.constant 752 : index
      %parallel_loop3A_685 = tpu.vector_load %arg8[%parallel_loop3A_683, %parallel_loop3A_684] {strides = array<i32>} : memref<64x768xf32, #tpu.memory_space<vmem>>, vector<1x16xf32>,
      %parallel_loop3A_686 = vector.shape_cast %parallel_loop3A_685 : vector<1x16xf32> to vector<16xf32>
      %parallel_loop3A_687 = vector.shape_cast %parallel_loop3A_682 : vector<16xf32> to vector<1x16xf32>
      tpu.vector_store %arg8[%parallel_loop3A_683, %parallel_loop3A_684], %parallel_loop3A_687 {strides = array<i32>} : memref<64x768xf32, #tpu.memory_space<vmem>>, vector<1x16xf32>,
    } {sc.loop_unroll_factor = 2 : i64, sc.parallel_access}
    "tpu.region"() ({
      %run_scoped3A = tpu.sem_alloc : memref<!tpu.dma_semaphore, #tpu.memory_space<semaphore_mem>>
      %dma_start3A_15 = arith.constant 0 : i32
      %dma_start3A_16 = tpu.memref_slice %arg5[%mul3A_2, %dma_start3A_15] : memref<2048x768xf32, #tpu.memory_space<hbm>> -> memref<64x768xf32, #tpu.memory_space<hbm>>
      %dma_start3A_17 = arith.constant 0 : i32
      %dma_start3A_18 = tpu.memref_slice %arg5[%mul3A_2, %dma_start3A_17] : memref<2048x768xf32, #tpu.memory_space<hbm>> -> memref<64x768xf32, #tpu.memory_space<hbm>>
      tpu.enqueue_dma source(%arg8 : memref<64x768xf32, #tpu.memory_space<vmem>>) target(%dma_start3A_18 : memref<64x768xf32, #tpu.memory_space<hbm>>) target_semaphore(%run_scoped3A : memref<!tpu.dma_semaphore, #tpu.memory_space<semaphore_mem>>)
      %dma_wait3A_19 = arith.constant 0 : i32
      %dma_wait3A_20 = tpu.memref_slice %arg5[%mul3A_2, %dma_wait3A_19] : memref<2048x768xf32, #tpu.memory_space<hbm>> -> memref<64x768xf32, #tpu.memory_space<hbm>>
      %dma_wait3A_21 = arith.constant 0 : i32
      %dma_wait3A_22 = tpu.memref_slice %arg5[%mul3A_2, %dma_wait3A_21] : memref<2048x768xf32, #tpu.memory_space<hbm>> -> memref<64x768xf32, #tpu.memory_space<hbm>>
      tpu.wait_dma2 semaphore(%run_scoped3A : memref<!tpu.dma_semaphore, #tpu.memory_space<semaphore_mem>>) src(%arg8 : memref<64x768xf32, #tpu.memory_space<vmem>>) dst(%dma_wait3A_22 : memref<64x768xf32, #tpu.memory_space<hbm>>)
      tpu.yield
    }) : () -> ()
    return
  }
}

module attributes {stable_mosaic.version = 14 : i64} {
  func.func @_router_body(%arg0: i32, %arg1: memref<512x768xf32, #tpu.memory_space<vmem>>, %arg2: memref<768x128xf32, #tpu.memory_space<vmem>>, %arg3: memref<512x128xi32, #tpu.memory_space<vmem>>, %arg4: memref<512x128xf32, #tpu.memory_space<vmem>>) attributes {dimension_semantics = [#tpu.dimension_semantics<arbitrary>], iteration_bounds = array<i64: 4>, scalar_prefetch = 0 : i64, scratch_operands = 0 : i64, tpu.core_type = #tpu.core_type<tc>, window_params = [{transform_indices = @transform_0, window_bounds = array<i64: 512, 768>}, {pipeline_mode = #tpu.pipeline_mode<synchronous>, transform_indices = @transform_1, window_bounds = array<i64: 768, 128>}, {transform_indices = @transform_2, window_bounds = array<i64: 512, 128>}, {transform_indices = @transform_3, window_bounds = array<i64: 512, 128>}]} {
    %get3A = arith.constant 0 : index
    %get3A_0 = arith.constant 0 : index
    %get3A_1 = vector.load %arg1[%get3A, %get3A_0] : memref<512x768xf32, #tpu.memory_space<vmem>>, vector<512x768xf32>
    %get3A_2 = arith.constant 0 : index
    %get3A_3 = arith.constant 0 : index
    %get3A_4 = vector.load %arg2[%get3A_2, %get3A_3] : memref<768x128xf32, #tpu.memory_space<vmem>>, vector<768x128xf32>
    %dot_general3A = arith.constant dense<0.000000e+00> : vector<512x128xf32>
    %dot_general3A_5 = tpu.matmul %get3A_1, %get3A_4, %dot_general3A {dimension_numbers = #tpu.dot_dimension_numbers<[1], [0], [0], [1], [0, 0, 1, 1], [], []>, transpose_lhs_hint = false} : vector<512x768xf32>, vector<768x128xf32>, vector<512x128xf32> -> vector<512x128xf32>
    %iota3A = tpu.iota {dimensions = array<i32: 1>} : vector<512x128xi32>
    %lt3A = arith.constant 8 : i32
    %lt3A_6 = vector.broadcast %lt3A : i32 to vector<512x128xi32>
    %lt3A_7 = arith.cmpi slt, %iota3A, %lt3A_6 : vector<512x128xi32>
    %jit3A = arith.constant -1.000000e+30 : f32
    %broadcast_in_dim3A = vector.broadcast %jit3A : f32 to vector<512x128xf32>
    %select_n3A = arith.select %lt3A_7, %dot_general3A_5, %broadcast_in_dim3A : vector<512x128xi1>, vector<512x128xf32>
    %reduce_max3A = arith.constant dense<0xFF800000> : vector<512xf32>
    %reduce_max3A_8 = vector.multi_reduction <maximumf>, %select_n3A, %reduce_max3A [1] : vector<512x128xf32> to vector<512xf32>
    %broadcast_in_dim3A_9 = vector.shape_cast %reduce_max3A_8 : vector<512xf32> to vector<512x1xf32>
    %sub3A = vector.broadcast %broadcast_in_dim3A_9 : vector<512x1xf32> to vector<512x128xf32>
    %sub3A_10 = arith.subf %select_n3A, %sub3A : vector<512x128xf32>
    %exp3A = math.exp %sub3A_10 : vector<512x128xf32>
    %jit3A_11 = arith.constant 0.000000e+00 : f32
    %broadcast_in_dim3A_12 = vector.broadcast %jit3A_11 : f32 to vector<512x128xf32>
    %select_n3A_13 = arith.select %lt3A_7, %exp3A, %broadcast_in_dim3A_12 : vector<512x128xi1>, vector<512x128xf32>
    %reduce_sum3A = arith.constant dense<0.000000e+00> : vector<512xf32>
    %reduce_sum3A_14 = vector.multi_reduction <add>, %select_n3A_13, %reduce_sum3A [1] : vector<512x128xf32> to vector<512xf32>
    %broadcast_in_dim3A_15 = vector.shape_cast %reduce_sum3A_14 : vector<512xf32> to vector<512x1xf32>
    %div3A = vector.broadcast %broadcast_in_dim3A_15 : vector<512x1xf32> to vector<512x128xf32>
    %div3A_16 = arith.divf %select_n3A_13, %div3A : vector<512x128xf32>
    %reduce_max3A_17 = arith.constant dense<0xFF800000> : vector<512xf32>
    %reduce_max3A_18 = vector.multi_reduction <maximumf>, %div3A_16, %reduce_max3A_17 [1] : vector<512x128xf32> to vector<512xf32>
    %broadcast_in_dim3A_19 = vector.shape_cast %reduce_max3A_18 : vector<512xf32> to vector<512x1xf32>
    %eq3A = vector.broadcast %broadcast_in_dim3A_19 : vector<512x1xf32> to vector<512x128xf32>
    %eq3A_20 = arith.cmpf oeq, %div3A_16, %eq3A : vector<512x128xf32>
    %and3A = arith.andi %eq3A_20, %lt3A_7 : vector<512x128xi1>
    %jit3A_21 = arith.constant 128 : i32
    %broadcast_in_dim3A_22 = vector.broadcast %jit3A_21 : i32 to vector<512x128xi32>
    %select_n3A_23 = arith.select %and3A, %iota3A, %broadcast_in_dim3A_22 : vector<512x128xi1>, vector<512x128xi32>
    %reduce_min3A = arith.constant dense<2147483647> : vector<512xi32>
    %reduce_min3A_24 = vector.multi_reduction <minsi>, %select_n3A_23, %reduce_min3A [1] : vector<512x128xi32> to vector<512xi32>
    %broadcast_in_dim3A_25 = vector.shape_cast %reduce_min3A_24 : vector<512xi32> to vector<512x1xi32>
    %eq3A_26 = vector.broadcast %broadcast_in_dim3A_25 : vector<512x1xi32> to vector<512x128xi32>
    %eq3A_27 = arith.cmpi eq, %iota3A, %eq3A_26 : vector<512x128xi32>
    %jit3A_28 = arith.constant -1.000000e+00 : f32
    %broadcast_in_dim3A_29 = vector.broadcast %jit3A_28 : f32 to vector<512x128xf32>
    %select_n3A_30 = arith.select %eq3A_27, %broadcast_in_dim3A_29, %div3A_16 : vector<512x128xi1>, vector<512x128xf32>
    %reduce_max3A_31 = arith.constant dense<0xFF800000> : vector<512xf32>
    %reduce_max3A_32 = vector.multi_reduction <maximumf>, %select_n3A_30, %reduce_max3A_31 [1] : vector<512x128xf32> to vector<512xf32>
    %broadcast_in_dim3A_33 = vector.shape_cast %reduce_max3A_32 : vector<512xf32> to vector<512x1xf32>
    %eq3A_34 = vector.broadcast %broadcast_in_dim3A_33 : vector<512x1xf32> to vector<512x128xf32>
    %eq3A_35 = arith.cmpf oeq, %select_n3A_30, %eq3A_34 : vector<512x128xf32>
    %and3A_36 = arith.andi %eq3A_35, %lt3A_7 : vector<512x128xi1>
    %jit3A_37 = arith.constant 128 : i32
    %broadcast_in_dim3A_38 = vector.broadcast %jit3A_37 : i32 to vector<512x128xi32>
    %select_n3A_39 = arith.select %and3A_36, %iota3A, %broadcast_in_dim3A_38 : vector<512x128xi1>, vector<512x128xi32>
    %reduce_min3A_40 = arith.constant dense<2147483647> : vector<512xi32>
    %reduce_min3A_41 = vector.multi_reduction <minsi>, %select_n3A_39, %reduce_min3A_40 [1] : vector<512x128xi32> to vector<512xi32>
    %broadcast_in_dim3A_42 = vector.shape_cast %reduce_min3A_41 : vector<512xi32> to vector<512x1xi32>
    %add3A = arith.addf %broadcast_in_dim3A_19, %broadcast_in_dim3A_33 : vector<512x1xf32>
    %eq3A_43 = arith.constant 0 : i32
    %eq3A_44 = vector.broadcast %eq3A_43 : i32 to vector<512x128xi32>
    %eq3A_45 = arith.cmpi eq, %iota3A, %eq3A_44 : vector<512x128xi32>
    %eq3A_46 = arith.constant 1 : i32
    %eq3A_47 = vector.broadcast %eq3A_46 : i32 to vector<512x128xi32>
    %eq3A_48 = arith.cmpi eq, %iota3A, %eq3A_47 : vector<512x128xi32>
    %jit3A_49 = arith.constant 0 : i32
    %broadcast_in_dim3A_50 = vector.shape_cast %broadcast_in_dim3A_42 : vector<512x1xi32> to vector<512x1xi32>
    %broadcast_in_dim3A_51 = vector.broadcast %broadcast_in_dim3A_50 : vector<512x1xi32> to vector<512x128xi32>
    %broadcast_in_dim3A_52 = vector.broadcast %jit3A_49 : i32 to vector<512x128xi32>
    %select_n3A_53 = arith.select %eq3A_48, %broadcast_in_dim3A_51, %broadcast_in_dim3A_52 : vector<512x128xi1>, vector<512x128xi32>
    %broadcast_in_dim3A_54 = vector.shape_cast %broadcast_in_dim3A_25 : vector<512x1xi32> to vector<512x1xi32>
    %broadcast_in_dim3A_55 = vector.broadcast %broadcast_in_dim3A_54 : vector<512x1xi32> to vector<512x128xi32>
    %select_n3A_56 = arith.select %eq3A_45, %broadcast_in_dim3A_55, %select_n3A_53 : vector<512x128xi1>, vector<512x128xi32>
    %swap3A = arith.constant 0 : index
    %swap3A_57 = arith.constant 0 : index
    %swap3A_58 = vector.load %arg3[%swap3A, %swap3A_57] : memref<512x128xi32, #tpu.memory_space<vmem>>, vector<512x128xi32>
    tpu.vector_store %arg3[%swap3A, %swap3A_57], %select_n3A_56 {strides = array<i32>} : memref<512x128xi32, #tpu.memory_space<vmem>>, vector<512x128xi32>,
    %eq3A_59 = arith.constant 0 : i32
    %eq3A_60 = vector.broadcast %eq3A_59 : i32 to vector<512x128xi32>
    %eq3A_61 = arith.cmpi eq, %iota3A, %eq3A_60 : vector<512x128xi32>
    %div3A_62 = arith.divf %broadcast_in_dim3A_19, %add3A : vector<512x1xf32>
    %eq3A_63 = arith.constant 1 : i32
    %eq3A_64 = vector.broadcast %eq3A_63 : i32 to vector<512x128xi32>
    %eq3A_65 = arith.cmpi eq, %iota3A, %eq3A_64 : vector<512x128xi32>
    %div3A_66 = arith.divf %broadcast_in_dim3A_33, %add3A : vector<512x1xf32>
    %jit3A_67 = arith.constant 0.000000e+00 : f32
    %broadcast_in_dim3A_68 = vector.shape_cast %div3A_66 : vector<512x1xf32> to vector<512x1xf32>
    %broadcast_in_dim3A_69 = vector.broadcast %broadcast_in_dim3A_68 : vector<512x1xf32> to vector<512x128xf32>
    %broadcast_in_dim3A_70 = vector.broadcast %jit3A_67 : f32 to vector<512x128xf32>
    %select_n3A_71 = arith.select %eq3A_65, %broadcast_in_dim3A_69, %broadcast_in_dim3A_70 : vector<512x128xi1>, vector<512x128xf32>
    %broadcast_in_dim3A_72 = vector.shape_cast %div3A_62 : vector<512x1xf32> to vector<512x1xf32>
    %broadcast_in_dim3A_73 = vector.broadcast %broadcast_in_dim3A_72 : vector<512x1xf32> to vector<512x128xf32>
    %select_n3A_74 = arith.select %eq3A_61, %broadcast_in_dim3A_73, %select_n3A_71 : vector<512x128xi1>, vector<512x128xf32>
    %swap3A_75 = arith.constant 0 : index
    %swap3A_76 = arith.constant 0 : index
    %swap3A_77 = vector.load %arg4[%swap3A_75, %swap3A_76] : memref<512x128xf32, #tpu.memory_space<vmem>>, vector<512x128xf32>
    tpu.vector_store %arg4[%swap3A_75, %swap3A_76], %select_n3A_74 {strides = array<i32>} : memref<512x128xf32, #tpu.memory_space<vmem>>, vector<512x128xf32>,
    return
  }
  func.func @transform_0(%arg0: i32) -> (i32, i32) {
    %c0_i32 = arith.constant 0 : i32
    %c0_i32_0 = arith.constant 0 : i32
    return %arg0, %c0_i32 : i32, i32
  }
  func.func @transform_1(%arg0: i32) -> (i32, i32) {
    %c0_i32 = arith.constant 0 : i32
    %c0_i32_0 = arith.constant 0 : i32
    %c0_i32_1 = arith.constant 0 : i32
    return %c0_i32, %c0_i32_0 : i32, i32
  }
  func.func @transform_2(%arg0: i32) -> (i32, i32) {
    %c0_i32 = arith.constant 0 : i32
    %c0_i32_0 = arith.constant 0 : i32
    return %arg0, %c0_i32 : i32, i32
  }
  func.func @transform_3(%arg0: i32) -> (i32, i32) {
    %c0_i32 = arith.constant 0 : i32
    %c0_i32_0 = arith.constant 0 : i32
    return %arg0, %c0_i32 : i32, i32
  }
}

module attributes {stable_mosaic.version = 14 : i64} {
  func.func @_ffn_body(%arg0: i32, %arg1: memref<40xi32, #tpu.memory_space<smem>>, %arg2: memref<128x768xf32, #tpu.memory_space<vmem>>, %arg3: memref<128x1xf32, #tpu.memory_space<vmem>>, %arg4: memref<1x768x1536xf32, #tpu.memory_space<vmem>>, %arg5: memref<1x768x1536xf32, #tpu.memory_space<vmem>>, %arg6: memref<1x1536x768xf32, #tpu.memory_space<vmem>>, %arg7: memref<1x16x768xf32, #tpu.memory_space<vmem>>, %arg8: memref<1x1536x16xf32, #tpu.memory_space<vmem>>, %arg9: memref<1x16x768xf32, #tpu.memory_space<vmem>>, %arg10: memref<1x1536x16xf32, #tpu.memory_space<vmem>>, %arg11: memref<1x16x1536xf32, #tpu.memory_space<vmem>>, %arg12: memref<1x768x16xf32, #tpu.memory_space<vmem>>, %arg13: memref<128x768xf32, #tpu.memory_space<vmem>>) attributes {dimension_semantics = [#tpu.dimension_semantics<arbitrary>], iteration_bounds = array<i64: 40>, scalar_prefetch = 1 : i64, scratch_operands = 0 : i64, tpu.core_type = #tpu.core_type<tc>, window_params = [{transform_indices = @transform_0, window_bounds = array<i64: 128, 768>}, {transform_indices = @transform_1, window_bounds = array<i64: 128, 1>}, {transform_indices = @transform_2, window_bounds = array<i64: 1, 768, 1536>}, {transform_indices = @transform_3, window_bounds = array<i64: 1, 768, 1536>}, {transform_indices = @transform_4, window_bounds = array<i64: 1, 1536, 768>}, {transform_indices = @transform_5, window_bounds = array<i64: 1, 16, 768>}, {transform_indices = @transform_6, window_bounds = array<i64: 1, 1536, 16>}, {transform_indices = @transform_7, window_bounds = array<i64: 1, 16, 768>}, {transform_indices = @transform_8, window_bounds = array<i64: 1, 1536, 16>}, {transform_indices = @transform_9, window_bounds = array<i64: 1, 16, 1536>}, {transform_indices = @transform_10, window_bounds = array<i64: 1, 768, 16>}, {transform_indices = @transform_11, window_bounds = array<i64: 128, 768>}]} {
    %get3A = arith.constant 0 : index
    %get3A_0 = arith.constant 0 : index
    %get3A_1 = vector.load %arg2[%get3A, %get3A_0] : memref<128x768xf32, #tpu.memory_space<vmem>>, vector<128x768xf32>
    %get3A_2 = arith.constant 0 : index
    %get3A_3 = arith.constant 0 : index
    %get3A_4 = arith.constant 0 : index
    %get3A_5 = vector.load %arg4[%get3A_2, %get3A_3, %get3A_4] : memref<1x768x1536xf32, #tpu.memory_space<vmem>>, vector<1x768x1536xf32>
    %get3A_6 = vector.shape_cast %get3A_5 : vector<1x768x1536xf32> to vector<768x1536xf32>
    %dot_general3A = arith.constant dense<0.000000e+00> : vector<128x1536xf32>
    %dot_general3A_7 = tpu.matmul %get3A_1, %get3A_6, %dot_general3A {dimension_numbers = #tpu.dot_dimension_numbers<[1], [0], [0], [1], [0, 0, 1, 1], [], []>, transpose_lhs_hint = false} : vector<128x768xf32>, vector<768x1536xf32>, vector<128x1536xf32> -> vector<128x1536xf32>
    %get3A_8 = arith.constant 0 : index
    %get3A_9 = arith.constant 0 : index
    %get3A_10 = arith.constant 0 : index
    %get3A_11 = vector.load %arg7[%get3A_8, %get3A_9, %get3A_10] : memref<1x16x768xf32, #tpu.memory_space<vmem>>, vector<1x16x768xf32>
    %get3A_12 = vector.shape_cast %get3A_11 : vector<1x16x768xf32> to vector<16x768xf32>
    %dot_general3A_13 = arith.constant dense<0.000000e+00> : vector<128x16xf32>
    %dot_general3A_14 = tpu.matmul %get3A_1, %get3A_12, %dot_general3A_13 {dimension_numbers = #tpu.dot_dimension_numbers<[1], [1], [0], [0], [0, 0, 1, 0], [], []>, transpose_lhs_hint = false} : vector<128x768xf32>, vector<16x768xf32>, vector<128x16xf32> -> vector<128x16xf32>
    %get3A_15 = arith.constant 0 : index
    %get3A_16 = arith.constant 0 : index
    %get3A_17 = arith.constant 0 : index
    %get3A_18 = vector.load %arg8[%get3A_15, %get3A_16, %get3A_17] : memref<1x1536x16xf32, #tpu.memory_space<vmem>>, vector<1x1536x16xf32>
    %get3A_19 = vector.shape_cast %get3A_18 : vector<1x1536x16xf32> to vector<1536x16xf32>
    %dot_general3A_20 = arith.constant dense<0.000000e+00> : vector<128x1536xf32>
    %dot_general3A_21 = tpu.matmul %dot_general3A_14, %get3A_19, %dot_general3A_20 {dimension_numbers = #tpu.dot_dimension_numbers<[1], [1], [0], [0], [0, 0, 1, 0], [], []>, transpose_lhs_hint = false} : vector<128x16xf32>, vector<1536x16xf32>, vector<128x1536xf32> -> vector<128x1536xf32>
    %add3A = arith.addf %dot_general3A_7, %dot_general3A_21 : vector<128x1536xf32>
    %get3A_22 = arith.constant 0 : index
    %get3A_23 = arith.constant 0 : index
    %get3A_24 = arith.constant 0 : index
    %get3A_25 = vector.load %arg5[%get3A_22, %get3A_23, %get3A_24] : memref<1x768x1536xf32, #tpu.memory_space<vmem>>, vector<1x768x1536xf32>
    %get3A_26 = vector.shape_cast %get3A_25 : vector<1x768x1536xf32> to vector<768x1536xf32>
    %dot_general3A_27 = arith.constant dense<0.000000e+00> : vector<128x1536xf32>
    %dot_general3A_28 = tpu.matmul %get3A_1, %get3A_26, %dot_general3A_27 {dimension_numbers = #tpu.dot_dimension_numbers<[1], [0], [0], [1], [0, 0, 1, 1], [], []>, transpose_lhs_hint = false} : vector<128x768xf32>, vector<768x1536xf32>, vector<128x1536xf32> -> vector<128x1536xf32>
    %get3A_29 = arith.constant 0 : index
    %get3A_30 = arith.constant 0 : index
    %get3A_31 = arith.constant 0 : index
    %get3A_32 = vector.load %arg9[%get3A_29, %get3A_30, %get3A_31] : memref<1x16x768xf32, #tpu.memory_space<vmem>>, vector<1x16x768xf32>
    %get3A_33 = vector.shape_cast %get3A_32 : vector<1x16x768xf32> to vector<16x768xf32>
    %dot_general3A_34 = arith.constant dense<0.000000e+00> : vector<128x16xf32>
    %dot_general3A_35 = tpu.matmul %get3A_1, %get3A_33, %dot_general3A_34 {dimension_numbers = #tpu.dot_dimension_numbers<[1], [1], [0], [0], [0, 0, 1, 0], [], []>, transpose_lhs_hint = false} : vector<128x768xf32>, vector<16x768xf32>, vector<128x16xf32> -> vector<128x16xf32>
    %get3A_36 = arith.constant 0 : index
    %get3A_37 = arith.constant 0 : index
    %get3A_38 = arith.constant 0 : index
    %get3A_39 = vector.load %arg10[%get3A_36, %get3A_37, %get3A_38] : memref<1x1536x16xf32, #tpu.memory_space<vmem>>, vector<1x1536x16xf32>
    %get3A_40 = vector.shape_cast %get3A_39 : vector<1x1536x16xf32> to vector<1536x16xf32>
    %dot_general3A_41 = arith.constant dense<0.000000e+00> : vector<128x1536xf32>
    %dot_general3A_42 = tpu.matmul %dot_general3A_35, %get3A_40, %dot_general3A_41 {dimension_numbers = #tpu.dot_dimension_numbers<[1], [1], [0], [0], [0, 0, 1, 0], [], []>, transpose_lhs_hint = false} : vector<128x16xf32>, vector<1536x16xf32>, vector<128x1536xf32> -> vector<128x1536xf32>
    %add3A_43 = arith.addf %dot_general3A_28, %dot_general3A_42 : vector<128x1536xf32>
    %logistic3A = arith.negf %add3A : vector<128x1536xf32>
    %logistic3A_44 = math.exp %logistic3A : vector<128x1536xf32>
    %logistic3A_45 = arith.constant 1.000000e+00 : f32
    %logistic3A_46 = vector.broadcast %logistic3A_45 : f32 to vector<128x1536xf32>
    %logistic3A_47 = arith.addf %logistic3A_46, %logistic3A_44 : vector<128x1536xf32>
    %logistic3A_48 = arith.divf %logistic3A_46, %logistic3A_47 : vector<128x1536xf32>
    %mul3A = arith.mulf %add3A, %logistic3A_48 : vector<128x1536xf32>
    %mul3A_49 = arith.mulf %mul3A, %add3A_43 : vector<128x1536xf32>
    %get3A_50 = arith.constant 0 : index
    %get3A_51 = arith.constant 0 : index
    %get3A_52 = arith.constant 0 : index
    %get3A_53 = vector.load %arg6[%get3A_50, %get3A_51, %get3A_52] : memref<1x1536x768xf32, #tpu.memory_space<vmem>>, vector<1x1536x768xf32>
    %get3A_54 = vector.shape_cast %get3A_53 : vector<1x1536x768xf32> to vector<1536x768xf32>
    %dot_general3A_55 = arith.constant dense<0.000000e+00> : vector<128x768xf32>
    %dot_general3A_56 = tpu.matmul %mul3A_49, %get3A_54, %dot_general3A_55 {dimension_numbers = #tpu.dot_dimension_numbers<[1], [0], [0], [1], [0, 0, 1, 1], [], []>, transpose_lhs_hint = false} : vector<128x1536xf32>, vector<1536x768xf32>, vector<128x768xf32> -> vector<128x768xf32>
    %get3A_57 = arith.constant 0 : index
    %get3A_58 = arith.constant 0 : index
    %get3A_59 = arith.constant 0 : index
    %get3A_60 = vector.load %arg11[%get3A_57, %get3A_58, %get3A_59] : memref<1x16x1536xf32, #tpu.memory_space<vmem>>, vector<1x16x1536xf32>
    %get3A_61 = vector.shape_cast %get3A_60 : vector<1x16x1536xf32> to vector<16x1536xf32>
    %dot_general3A_62 = arith.constant dense<0.000000e+00> : vector<128x16xf32>
    %dot_general3A_63 = tpu.matmul %mul3A_49, %get3A_61, %dot_general3A_62 {dimension_numbers = #tpu.dot_dimension_numbers<[1], [1], [0], [0], [0, 0, 1, 0], [], []>, transpose_lhs_hint = false} : vector<128x1536xf32>, vector<16x1536xf32>, vector<128x16xf32> -> vector<128x16xf32>
    %get3A_64 = arith.constant 0 : index
    %get3A_65 = arith.constant 0 : index
    %get3A_66 = arith.constant 0 : index
    %get3A_67 = vector.load %arg12[%get3A_64, %get3A_65, %get3A_66] : memref<1x768x16xf32, #tpu.memory_space<vmem>>, vector<1x768x16xf32>
    %get3A_68 = vector.shape_cast %get3A_67 : vector<1x768x16xf32> to vector<768x16xf32>
    %dot_general3A_69 = arith.constant dense<0.000000e+00> : vector<128x768xf32>
    %dot_general3A_70 = tpu.matmul %dot_general3A_63, %get3A_68, %dot_general3A_69 {dimension_numbers = #tpu.dot_dimension_numbers<[1], [1], [0], [0], [0, 0, 1, 0], [], []>, transpose_lhs_hint = false} : vector<128x16xf32>, vector<768x16xf32>, vector<128x768xf32> -> vector<128x768xf32>
    %add3A_71 = arith.addf %dot_general3A_56, %dot_general3A_70 : vector<128x768xf32>
    %get3A_72 = arith.constant 0 : index
    %get3A_73 = arith.constant 0 : index
    %get3A_74 = vector.load %arg3[%get3A_72, %get3A_73] : memref<128x1xf32, #tpu.memory_space<vmem>>, vector<128x1xf32>
    %mul3A_75 = vector.broadcast %get3A_74 : vector<128x1xf32> to vector<128x768xf32>
    %mul3A_76 = arith.mulf %add3A_71, %mul3A_75 : vector<128x768xf32>
    %swap3A = arith.constant 0 : index
    %swap3A_77 = arith.constant 0 : index
    %swap3A_78 = vector.load %arg13[%swap3A, %swap3A_77] : memref<128x768xf32, #tpu.memory_space<vmem>>, vector<128x768xf32>
    tpu.vector_store %arg13[%swap3A, %swap3A_77], %mul3A_76 {strides = array<i32>} : memref<128x768xf32, #tpu.memory_space<vmem>>, vector<128x768xf32>,
    return
  }
  func.func @transform_0(%arg0: i32, %arg1: memref<40xi32, #tpu.memory_space<smem>>) -> (i32, i32) {
    %c0_i32 = arith.constant 0 : i32
    %c0_i32_0 = arith.constant 0 : i32
    return %arg0, %c0_i32 : i32, i32
  }
  func.func @transform_1(%arg0: i32, %arg1: memref<40xi32, #tpu.memory_space<smem>>) -> (i32, i32) {
    %c0_i32 = arith.constant 0 : i32
    %c0_i32_0 = arith.constant 0 : i32
    return %arg0, %c0_i32 : i32, i32
  }
  func.func @transform_2(%arg0: i32, %arg1: memref<40xi32, #tpu.memory_space<smem>>) -> (i32, i32, i32) {
    %get3A = arith.index_cast %arg0 : i32 to index
    %get3A_0 = memref.load %arg1[%get3A] : memref<40xi32, #tpu.memory_space<smem>>
    %c0_i32 = arith.constant 0 : i32
    %c0_i32_1 = arith.constant 0 : i32
    %c0_i32_2 = arith.constant 0 : i32
    return %get3A_0, %c0_i32, %c0_i32_1 : i32, i32, i32
  }
  func.func @transform_3(%arg0: i32, %arg1: memref<40xi32, #tpu.memory_space<smem>>) -> (i32, i32, i32) {
    %get3A = arith.index_cast %arg0 : i32 to index
    %get3A_0 = memref.load %arg1[%get3A] : memref<40xi32, #tpu.memory_space<smem>>
    %c0_i32 = arith.constant 0 : i32
    %c0_i32_1 = arith.constant 0 : i32
    %c0_i32_2 = arith.constant 0 : i32
    return %get3A_0, %c0_i32, %c0_i32_1 : i32, i32, i32
  }
  func.func @transform_4(%arg0: i32, %arg1: memref<40xi32, #tpu.memory_space<smem>>) -> (i32, i32, i32) {
    %get3A = arith.index_cast %arg0 : i32 to index
    %get3A_0 = memref.load %arg1[%get3A] : memref<40xi32, #tpu.memory_space<smem>>
    %c0_i32 = arith.constant 0 : i32
    %c0_i32_1 = arith.constant 0 : i32
    %c0_i32_2 = arith.constant 0 : i32
    return %get3A_0, %c0_i32, %c0_i32_1 : i32, i32, i32
  }
  func.func @transform_5(%arg0: i32, %arg1: memref<40xi32, #tpu.memory_space<smem>>) -> (i32, i32, i32) {
    %get3A = arith.index_cast %arg0 : i32 to index
    %get3A_0 = memref.load %arg1[%get3A] : memref<40xi32, #tpu.memory_space<smem>>
    %c0_i32 = arith.constant 0 : i32
    %c0_i32_1 = arith.constant 0 : i32
    %c0_i32_2 = arith.constant 0 : i32
    return %get3A_0, %c0_i32, %c0_i32_1 : i32, i32, i32
  }
  func.func @transform_6(%arg0: i32, %arg1: memref<40xi32, #tpu.memory_space<smem>>) -> (i32, i32, i32) {
    %get3A = arith.index_cast %arg0 : i32 to index
    %get3A_0 = memref.load %arg1[%get3A] : memref<40xi32, #tpu.memory_space<smem>>
    %c0_i32 = arith.constant 0 : i32
    %c0_i32_1 = arith.constant 0 : i32
    %c0_i32_2 = arith.constant 0 : i32
    return %get3A_0, %c0_i32, %c0_i32_1 : i32, i32, i32
  }
  func.func @transform_7(%arg0: i32, %arg1: memref<40xi32, #tpu.memory_space<smem>>) -> (i32, i32, i32) {
    %get3A = arith.index_cast %arg0 : i32 to index
    %get3A_0 = memref.load %arg1[%get3A] : memref<40xi32, #tpu.memory_space<smem>>
    %c0_i32 = arith.constant 0 : i32
    %c0_i32_1 = arith.constant 0 : i32
    %c0_i32_2 = arith.constant 0 : i32
    return %get3A_0, %c0_i32, %c0_i32_1 : i32, i32, i32
  }
  func.func @transform_8(%arg0: i32, %arg1: memref<40xi32, #tpu.memory_space<smem>>) -> (i32, i32, i32) {
    %get3A = arith.index_cast %arg0 : i32 to index
    %get3A_0 = memref.load %arg1[%get3A] : memref<40xi32, #tpu.memory_space<smem>>
    %c0_i32 = arith.constant 0 : i32
    %c0_i32_1 = arith.constant 0 : i32
    %c0_i32_2 = arith.constant 0 : i32
    return %get3A_0, %c0_i32, %c0_i32_1 : i32, i32, i32
  }
  func.func @transform_9(%arg0: i32, %arg1: memref<40xi32, #tpu.memory_space<smem>>) -> (i32, i32, i32) {
    %get3A = arith.index_cast %arg0 : i32 to index
    %get3A_0 = memref.load %arg1[%get3A] : memref<40xi32, #tpu.memory_space<smem>>
    %c0_i32 = arith.constant 0 : i32
    %c0_i32_1 = arith.constant 0 : i32
    %c0_i32_2 = arith.constant 0 : i32
    return %get3A_0, %c0_i32, %c0_i32_1 : i32, i32, i32
  }
  func.func @transform_10(%arg0: i32, %arg1: memref<40xi32, #tpu.memory_space<smem>>) -> (i32, i32, i32) {
    %get3A = arith.index_cast %arg0 : i32 to index
    %get3A_0 = memref.load %arg1[%get3A] : memref<40xi32, #tpu.memory_space<smem>>
    %c0_i32 = arith.constant 0 : i32
    %c0_i32_1 = arith.constant 0 : i32
    %c0_i32_2 = arith.constant 0 : i32
    return %get3A_0, %c0_i32, %c0_i32_1 : i32, i32, i32
  }
  func.func @transform_11(%arg0: i32, %arg1: memref<40xi32, #tpu.memory_space<smem>>) -> (i32, i32) {
    %c0_i32 = arith.constant 0 : i32
    %c0_i32_0 = arith.constant 0 : i32
    return %arg0, %c0_i32 : i32, i32
  }
}

</mosaic_0001>

<sc_bundles>
// kernel: gather_offload_async_start.1
scs
__scs_entry_jumppad:
0x0: {  	(pc) =	sbr.rel $0x88, $3  }
0x1: {  	(tag) =	ssettag $0x0;
	lr =	simm.s32 $0x1  }
0x2: {  	[smem:$0x3F96] =	sst lr;
	_ =	strace $0xD0000000  }
0x3: {  	_ = 	snop  }
0x4: {  	_ = 	snop  }
0x5: {  	_ = 	snop  }
0x6: {  	_ = 	snop  }
0x7: {  	_ = 	snop  }
__scs_overlays_trampoline_lowered:
0x8: {  	[smem:$0x3FA5] =	sst s0  }
0x9: {  	[smem:$0x3FA6] =	sst s1  }
0xa: {  	[smem:$0x3FA7] =	sst s2  }
0xb: {  	[smem:$0x3FA8] =	sst s3  }
0xc: {  	[smem:$0x3FA9] =	sst s4  }
0xd: {  	[smem:$0x3FAA] =	sst s5  }
0xe: {  	[smem:$0x3FAB] =	sst s6  }
0xf: {  	[smem:$0x3FAC] =	sst s7  }
0x10: {  	[smem:$0x3FAD] =	sst s8  }
0x11: {  	[smem:$0x3FAE] =	sst s9;
	s0 =	simm.s32 @!p0 $0x0  }
0x12: {  	s1 =	sld [smem:$0x3F94];
	s0 =	simm.s32 @p0 $0x1  }
0x13: {  	[smem:$0x3FAF] =	sst s0;
	s0 =	simm.s32 @!p1 $0x0  }
0x14: {  	s2 =	sld [smem:$0x3F93];
	s0 =	simm.s32 @p1 $0x1  }
0x15: {  	[smem:$0x3FB0] =	sst s0;
	s0 =	simm.s32 @!p2 $0x0  }
0x16: {  	s3 =	sld [smem:$0x3FDB];
	s0 =	simm.s32 @p2 $0x1  }
0x17: {  	s4 =	simm.s32 $0x1BF5;
	[smem:$0x3FB2] =	sst s0  }
0x18: {  	s0 =	sld [smem:$0x3F95];
	_ =	swait.ge [sflag:s4], $0x0  }
0x19: {  	s7 =	sld [smem:$0x3F96]  }
0x1a: {  	s8 =	sadd.s32 $0xFFFFE003, lr  }
0x1b: {  	s9 =	sadd.s32 $0xFFFFFEF7, lr;
	s5 =	simm.s32 $0xFFFFFFFF;
	p2 =	slt.u32 s8, $0xFFFFF086  }
0x1c: {  	p1 =	slt.u32 s9, $0xF7A;
	s5 =	simm.s32 @!p2 $0x0  }
0x1d: {  	s5 =	simm.s32 @p1 $0x1;
	p0 =	seq.s32 s7, s2  }
0x1e: {  	s7 =	smul.u32 @!p0 $0xF7A, s2;
	p2 =	seq.s32 @!p0 s5, $0x0  }
0x1f: {  	s9 =	smul.u32 $0xF7A, s1;
	s8 =	simm.s32 @!p0 $0x1BF5;
	p2 =	por !p2, p0  }
0x20: {  	[sflag:s8] =	ssyncset.s32 @!p0 $0xFFFFF086;
	s6 =	sadd.s32 @!p0 s3, s7;
	s7 =	simm.s32 @!p0 $0x108  }
0x21: {  	s3 =	sadd.s32 s3, s9;
	s6 =	sadd.s32 @!p0 $0x88, s6;
	s7 =	simm.s32 @p2 $0x1082  }
0x22: {  	[simem:s7], [sflag:s8] =	dma.local @!p0 [hbm:s6], $0xF7A  }
0x23: {  	s9 =	sor.u32 $0xD0000000, s2;
	s6 =	simm.s32 $0x108;
	_ =	swait.ge @!p0 [sflag:s8], $0x0  }
0x24: {  	s3 =	sadd.s32 $0x88, s3;
	s6 =	simm.s32 @!p1 $0x1082;
	[sflag:s4] =	ssyncset.s32 $0xFFFFF086  }
0x25: {  	[simem:s6], [sflag:s4] =	dma.local [hbm:s3], $0xF7A  }
0x26: {  	[smem:$0x3F96] =	sst s1;
	(tag) =	ssettag s2;
	_ =	strace s9  }
0x27: {  	s1 =	sld [smem:$0x3FA6]  }
0x28: {  	s2 =	sld [smem:$0x3FA7]  }
0x29: {  	s4 =	sld [smem:$0x3FA9]  }
0x2a: {  	p0 =	seq.s32 s5, $0x0;
	s5 =	sld [smem:$0x3FAA]  }
0x2b: {  	s6 =	sld [smem:$0x3FAB]  }
0x2c: {  	s7 =	sld [smem:$0x3FAC]  }
0x2d: {  	s3 =	simm.s32 $0x108;
	s8 =	sld [smem:$0x3FAD]  }
0x2e: {  	s3 =	simm.s32 @!p0 $0x1082;
	s9 =	sld [smem:$0x3FAE]  }
0x2f: {  	lr =	sadd.s32 s0, s3;
	s0 =	sld [smem:$0x3FA5]  }
0x30: {  	s3 =	sld [smem:$0x3FA8]  }
0x31: {  	[smem:$0x3FB1] =	sst s10  }
0x32: {  	s10 =	sld [smem:$0x3FAF];
	_ =	sdelay $0x3  }
0x33: {  	p0 =	seq.s32 s10, $0x1;
	s10 =	sld [smem:$0x3FB1];
	_ =	sdelay $0x3  }
0x34: {  	[smem:$0x3FB1] =	sst s10  }
0x35: {  	s10 =	sld [smem:$0x3FB0];
	_ =	sdelay $0x3  }
0x36: {  	p1 =	seq.s32 s10, $0x1;
	s10 =	sld [smem:$0x3FB1];
	_ =	sdelay $0x3  }
0x37: {  	[smem:$0x3FB1] =	sst s10  }
0x38: {  	s10 =	sld [smem:$0x3FB2]  }
0x39: {  	_ = 	snop;
	(pc) =	sbr.ind lr, $3  }
0x3a: {  	_ = 	snop  }
0x3b: {  	_ = 	snop  }
0x3c: {  	p2 =	seq.s32 s10, $0x1;
	s10 =	sld [smem:$0x3FB1]  }
0x3d: {  	_ =	shalt  }
0x3e: {  	_ =	shalt  }
0x3f: {  	_ =	shalt  }
0x40: {  	_ =	shalt  }
0x41: {  	_ =	shalt  }
0x42: {  	_ =	shalt  }
0x43: {  	_ =	shalt  }
0x44: {  	_ =	shalt  }
0x45: {  	_ =	shalt  }
0x46: {  	_ =	shalt  }
0x47: {  	_ =	shalt  }
0x48: {  	_ =	shalt  }
0x49: {  	_ =	shalt  }
0x4a: {  	_ =	shalt  }
0x4b: {  	_ =	shalt  }
0x4c: {  	_ =	shalt  }
0x4d: {  	_ =	shalt  }
0x4e: {  	_ =	shalt  }
0x4f: {  	_ =	shalt  }
0x50: {  	_ =	shalt  }
0x51: {  	_ =	shalt  }
0x52: {  	_ =	shalt  }
0x53: {  	_ =	shalt  }
0x54: {  	_ =	shalt  }
0x55: {  	_ =	shalt  }
0x56: {  	_ =	shalt  }
0x57: {  	_ =	shalt  }
0x58: {  	_ =	shalt  }
0x59: {  	_ =	shalt  }
0x5a: {  	_ =	shalt  }
0x5b: {  	_ =	shalt  }
0x5c: {  	_ =	shalt  }
0x5d: {  	_ =	shalt  }
0x5e: {  	_ =	shalt  }
0x5f: {  	_ =	shalt  }
0x60: {  	_ =	shalt  }
0x61: {  	_ =	shalt  }
0x62: {  	_ =	shalt  }
0x63: {  	_ =	shalt  }
0x64: {  	_ =	shalt  }
0x65: {  	_ =	shalt  }
0x66: {  	_ =	shalt  }
0x67: {  	_ =	shalt  }
0x68: {  	_ =	shalt  }
0x69: {  	_ =	shalt  }
0x6a: {  	_ =	shalt  }
0x6b: {  	_ =	shalt  }
0x6c: {  	_ =	shalt  }
0x6d: {  	_ =	shalt  }
0x6e: {  	_ =	shalt  }
0x6f: {  	_ =	shalt  }
0x70: {  	_ =	shalt  }
0x71: {  	_ =	shalt  }
0x72: {  	_ =	shalt  }
0x73: {  	_ =	shalt  }
0x74: {  	_ =	shalt  }
0x75: {  	_ =	shalt  }
0x76: {  	_ =	shalt  }
0x77: {  	_ =	shalt  }
0x78: {  	_ =	shalt  }
0x79: {  	_ =	shalt  }
0x7a: {  	_ =	shalt  }
0x7b: {  	_ =	shalt  }
0x7c: {  	_ =	shalt  }
0x7d: {  	_ =	shalt  }
0x7e: {  	_ =	shalt  }
0x7f: {  	_ =	shalt  }
0x80: {  	_ =	shalt  }
0x81: {  	_ =	shalt  }
0x82: {  	_ =	shalt  }
0x83: {  	_ =	shalt  }
0x84: {  	_ =	shalt  }
0x85: {  	_ =	shalt  }
0x86: {  	_ =	shalt  }
0x87: {  	_ =	shalt  }
.Lfunc_end0:
.L_simem_size_0:
called_computation.2_lowered:
.L_overlay_start_0:
0x88: {  	s2 =	sld [smem:$0x3FD9]  }
0x89: {  	s3 =	sld [smem:$0x3FFE];
	_ =	sdelay $0x1  }
0x8a: {  	s1 =	srdreg.scid  }
0x8b: {  	s0 =	sand.u32 $0x1, s1  }
0x8c: {  	s16 =	sshll.u32 s0, $0xA;
	s2 =	sadd.s32 s3, s2  }
0x8d: {  	s2 =	sadd.s32 s2, s16  }
0x8e: {  	[smem:$0x3FBD] =	sst s2  }
0x8f: {  	_ = 	snop  }
0x90: {  	(tm) =	ssettm $0x1  }
0x91: {  	s17 =	sld [smem:$0x3FFB];
	_ =	sdelay $0x3  }
0x92: {  	_ =	strace s17  }
0x93: {  	s2 =	sld [smem:$0x3FFC];
	_ =	sdelay $0x3  }
0x94: {  	_ =	strace s2  }
0x95: {  	s2 =	sld [smem:$0x3FFD];
	_ =	sdelay $0x3  }
0x96: {  	_ =	strace s2  }
0x97: {  	_ =	strace $0x8FFFFFFF  }
0x98: {  	s18 =	sld [smem:$0x3FDB];
	_ =	sdelay $0x1  }
0x99: {  	s19 =	simm.s32 $_scs_section_size  }
0x9a: {  	s4 =	simm.s32 $_size__tile_overlayer_lowered;
	s5 =	simm.s32 $_tile_overlayer_lowered  }
0x9b: {  	s22 =	simm.s32 $0x1BFF;
	s21 =	sshll.u32 s5, $0x1;
	s2 =	sadd.s32 s19, s18  }
0x9c: {  	s6 =	simm.s32 $0x0;
	s20 =	sshll.u32 s4, $0x1;
	s4 =	sadd.s32 s21, s2  }
0x9d: {  	[timem:s6], [sflag:s22] =	dma.local [hbm:s4], s20  }
0x9e: {  	_ =	swait.ge [sflag:s22], s20  }
0x9f: {  	s3 =	ssub.s32 $0x0, s20;
	[sflag:s22] =	ssyncset.done $0x0  }
0xa0: {  	[sflag:s22] =	ssyncadd.s32 s3;
	_ =	sdelay $0x1  }
0xa1: {  	s23 =	simm.s32 $0x1B8B  }
0xa2: {  	_ =	swait.ge [sflag:s23], $0x1  }
0xa3: {  	[sflag:s23] =	ssyncset.done $0x0  }
0xa4: {  	s25 =	simm.s32 $0x1B8E;
	s24 =	sld [smem:$0x3FFE];
	[sflag:s23] =	ssyncadd.s32 $0xFFFFFFFF  }
0xa5: {  	s26 =	simm.s32 $execute0_lowered;
	[smem:$0x3FD2] =	sst s25  }
0xa6: {  	s4 =	sshll.u32 s26, $0x1;
	_ =	strace $0x8000004C;
	[dreg:$0x1] =	wrdreg $0xFFFFFFFF  }
0xa7: {  	s28 =	simm.s32 $_size_execute0_lowered;
	s2 =	sadd.s32 s2, s4;
	[dreg:$0x0] =	wrdreg $0x0  }
0xa8: {  	s4 =	sshll.u32 s28, $0x1;
	[dreg:$0x2] =	wrdreg s2  }
0xa9: {  	[dreg:$0x3] =	wrdreg s4  }
0xaa: {  	[dreg:$0x4] =	wrdreg $0xC0  }
0xab: {  	_ =	task [dreg:s6], $0x5FFFF  }
0xac: {  	[dreg:$0x1] =	wrdreg $0xFFFFFFFF  }
0xad: {  	[dreg:$0x0] =	wrdreg $0x60  }
0xae: {  	[dreg:$0x2] =	wrdreg s24  }
0xaf: {  	[dreg:$0x3] =	wrdreg $0x9  }
0xb0: {  	_ =	task.clear_ibuf [dreg:s6], $0x4FFFF;
	_ =	strace $0x9000004C  }
0xb1: {  	s29 =	simm.s32 $0x9;
	_ =	strace $0x8000004E  }
0xb2: {  	_ =	swait.ge [sflag:s29], $0x1  }
0xb3: {  	[sflag:s29] =	ssyncadd.s32 $0xFFFFFFFF  }
0xb4: {  	_ =	strace $0x9000004E  }
0xb5: {  	_ =	sfence  }
0xb6: {  	s30 =	sld [smem:$0x0];
	_ =	sdelay $0x2  }
0xb7: {  	s31 =	sshll.u32 s1, $0xD;
	s1 =	sshrl.u32 s1, $0x2  }
0xb8: {  	s3 =	sand.u32 $0x4000, s31;
	s1 =	sadd.s32 s1, s30  }
0xb9: {  	s0 =	sor.u32 s3, s0;
	s1 =	sshll.u32 s1, $0x11  }
0xba: {  	s0 =	sor.u32 s1, s0  }
0xbb: {  	s0 =	sadd.s32 $0x8F2B, s0  }
0xbc: {  	[sflag:s0] =	ssyncadd.remote.s32 $0x1  }
0xbd: {  	_ =	sfence.sel $0xFFFF  }
0xbe: {  	[dreg:$0x0] =	wrdreg $0xFFFFFFFF;
	(pc) =	sbr.abs _section_cstart, $3  }
0xbf: {  	[dreg:$0x1] =	wrdreg $0xFFFFFFFF  }
0xc0: {  	_ =	task.clear_ibuf [dreg:s6], $0x2FFFF;
	_ =	strace $0x9FFFFFFF  }
0xc1: {  	(tm) =	ssettm $0x7FFFFFFF  }
tec
execute0_lowered:
.L_overlay_start_1:
0x0: {  	(tag) =	ssettag $0x1  }
0x1: {  	s1 =	srdreg.scid  }
0x2: {  	s0 =	stileid.u32;
	s2 =	rddreg [dreg:$0x0];
	s6 =	simm.s32 $0x1  }
0x3: {  	s9 =	simm.s32 $0x1;
	s10 =	simm.s32 $0x3;
	s1 =	sshll.u32 s1, $0x6  }
0x4: {  	s13 =	simm.s32 $0x0;
	s3 =	sshll.u32 s0, $0x7;
	s4 =	sand.u32 $0x40, s1  }
0x5: {  	s12 =	simm.s32 $0x0;
	s5 =	sadd.s32 $0x800, s2;
	s3 =	sor.u32 s3, s4  }
0x6: {  	s1 =	rddreg [dreg:$0x1];
	_ =	strace $0x8000004D;
	s8 =	ssub.s32 $0x1000, s3  }
.Ltmp0:
0x7: {  	s4 =	sadd.s32 $0x200, s2;
	s7 =	sand.u32 $0x7C0, s8;
	(pc) =	sbr.rel .LBB2_1-.Ltmp0, $4  }
0x8: {  	[sflag:s6] =	ssyncpa.u1 $0x0;
	s11 =	smov.u32 s3;
	p0 =	sne.s32 s7, $0x0  }
0x9: {  	s8 =	sshrl.u32 s8, $0xB;
	s7 =	simm.s32 $0x2;
	s9 =	simm.s32 @!p0 $0x0  }
0xa: {  	[sflag:s7] =	ssyncpa.u1 $0x0;
	p0 =	por $0x0, $0x0;
	s8 =	sadd.s32 s9, s8  }
0xb: {  	vm0 =	vmmov $0xffff;
	[sflag:s10] =	ssyncpa.u1 $0x0;
	s10 =	simm.s32 $0x0;
	s9 =	sadd.s32 $0x1, s8  }
.LBB2_4:
0xc: {  	v2 =	vnsel vm1, $0x0, v2  }
0xd: {  	vm1 =	vgt.s32 v0, $0x0;
	v2 =	vmin.u32 v2, $0xFFF  }
0xe: {  	v0 =	vnsel vm1, $0x0, v0  }
0xf: {  	v0 =	vmin.u32 v0, $0xFFF  }
0x10: {  	[tilespmem:s15], [sflag:$0x1] =	stream.indirect_vreg.gather [hbm4b:s4+s10], $0x1, v1, vm0, $0x4038;
	[tilespmem:$0x100] =	vst v63  }
0x11: {  	(ifvalue) =	ssetifvalue $0x7FFFFFFF  }
0x12: {  	[tilespmem:s16], [sflag:$0x1] =	stream.indirect_vreg.gather [hbm4b:s4+s10], $0x1, v2, vm0, $0x4038;
	[tilespmem:$0x100] =	vst v63  }
0x13: {  	s29 =	sadd.s32 $0x10, s16;
	(ifvalue) =	ssetifvalue $0x7FFFFFFF  }
0x14: {  	[tilespmem:s29], [sflag:$0x1] =	stream.indirect_vreg.gather [hbm4b:s4+s10], $0x1, v0, vm0, $0x4038;
	[tilespmem:$0x100] =	vst v63  }
0x15: {  	_ =	swait.ge [sflag:s6], $0x40  }
0x16: {  	s30 =	sshrl.u32 s13, $0x3;
	[sflag:s6] =	ssyncset.done $0x0  }
0x17: {  	s31 =	sand.u32 $0x7, s13;
	s15 =	sadd.s32 s2, s30;
	[sflag:s6] =	ssyncadd.s32 $0xFFFFFFC0  }
0x18: {  	[hbm4b:s15+s31] =	stream.linear.scatter [tilespmem:s14], [sflag:$0x3], $0x40, $0x38;
	[tilespmem:$0x100] =	vst v63  }
.LBB2_5:
0x19: {  	s15 =	sadd.s32 $0x800, s11  }
0x1a: {  	p2 =	sgt.s32 s15, $0xFFF  }
0x1b: {  	s15 =	smov.u32 @p2 s3;
	p2 =	sne.s32 s12, s9  }
.Ltmp1:
0x1c: {  	p1 =	slt.u32 s12, $0x2;
	(pc) =	sbr.rel @!p2 .LBB2_6-.Ltmp1, $4  }
0x1d: {  	s14 =	simm.s32 @!p1 $0x3  }
0x1e: {  	s16 =	sadd.s32 $0x1, s12;
	_ =	swait.ge @!p1 [sflag:s14], $0x40  }
0x1f: {  	s13 =	smov.u32 s11;
	p0 =	por !p0, !p0;
	[sflag:s14] =	ssyncset.done @!p1 $0x0  }
0x20: {  	s12 =	smov.u32 s16;
	s11 =	smov.u32 s15;
	[sflag:s14] =	ssyncadd.s32 @!p1 $0xFFFFFFC0  }
.LBB2_1:
0x21: {  	p1 =	sge.u32 s12, s8  }
0x22: {  	s14 =	sxor.u32 @!p1 $0xFFFFFFFF, s12  }
0x23: {  	s31 =	sadd.s32 $0xFFFFFFFF, s12;
	s15 =	sshrl.u32 @!p1 s11, $0x3;
	s14 =	sshll.u32 @!p1 s14, $0x6  }
0x24: {  	s16 =	sand.u32 @!p1 $0x7, s11;
	s15 =	sadd.s32 @!p1 s5, s15;
	s14 =	sand.u32 @!p1 $0x40, s14  }
0x25: {  	[tilespmem:s14], [sflag:$0x2] =	stream.linear.gather @!p1 [hbm4b:s15+s16], $0x40, $0x38;
	[tilespmem:$0x100] =	vst v63  }
0x26: {  	p1 =	sge.u32 s31, s8  }
.Ltmp2:
0x27: {  	_ = 	snop;
	(pc) =	sbr.rel @p1 .LBB2_5-.Ltmp2, $1  }
0x28: {  	_ =	sdelay $0x3  }
0x29: {  	s14 =	simm.s32 $0x1  }
0x2a: {  	_ =	swait.ge [sflag:s7], $0x40;
	s14 =	simm.s32 @!p0 $0x0  }
0x2b: {  	[sflag:s7] =	ssyncset.done $0x0;
	s14 =	sshll.u32 s14, $0x6  }
0x2c: {  	[sflag:s7] =	ssyncadd.s32 $0xFFFFFFC0;
	(ifvalue) =	ssetifvalue $0x7FFFFFFF;
	v0 =	vld.msk [tilespmem:s14+$0x0 ss:$0x1], $0xffff;
	_ =	sdelay $0x4  }
0x2d: {  	s15 =	sadd.s32 $0x10, s14;
	vm1 =	vgt.s32 v0, $0x0  }
0x2e: {  	v2 =	vld.msk [tilespmem:s15+$0x0 ss:$0x1], $0xffff;
	v1 =	vnsel vm1, $0x0, v0  }
0x2f: {  	v1 =	vmin.u32 v1, $0xFFF;
	_ =	sdelay $0x1  }
0x30: {  	s16 =	sshll.u32 s12, $0x6;
	s18 =	simm.s32 $0x20  }
0x31: {  	s16 =	sand.u32 $0x40, s16;
	s17 =	sadd.s32 $0x10, s15;
	s15 =	sor.u32 $0x80, s14  }
0x32: {  	s14 =	sor.u32 $0x80, s16;
	s16 =	sadd.s32 $0x10, s15;
	v0 =	vld.msk [tilespmem:s17+$0x0 ss:$0x1], $0xffff;
	vm1 =	vgt.s32 v2, $0x0;
	(ifvalue) =	ssetifvalue $0x7FFFFFFF  }
.LBB2_3:
0x33: {  	[tilespmem:s15], [sflag:$0x1] =	stream.indirect_vreg.gather [hbm4b:s4+s10], $0x1, v1, vm0, $0x4038;
	[tilespmem:$0x100] =	vst v63  }
0x34: {  	s18 =	sadd.s32 $0x10, s18  }
0x35: {  	v2 =	vnsel vm1, $0x0, v2;
	p1 =	slt.u32 s18, $0x30  }
.Ltmp3:
0x36: {  	s15 =	smov.u32 s16;
	v1 =	vmin.u32 v2, $0xFFF;
	(pc) =	sbr.rel @p1 .LBB2_3-.Ltmp3, $3  }
0x37: {  	_ =	sdelay $0x1  }
0x38: {  	s17 =	sadd.s32 $0x10, s17  }
0x39: {  	vm1 =	vgt.s32 v0, $0x0;
	s16 =	sadd.s32 $0x10, s16;
	v2 =	vmov v0;
	(ifvalue) =	ssetifvalue $0x7FFFFFFF;
	v0 =	vld.msk [tilespmem:s17+$0x0 ss:$0x1], $0xffff  }
.Ltmp4:
0x3a: {  	_ = 	snop;
	(pc) =	sbr.rel .LBB2_4-.Ltmp4, $1  }
0x3b: {  	_ =	sdelay $0x3  }
.LBB2_6:
0x3c: {  	_ =	sfence.sel $0x180000  }
0x3d: {  	s2 =	simm.s32 $0x2;
	[bflag:$0x0] =	sbarrier.arrive $0xFFFF  }
0x3e: {  	s30 =	simm.s32 $0x3;
	[sflag:s2] =	ssyncpa.u1 $0x1  }
0x3f: {  	s31 =	simm.s32 $0x1;
	[sflag:s30] =	ssyncpa.u1 $0x1  }
0x40: {  	[sflag:s31] =	ssyncpa.u1 $0x1  }
0x41: {  	p0 =	sne.s32 s0, $0x0;
	_ =	strace $0x9000004D  }
0x42: {  	s0 =	sadd.s32 @!p0 $0x100000, s1;
	[bflag:$0x2] =	sbarrier.arrive $0xFFFF  }
0x43: {  	[sflag:s0] =	ssyncadd.tile.s32 @!p0 $0x1;
	_ =	shalt  }
.Lfunc_end2:
_tile_overlayer_lowered:
.L_overlay_start_2:
0x44: {  	(tag) =	ssettag $0x2  }
0x45: {  	s0 =	rddreg [dreg:$0x0];
	s2 =	stileid.u32  }
0x46: {  	s1 =	rddreg [dreg:$0x1];
	p0 =	sne.s32 s2, $0x0  }
0x47: {  	s3 =	rddreg [dreg:$0x2];
	[bflag:$0x3] =	sbarrier.arrive $0xFFFF;
	s2 =	simm.s32 @!p0 $0x1C01  }
0x48: {  	[timem:s3], [sflag:s2] =	dma.local @!p0 [hbm:s0], s1  }
0x49: {  	s0 =	simm.s32 @!p0 $0x1  }
0x4a: {  	_ =	swait.ge @!p0 [sflag:s0], s1  }
0x4b: {  	s1 =	ssub.s32 @!p0 $0x0, s1;
	[sflag:s0] =	ssyncset.done @!p0 $0x0  }
0x4c: {  	[sflag:s0] =	ssyncadd.s32 @!p0 s1  }
0x4d: {  	[bflag:$0x3] =	sbarrier.arrive $0xFFFF  }
0x4e: {  	_ =	shalt  }

// kernel: gather_offload_async_start
scs
__scs_entry_jumppad:
0x0: {  	(pc) =	sbr.rel $0x88, $3  }
0x1: {  	(tag) =	ssettag $0x0;
	lr =	simm.s32 $0x1  }
0x2: {  	[smem:$0x3F96] =	sst lr;
	_ =	strace $0xD0000000  }
0x3: {  	_ = 	snop  }
0x4: {  	_ = 	snop  }
0x5: {  	_ = 	snop  }
0x6: {  	_ = 	snop  }
0x7: {  	_ = 	snop  }
__scs_overlays_trampoline_lowered:
0x8: {  	[smem:$0x3FA5] =	sst s0  }
0x9: {  	[smem:$0x3FA6] =	sst s1  }
0xa: {  	[smem:$0x3FA7] =	sst s2  }
0xb: {  	[smem:$0x3FA8] =	sst s3  }
0xc: {  	[smem:$0x3FA9] =	sst s4  }
0xd: {  	[smem:$0x3FAA] =	sst s5  }
0xe: {  	[smem:$0x3FAB] =	sst s6  }
0xf: {  	[smem:$0x3FAC] =	sst s7  }
0x10: {  	[smem:$0x3FAD] =	sst s8  }
0x11: {  	[smem:$0x3FAE] =	sst s9;
	s0 =	simm.s32 @!p0 $0x0  }
0x12: {  	s1 =	sld [smem:$0x3F94];
	s0 =	simm.s32 @p0 $0x1  }
0x13: {  	[smem:$0x3FAF] =	sst s0;
	s0 =	simm.s32 @!p1 $0x0  }
0x14: {  	s2 =	sld [smem:$0x3F93];
	s0 =	simm.s32 @p1 $0x1  }
0x15: {  	[smem:$0x3FB0] =	sst s0;
	s0 =	simm.s32 @!p2 $0x0  }
0x16: {  	s3 =	sld [smem:$0x3FDB];
	s0 =	simm.s32 @p2 $0x1  }
0x17: {  	s4 =	simm.s32 $0x1BF5;
	[smem:$0x3FB2] =	sst s0  }
0x18: {  	s0 =	sld [smem:$0x3F95];
	_ =	swait.ge [sflag:s4], $0x0  }
0x19: {  	s7 =	sld [smem:$0x3F96]  }
0x1a: {  	s8 =	sadd.s32 $0xFFFFE003, lr  }
0x1b: {  	s9 =	sadd.s32 $0xFFFFFEF7, lr;
	s5 =	simm.s32 $0xFFFFFFFF;
	p2 =	slt.u32 s8, $0xFFFFF086  }
0x1c: {  	p1 =	slt.u32 s9, $0xF7A;
	s5 =	simm.s32 @!p2 $0x0  }
0x1d: {  	s5 =	simm.s32 @p1 $0x1;
	p0 =	seq.s32 s7, s2  }
0x1e: {  	s7 =	smul.u32 @!p0 $0xF7A, s2;
	p2 =	seq.s32 @!p0 s5, $0x0  }
0x1f: {  	s9 =	smul.u32 $0xF7A, s1;
	s8 =	simm.s32 @!p0 $0x1BF5;
	p2 =	por !p2, p0  }
0x20: {  	[sflag:s8] =	ssyncset.s32 @!p0 $0xFFFFF086;
	s6 =	sadd.s32 @!p0 s3, s7;
	s7 =	simm.s32 @!p0 $0x108  }
0x21: {  	s3 =	sadd.s32 s3, s9;
	s6 =	sadd.s32 @!p0 $0x88, s6;
	s7 =	simm.s32 @p2 $0x1082  }
0x22: {  	[simem:s7], [sflag:s8] =	dma.local @!p0 [hbm:s6], $0xF7A  }
0x23: {  	s9 =	sor.u32 $0xD0000000, s2;
	s6 =	simm.s32 $0x108;
	_ =	swait.ge @!p0 [sflag:s8], $0x0  }
0x24: {  	s3 =	sadd.s32 $0x88, s3;
	s6 =	simm.s32 @!p1 $0x1082;
	[sflag:s4] =	ssyncset.s32 $0xFFFFF086  }
0x25: {  	[simem:s6], [sflag:s4] =	dma.local [hbm:s3], $0xF7A  }
0x26: {  	[smem:$0x3F96] =	sst s1;
	(tag) =	ssettag s2;
	_ =	strace s9  }
0x27: {  	s1 =	sld [smem:$0x3FA6]  }
0x28: {  	s2 =	sld [smem:$0x3FA7]  }
0x29: {  	s4 =	sld [smem:$0x3FA9]  }
0x2a: {  	p0 =	seq.s32 s5, $0x0;
	s5 =	sld [smem:$0x3FAA]  }
0x2b: {  	s6 =	sld [smem:$0x3FAB]  }
0x2c: {  	s7 =	sld [smem:$0x3FAC]  }
0x2d: {  	s3 =	simm.s32 $0x108;
	s8 =	sld [smem:$0x3FAD]  }
0x2e: {  	s3 =	simm.s32 @!p0 $0x1082;
	s9 =	sld [smem:$0x3FAE]  }
0x2f: {  	lr =	sadd.s32 s0, s3;
	s0 =	sld [smem:$0x3FA5]  }
0x30: {  	s3 =	sld [smem:$0x3FA8]  }
0x31: {  	[smem:$0x3FB1] =	sst s10  }
0x32: {  	s10 =	sld [smem:$0x3FAF];
	_ =	sdelay $0x3  }
0x33: {  	p0 =	seq.s32 s10, $0x1;
	s10 =	sld [smem:$0x3FB1];
	_ =	sdelay $0x3  }
0x34: {  	[smem:$0x3FB1] =	sst s10  }
0x35: {  	s10 =	sld [smem:$0x3FB0];
	_ =	sdelay $0x3  }
0x36: {  	p1 =	seq.s32 s10, $0x1;
	s10 =	sld [smem:$0x3FB1];
	_ =	sdelay $0x3  }
0x37: {  	[smem:$0x3FB1] =	sst s10  }
0x38: {  	s10 =	sld [smem:$0x3FB2]  }
0x39: {  	_ = 	snop;
	(pc) =	sbr.ind lr, $3  }
0x3a: {  	_ = 	snop  }
0x3b: {  	_ = 	snop  }
0x3c: {  	p2 =	seq.s32 s10, $0x1;
	s10 =	sld [smem:$0x3FB1]  }
0x3d: {  	_ =	shalt  }
0x3e: {  	_ =	shalt  }
0x3f: {  	_ =	shalt  }
0x40: {  	_ =	shalt  }
0x41: {  	_ =	shalt  }
0x42: {  	_ =	shalt  }
0x43: {  	_ =	shalt  }
0x44: {  	_ =	shalt  }
0x45: {  	_ =	shalt  }
0x46: {  	_ =	shalt  }
0x47: {  	_ =	shalt  }
0x48: {  	_ =	shalt  }
0x49: {  	_ =	shalt  }
0x4a: {  	_ =	shalt  }
0x4b: {  	_ =	shalt  }
0x4c: {  	_ =	shalt  }
0x4d: {  	_ =	shalt  }
0x4e: {  	_ =	shalt  }
0x4f: {  	_ =	shalt  }
0x50: {  	_ =	shalt  }
0x51: {  	_ =	shalt  }
0x52: {  	_ =	shalt  }
0x53: {  	_ =	shalt  }
0x54: {  	_ =	shalt  }
0x55: {  	_ =	shalt  }
0x56: {  	_ =	shalt  }
0x57: {  	_ =	shalt  }
0x58: {  	_ =	shalt  }
0x59: {  	_ =	shalt  }
0x5a: {  	_ =	shalt  }
0x5b: {  	_ =	shalt  }
0x5c: {  	_ =	shalt  }
0x5d: {  	_ =	shalt  }
0x5e: {  	_ =	shalt  }
0x5f: {  	_ =	shalt  }
0x60: {  	_ =	shalt  }
0x61: {  	_ =	shalt  }
0x62: {  	_ =	shalt  }
0x63: {  	_ =	shalt  }
0x64: {  	_ =	shalt  }
0x65: {  	_ =	shalt  }
0x66: {  	_ =	shalt  }
0x67: {  	_ =	shalt  }
0x68: {  	_ =	shalt  }
0x69: {  	_ =	shalt  }
0x6a: {  	_ =	shalt  }
0x6b: {  	_ =	shalt  }
0x6c: {  	_ =	shalt  }
0x6d: {  	_ =	shalt  }
0x6e: {  	_ =	shalt  }
0x6f: {  	_ =	shalt  }
0x70: {  	_ =	shalt  }
0x71: {  	_ =	shalt  }
0x72: {  	_ =	shalt  }
0x73: {  	_ =	shalt  }
0x74: {  	_ =	shalt  }
0x75: {  	_ =	shalt  }
0x76: {  	_ =	shalt  }
0x77: {  	_ =	shalt  }
0x78: {  	_ =	shalt  }
0x79: {  	_ =	shalt  }
0x7a: {  	_ =	shalt  }
0x7b: {  	_ =	shalt  }
0x7c: {  	_ =	shalt  }
0x7d: {  	_ =	shalt  }
0x7e: {  	_ =	shalt  }
0x7f: {  	_ =	shalt  }
0x80: {  	_ =	shalt  }
0x81: {  	_ =	shalt  }
0x82: {  	_ =	shalt  }
0x83: {  	_ =	shalt  }
0x84: {  	_ =	shalt  }
0x85: {  	_ =	shalt  }
0x86: {  	_ =	shalt  }
0x87: {  	_ =	shalt  }
.Lfunc_end0:
.L_simem_size_0:
called_computation.1_lowered:
.L_overlay_start_0:
0x88: {  	s2 =	sld [smem:$0x3FD9]  }
0x89: {  	s3 =	sld [smem:$0x3FFE];
	_ =	sdelay $0x1  }
0x8a: {  	s1 =	srdreg.scid  }
0x8b: {  	s0 =	sand.u32 $0x1, s1  }
0x8c: {  	s17 =	sshll.u32 s0, $0xA;
	s2 =	sadd.s32 s3, s2  }
0x8d: {  	s2 =	sadd.s32 s2, s17  }
0x8e: {  	[smem:$0x3FBD] =	sst s2  }
0x8f: {  	_ = 	snop  }
0x90: {  	s2 =	sld [smem:$0x3FD0];
	(tm) =	ssettm $0x1  }
0x91: {  	s18 =	sld [smem:$0x3FFB];
	_ =	sdelay $0x3  }
0x92: {  	_ =	strace s18  }
0x93: {  	s3 =	sld [smem:$0x3FFC];
	_ =	sdelay $0x3  }
0x94: {  	_ =	strace s3  }
0x95: {  	s3 =	sld [smem:$0x3FFD];
	_ =	sdelay $0x3  }
0x96: {  	_ =	strace s3  }
0x97: {  	_ =	strace $0x8FFFFFFF  }
0x98: {  	s19 =	sld [smem:$0x3FDB];
	_ =	sdelay $0x1  }
0x99: {  	s4 =	simm.s32 $_scs_section_size  }
0x9a: {  	s5 =	simm.s32 $_size__tile_overlayer_lowered;
	s6 =	simm.s32 $_tile_overlayer_lowered  }
0x9b: {  	s22 =	simm.s32 $0x1BFF;
	s21 =	sshll.u32 s6, $0x1;
	s3 =	sadd.s32 s4, s19  }
0x9c: {  	s7 =	simm.s32 $0x0;
	s20 =	sshll.u32 s5, $0x1;
	s5 =	sadd.s32 s21, s3  }
0x9d: {  	[timem:s7], [sflag:s22] =	dma.local [hbm:s5], s20  }
0x9e: {  	_ =	swait.ge [sflag:s22], s20  }
0x9f: {  	s4 =	ssub.s32 $0x0, s20;
	[sflag:s22] =	ssyncset.done $0x0  }
0xa0: {  	[sflag:s22] =	ssyncadd.s32 s4;
	_ =	sdelay $0x1  }
0xa1: {  	s23 =	simm.s32 $0x1B8B  }
0xa2: {  	_ =	swait.ge [sflag:s23], $0x1  }
0xa3: {  	[sflag:s23] =	ssyncset.done $0x0  }
0xa4: {  	s25 =	simm.s32 $0x1B8E;
	s24 =	sld [smem:$0x3FFE];
	[sflag:s23] =	ssyncadd.s32 $0xFFFFFFFF  }
0xa5: {  	s26 =	simm.s32 $execute0_lowered;
	[smem:$0x3FD2] =	sst s25  }
0xa6: {  	s5 =	sshll.u32 s26, $0x1;
	_ =	strace $0x80000049;
	[dreg:$0x1] =	wrdreg $0xFFFFFFFF  }
0xa7: {  	s28 =	simm.s32 $_size_execute0_lowered;
	s3 =	sadd.s32 s3, s5;
	[dreg:$0x0] =	wrdreg $0x0  }
0xa8: {  	s5 =	sshll.u32 s28, $0x1;
	[dreg:$0x2] =	wrdreg s3  }
0xa9: {  	[dreg:$0x3] =	wrdreg s5  }
0xaa: {  	[dreg:$0x4] =	wrdreg $0xC0  }
0xab: {  	_ =	task [dreg:s7], $0x5FFFF  }
0xac: {  	[dreg:$0x1] =	wrdreg $0xFFFFFFFF  }
0xad: {  	[dreg:$0x0] =	wrdreg $0x60  }
0xae: {  	[dreg:$0x2] =	wrdreg s24  }
0xaf: {  	[dreg:$0x3] =	wrdreg s2  }
0xb0: {  	[dreg:$0x4] =	wrdreg $0x9  }
0xb1: {  	_ =	task.clear_ibuf [dreg:s7], $0x5FFFF;
	_ =	strace $0x90000049  }
0xb2: {  	s29 =	simm.s32 $0x9;
	_ =	strace $0x8000004B  }
0xb3: {  	_ =	swait.ge [sflag:s29], $0x1  }
0xb4: {  	[sflag:s29] =	ssyncadd.s32 $0xFFFFFFFF  }
0xb5: {  	_ =	strace $0x9000004B  }
0xb6: {  	_ =	sfence  }
0xb7: {  	s30 =	sld [smem:$0x0];
	_ =	sdelay $0x2  }
0xb8: {  	s31 =	sshll.u32 s1, $0xD;
	s1 =	sshrl.u32 s1, $0x2  }
0xb9: {  	s3 =	sand.u32 $0x4000, s31;
	s1 =	sadd.s32 s1, s30  }
0xba: {  	s0 =	sor.u32 s3, s0;
	s1 =	sshll.u32 s1, $0x11  }
0xbb: {  	s0 =	sor.u32 s1, s0  }
0xbc: {  	s0 =	sadd.s32 $0x8F2B, s0  }
0xbd: {  	[sflag:s0] =	ssyncadd.remote.s32 $0x1  }
0xbe: {  	_ =	sfence.sel $0xFFFF  }
0xbf: {  	[dreg:$0x0] =	wrdreg $0xFFFFFFFF;
	(pc) =	sbr.abs _section_cstart, $3  }
0xc0: {  	[dreg:$0x1] =	wrdreg $0xFFFFFFFF  }
0xc1: {  	_ =	task.clear_ibuf [dreg:s7], $0x2FFFF;
	_ =	strace $0x9FFFFFFF  }
0xc2: {  	(tm) =	ssettm $0x7FFFFFFF  }
0xc3: {  	_ =	shalt  }
tec
execute0_lowered:
.L_overlay_start_1:
0x0: {  	(tag) =	ssettag $0x1  }
0x1: {  	s1 =	srdreg.scid;
	s2 =	rddreg [dreg:$0x0]  }
0x2: {  	s0 =	stileid.u32;
	s3 =	rddreg [dreg:$0x1]  }
0x3: {  	s6 =	simm.s32 $0x1;
	s9 =	simm.s32 $0x1;
	s1 =	sshll.u32 s1, $0x6  }
0x4: {  	s10 =	simm.s32 $0x3;
	s4 =	sshll.u32 s0, $0x7;
	s5 =	sand.u32 $0x40, s1  }
0x5: {  	s13 =	simm.s32 $0x0;
	s12 =	simm.s32 $0x0;
	s4 =	sor.u32 s4, s5  }
0x6: {  	s1 =	rddreg [dreg:$0x2];
	_ =	strace $0x8000004A;
	s8 =	ssub.s32 $0x1000, s4  }
.Ltmp0:
0x7: {  	s5 =	sadd.s32 $0x800, s2;
	s7 =	sand.u32 $0x7C0, s8;
	(pc) =	sbr.rel .LBB2_1-.Ltmp0, $4  }
0x8: {  	[sflag:s6] =	ssyncpa.u1 $0x0;
	s11 =	smov.u32 s4;
	p0 =	sne.s32 s7, $0x0  }
0x9: {  	s8 =	sshrl.u32 s8, $0xB;
	s7 =	simm.s32 $0x2;
	s9 =	simm.s32 @!p0 $0x0  }
0xa: {  	[sflag:s7] =	ssyncpa.u1 $0x0;
	p0 =	por $0x0, $0x0;
	s8 =	sadd.s32 s9, s8  }
0xb: {  	vm0 =	vmmov $0xffff;
	[sflag:s10] =	ssyncpa.u1 $0x0;
	s10 =	simm.s32 $0x0;
	s9 =	sadd.s32 $0x1, s8  }
.LBB2_4:
0xc: {  	v2 =	vnsel vm1, $0x0, v2  }
0xd: {  	vm1 =	vgt.s32 v0, $0x0;
	v2 =	vmin.u32 v2, $0xFFF  }
0xe: {  	v0 =	vnsel vm1, $0x0, v0  }
0xf: {  	v0 =	vmin.u32 v0, $0xFFF  }
0x10: {  	[tilespmem:s15], [sflag:$0x1] =	stream.indirect_vreg.gather [hbm4b:s2+s10], $0x1, v1, vm0, $0x4038;
	[tilespmem:$0x100] =	vst v63  }
0x11: {  	(ifvalue) =	ssetifvalue $0x7FFFFFFF  }
0x12: {  	[tilespmem:s16], [sflag:$0x1] =	stream.indirect_vreg.gather [hbm4b:s2+s10], $0x1, v2, vm0, $0x4038;
	[tilespmem:$0x100] =	vst v63  }
0x13: {  	s29 =	sadd.s32 $0x10, s16;
	(ifvalue) =	ssetifvalue $0x7FFFFFFF  }
0x14: {  	[tilespmem:s29], [sflag:$0x1] =	stream.indirect_vreg.gather [hbm4b:s2+s10], $0x1, v0, vm0, $0x4038;
	[tilespmem:$0x100] =	vst v63  }
0x15: {  	_ =	swait.ge [sflag:s6], $0x40  }
0x16: {  	s30 =	sshrl.u32 s13, $0x3;
	[sflag:s6] =	ssyncset.done $0x0  }
0x17: {  	s31 =	sand.u32 $0x7, s13;
	s15 =	sadd.s32 s3, s30;
	[sflag:s6] =	ssyncadd.s32 $0xFFFFFFC0  }
0x18: {  	[hbm4b:s15+s31] =	stream.linear.scatter [tilespmem:s14], [sflag:$0x3], $0x40, $0x38;
	[tilespmem:$0x100] =	vst v63  }
.LBB2_5:
0x19: {  	s15 =	sadd.s32 $0x800, s11  }
0x1a: {  	p2 =	sgt.s32 s15, $0xFFF  }
0x1b: {  	s15 =	smov.u32 @p2 s4;
	p2 =	sne.s32 s12, s9  }
.Ltmp1:
0x1c: {  	p1 =	slt.u32 s12, $0x2;
	(pc) =	sbr.rel @!p2 .LBB2_6-.Ltmp1, $4  }
0x1d: {  	s14 =	simm.s32 @!p1 $0x3  }
0x1e: {  	s16 =	sadd.s32 $0x1, s12;
	_ =	swait.ge @!p1 [sflag:s14], $0x40  }
0x1f: {  	s13 =	smov.u32 s11;
	p0 =	por !p0, !p0;
	[sflag:s14] =	ssyncset.done @!p1 $0x0  }
0x20: {  	s12 =	smov.u32 s16;
	s11 =	smov.u32 s15;
	[sflag:s14] =	ssyncadd.s32 @!p1 $0xFFFFFFC0  }
.LBB2_1:
0x21: {  	p1 =	sge.u32 s12, s8  }
0x22: {  	s14 =	sxor.u32 @!p1 $0xFFFFFFFF, s12  }
0x23: {  	s31 =	sadd.s32 $0xFFFFFFFF, s12;
	s15 =	sshrl.u32 @!p1 s11, $0x3;
	s14 =	sshll.u32 @!p1 s14, $0x6  }
0x24: {  	s16 =	sand.u32 @!p1 $0x7, s11;
	s15 =	sadd.s32 @!p1 s5, s15;
	s14 =	sand.u32 @!p1 $0x40, s14  }
0x25: {  	[tilespmem:s14], [sflag:$0x2] =	stream.linear.gather @!p1 [hbm4b:s15+s16], $0x40, $0x38;
	[tilespmem:$0x100] =	vst v63  }
0x26: {  	p1 =	sge.u32 s31, s8  }
.Ltmp2:
0x27: {  	_ = 	snop;
	(pc) =	sbr.rel @p1 .LBB2_5-.Ltmp2, $1  }
0x28: {  	_ =	sdelay $0x3  }
0x29: {  	s14 =	simm.s32 $0x1  }
0x2a: {  	_ =	swait.ge [sflag:s7], $0x40;
	s14 =	simm.s32 @!p0 $0x0  }
0x2b: {  	[sflag:s7] =	ssyncset.done $0x0;
	s14 =	sshll.u32 s14, $0x6  }
0x2c: {  	[sflag:s7] =	ssyncadd.s32 $0xFFFFFFC0;
	(ifvalue) =	ssetifvalue $0x7FFFFFFF;
	v0 =	vld.msk [tilespmem:s14+$0x0 ss:$0x1], $0xffff;
	_ =	sdelay $0x4  }
0x2d: {  	s15 =	sadd.s32 $0x10, s14;
	vm1 =	vgt.s32 v0, $0x0  }
0x2e: {  	v2 =	vld.msk [tilespmem:s15+$0x0 ss:$0x1], $0xffff;
	v1 =	vnsel vm1, $0x0, v0  }
0x2f: {  	v1 =	vmin.u32 v1, $0xFFF;
	_ =	sdelay $0x1  }
0x30: {  	s16 =	sshll.u32 s12, $0x6;
	s18 =	simm.s32 $0x20  }
0x31: {  	s16 =	sand.u32 $0x40, s16;
	s17 =	sadd.s32 $0x10, s15;
	s15 =	sor.u32 $0x80, s14  }
0x32: {  	s14 =	sor.u32 $0x80, s16;
	s16 =	sadd.s32 $0x10, s15;
	v0 =	vld.msk [tilespmem:s17+$0x0 ss:$0x1], $0xffff;
	vm1 =	vgt.s32 v2, $0x0;
	(ifvalue) =	ssetifvalue $0x7FFFFFFF  }
.LBB2_3:
0x33: {  	[tilespmem:s15], [sflag:$0x1] =	stream.indirect_vreg.gather [hbm4b:s2+s10], $0x1, v1, vm0, $0x4038;
	[tilespmem:$0x100] =	vst v63  }
0x34: {  	s18 =	sadd.s32 $0x10, s18  }
0x35: {  	v2 =	vnsel vm1, $0x0, v2;
	p1 =	slt.u32 s18, $0x30  }
.Ltmp3:
0x36: {  	s15 =	smov.u32 s16;
	v1 =	vmin.u32 v2, $0xFFF;
	(pc) =	sbr.rel @p1 .LBB2_3-.Ltmp3, $3  }
0x37: {  	_ =	sdelay $0x1  }
0x38: {  	s17 =	sadd.s32 $0x10, s17  }
0x39: {  	vm1 =	vgt.s32 v0, $0x0;
	s16 =	sadd.s32 $0x10, s16;
	v2 =	vmov v0;
	(ifvalue) =	ssetifvalue $0x7FFFFFFF;
	v0 =	vld.msk [tilespmem:s17+$0x0 ss:$0x1], $0xffff  }
.Ltmp4:
0x3a: {  	_ = 	snop;
	(pc) =	sbr.rel .LBB2_4-.Ltmp4, $1  }
0x3b: {  	_ =	sdelay $0x3  }
.LBB2_6:
0x3c: {  	_ =	sfence.sel $0x180000  }
0x3d: {  	s2 =	simm.s32 $0x2;
	[bflag:$0x0] =	sbarrier.arrive $0xFFFF  }
0x3e: {  	s30 =	simm.s32 $0x3;
	[sflag:s2] =	ssyncpa.u1 $0x1  }
0x3f: {  	s31 =	simm.s32 $0x1;
	[sflag:s30] =	ssyncpa.u1 $0x1  }
0x40: {  	[sflag:s31] =	ssyncpa.u1 $0x1  }
0x41: {  	p0 =	sne.s32 s0, $0x0;
	_ =	strace $0x9000004A  }
0x42: {  	s0 =	sadd.s32 @!p0 $0x100000, s1;
	[bflag:$0x2] =	sbarrier.arrive $0xFFFF  }
0x43: {  	[sflag:s0] =	ssyncadd.tile.s32 @!p0 $0x1;
	_ =	shalt  }
.Lfunc_end2:
_tile_overlayer_lowered:
.L_overlay_start_2:
0x44: {  	(tag) =	ssettag $0x2  }
0x45: {  	s0 =	rddreg [dreg:$0x0];
	s2 =	stileid.u32  }
0x46: {  	s1 =	rddreg [dreg:$0x1];
	p0 =	sne.s32 s2, $0x0  }
0x47: {  	s3 =	rddreg [dreg:$0x2];
	[bflag:$0x3] =	sbarrier.arrive $0xFFFF;
	s2 =	simm.s32 @!p0 $0x1C01  }
0x48: {  	[timem:s3], [sflag:s2] =	dma.local @!p0 [hbm:s0], s1  }
0x49: {  	s0 =	simm.s32 @!p0 $0x1  }
0x4a: {  	_ =	swait.ge @!p0 [sflag:s0], s1  }
0x4b: {  	s1 =	ssub.s32 @!p0 $0x0, s1;
	[sflag:s0] =	ssyncset.done @!p0 $0x0  }
0x4c: {  	[sflag:s0] =	ssyncadd.s32 @!p0 s1  }
0x4d: {  	[bflag:$0x3] =	sbarrier.arrive $0xFFFF  }
0x4e: {  	_ =	shalt  }

// kernel: kernel.6.cloned.1.call-start
scs
__scs_entry_jumppad:
0x0: {  	(pc) =	sbr.rel $0x88, $3  }
0x1: {  	(tag) =	ssettag $0x0;
	lr =	simm.s32 $0x1  }
0x2: {  	[smem:$0x3F96] =	sst lr;
	_ =	strace $0xD0000000  }
0x3: {  	_ = 	snop  }
0x4: {  	_ = 	snop  }
0x5: {  	_ = 	snop  }
0x6: {  	_ = 	snop  }
0x7: {  	_ = 	snop  }
__scs_overlays_trampoline_lowered:
0x8: {  	[smem:$0x3FA5] =	sst s0  }
0x9: {  	[smem:$0x3FA6] =	sst s1  }
0xa: {  	[smem:$0x3FA7] =	sst s2  }
0xb: {  	[smem:$0x3FA8] =	sst s3  }
0xc: {  	[smem:$0x3FA9] =	sst s4  }
0xd: {  	[smem:$0x3FAA] =	sst s5  }
0xe: {  	[smem:$0x3FAB] =	sst s6  }
0xf: {  	[smem:$0x3FAC] =	sst s7  }
0x10: {  	[smem:$0x3FAD] =	sst s8  }
0x11: {  	[smem:$0x3FAE] =	sst s9;
	s0 =	simm.s32 @!p0 $0x0  }
0x12: {  	s1 =	sld [smem:$0x3F94];
	s0 =	simm.s32 @p0 $0x1  }
0x13: {  	[smem:$0x3FAF] =	sst s0;
	s0 =	simm.s32 @!p1 $0x0  }
0x14: {  	s2 =	sld [smem:$0x3F93];
	s0 =	simm.s32 @p1 $0x1  }
0x15: {  	[smem:$0x3FB0] =	sst s0;
	s0 =	simm.s32 @!p2 $0x0  }
0x16: {  	s3 =	sld [smem:$0x3FDB];
	s0 =	simm.s32 @p2 $0x1  }
0x17: {  	s4 =	simm.s32 $0x1BF5;
	[smem:$0x3FB2] =	sst s0  }
0x18: {  	s0 =	sld [smem:$0x3F95];
	_ =	swait.ge [sflag:s4], $0x0  }
0x19: {  	s7 =	sld [smem:$0x3F96]  }
0x1a: {  	s8 =	sadd.s32 $0xFFFFE003, lr  }
0x1b: {  	s9 =	sadd.s32 $0xFFFFFEF7, lr;
	s5 =	simm.s32 $0xFFFFFFFF;
	p2 =	slt.u32 s8, $0xFFFFF086  }
0x1c: {  	p1 =	slt.u32 s9, $0xF7A;
	s5 =	simm.s32 @!p2 $0x0  }
0x1d: {  	s5 =	simm.s32 @p1 $0x1;
	p0 =	seq.s32 s7, s2  }
0x1e: {  	s7 =	smul.u32 @!p0 $0xF7A, s2;
	p2 =	seq.s32 @!p0 s5, $0x0  }
0x1f: {  	s9 =	smul.u32 $0xF7A, s1;
	s8 =	simm.s32 @!p0 $0x1BF5;
	p2 =	por !p2, p0  }
0x20: {  	[sflag:s8] =	ssyncset.s32 @!p0 $0xFFFFF086;
	s6 =	sadd.s32 @!p0 s3, s7;
	s7 =	simm.s32 @!p0 $0x108  }
0x21: {  	s3 =	sadd.s32 s3, s9;
	s6 =	sadd.s32 @!p0 $0x88, s6;
	s7 =	simm.s32 @p2 $0x1082  }
0x22: {  	[simem:s7], [sflag:s8] =	dma.local @!p0 [hbm:s6], $0xF7A  }
0x23: {  	s9 =	sor.u32 $0xD0000000, s2;
	s6 =	simm.s32 $0x108;
	_ =	swait.ge @!p0 [sflag:s8], $0x0  }
0x24: {  	s3 =	sadd.s32 $0x88, s3;
	s6 =	simm.s32 @!p1 $0x1082;
	[sflag:s4] =	ssyncset.s32 $0xFFFFF086  }
0x25: {  	[simem:s6], [sflag:s4] =	dma.local [hbm:s3], $0xF7A  }
0x26: {  	[smem:$0x3F96] =	sst s1;
	(tag) =	ssettag s2;
	_ =	strace s9  }
0x27: {  	s1 =	sld [smem:$0x3FA6]  }
0x28: {  	s2 =	sld [smem:$0x3FA7]  }
0x29: {  	s4 =	sld [smem:$0x3FA9]  }
0x2a: {  	p0 =	seq.s32 s5, $0x0;
	s5 =	sld [smem:$0x3FAA]  }
0x2b: {  	s6 =	sld [smem:$0x3FAB]  }
0x2c: {  	s7 =	sld [smem:$0x3FAC]  }
0x2d: {  	s3 =	simm.s32 $0x108;
	s8 =	sld [smem:$0x3FAD]  }
0x2e: {  	s3 =	simm.s32 @!p0 $0x1082;
	s9 =	sld [smem:$0x3FAE]  }
0x2f: {  	lr =	sadd.s32 s0, s3;
	s0 =	sld [smem:$0x3FA5]  }
0x30: {  	s3 =	sld [smem:$0x3FA8]  }
0x31: {  	[smem:$0x3FB1] =	sst s10  }
0x32: {  	s10 =	sld [smem:$0x3FAF];
	_ =	sdelay $0x3  }
0x33: {  	p0 =	seq.s32 s10, $0x1;
	s10 =	sld [smem:$0x3FB1];
	_ =	sdelay $0x3  }
0x34: {  	[smem:$0x3FB1] =	sst s10  }
0x35: {  	s10 =	sld [smem:$0x3FB0];
	_ =	sdelay $0x3  }
0x36: {  	p1 =	seq.s32 s10, $0x1;
	s10 =	sld [smem:$0x3FB1];
	_ =	sdelay $0x3  }
0x37: {  	[smem:$0x3FB1] =	sst s10  }
0x38: {  	s10 =	sld [smem:$0x3FB2]  }
0x39: {  	_ = 	snop;
	(pc) =	sbr.ind lr, $3  }
0x3a: {  	_ = 	snop  }
0x3b: {  	_ = 	snop  }
0x3c: {  	p2 =	seq.s32 s10, $0x1;
	s10 =	sld [smem:$0x3FB1]  }
0x3d: {  	_ =	shalt  }
0x3e: {  	_ =	shalt  }
0x3f: {  	_ =	shalt  }
0x40: {  	_ =	shalt  }
0x41: {  	_ =	shalt  }
0x42: {  	_ =	shalt  }
0x43: {  	_ =	shalt  }
0x44: {  	_ =	shalt  }
0x45: {  	_ =	shalt  }
0x46: {  	_ =	shalt  }
0x47: {  	_ =	shalt  }
0x48: {  	_ =	shalt  }
0x49: {  	_ =	shalt  }
0x4a: {  	_ =	shalt  }
0x4b: {  	_ =	shalt  }
0x4c: {  	_ =	shalt  }
0x4d: {  	_ =	shalt  }
0x4e: {  	_ =	shalt  }
0x4f: {  	_ =	shalt  }
0x50: {  	_ =	shalt  }
0x51: {  	_ =	shalt  }
0x52: {  	_ =	shalt  }
0x53: {  	_ =	shalt  }
0x54: {  	_ =	shalt  }
0x55: {  	_ =	shalt  }
0x56: {  	_ =	shalt  }
0x57: {  	_ =	shalt  }
0x58: {  	_ =	shalt  }
0x59: {  	_ =	shalt  }
0x5a: {  	_ =	shalt  }
0x5b: {  	_ =	shalt  }
0x5c: {  	_ =	shalt  }
0x5d: {  	_ =	shalt  }
0x5e: {  	_ =	shalt  }
0x5f: {  	_ =	shalt  }
0x60: {  	_ =	shalt  }
0x61: {  	_ =	shalt  }
0x62: {  	_ =	shalt  }
0x63: {  	_ =	shalt  }
0x64: {  	_ =	shalt  }
0x65: {  	_ =	shalt  }
0x66: {  	_ =	shalt  }
0x67: {  	_ =	shalt  }
0x68: {  	_ =	shalt  }
0x69: {  	_ =	shalt  }
0x6a: {  	_ =	shalt  }
0x6b: {  	_ =	shalt  }
0x6c: {  	_ =	shalt  }
0x6d: {  	_ =	shalt  }
0x6e: {  	_ =	shalt  }
0x6f: {  	_ =	shalt  }
0x70: {  	_ =	shalt  }
0x71: {  	_ =	shalt  }
0x72: {  	_ =	shalt  }
0x73: {  	_ =	shalt  }
0x74: {  	_ =	shalt  }
0x75: {  	_ =	shalt  }
0x76: {  	_ =	shalt  }
0x77: {  	_ =	shalt  }
0x78: {  	_ =	shalt  }
0x79: {  	_ =	shalt  }
0x7a: {  	_ =	shalt  }
0x7b: {  	_ =	shalt  }
0x7c: {  	_ =	shalt  }
0x7d: {  	_ =	shalt  }
0x7e: {  	_ =	shalt  }
0x7f: {  	_ =	shalt  }
0x80: {  	_ =	shalt  }
0x81: {  	_ =	shalt  }
0x82: {  	_ =	shalt  }
0x83: {  	_ =	shalt  }
0x84: {  	_ =	shalt  }
0x85: {  	_ =	shalt  }
0x86: {  	_ =	shalt  }
0x87: {  	_ =	shalt  }
.Lfunc_end0:
.L_simem_size_0:
called_computation.3_lowered:
.L_overlay_start_0:
0x88: {  	s2 =	sld [smem:$0x3FD9]  }
0x89: {  	s3 =	sld [smem:$0x3FFE];
	_ =	sdelay $0x1  }
0x8a: {  	s1 =	srdreg.scid  }
0x8b: {  	s0 =	sand.u32 $0x1, s1  }
0x8c: {  	s17 =	sshll.u32 s0, $0xA;
	s2 =	sadd.s32 s3, s2  }
0x8d: {  	s2 =	sadd.s32 s2, s17  }
0x8e: {  	[smem:$0x3FBD] =	sst s2  }
0x8f: {  	_ = 	snop  }
0x90: {  	s18 =	sld [smem:$0x3FC9]  }
0x91: {  	s4 =	sld [smem:$0x3FD0];
	(tm) =	ssettm $0x1  }
0x92: {  	s19 =	sld [smem:$0x3FFB];
	_ =	sdelay $0x3  }
0x93: {  	_ =	strace s19  }
0x94: {  	s2 =	sld [smem:$0x3FFC];
	_ =	sdelay $0x3  }
0x95: {  	_ =	strace s2  }
0x96: {  	s2 =	sld [smem:$0x3FFD];
	_ =	sdelay $0x3  }
0x97: {  	_ =	strace s2  }
0x98: {  	_ =	strace $0x8FFFFFFF  }
0x99: {  	s20 =	sld [smem:$0x3FDB];
	_ =	sdelay $0x1  }
0x9a: {  	s5 =	simm.s32 $_scs_section_size  }
0x9b: {  	s6 =	simm.s32 $_size__tile_overlayer_lowered;
	s7 =	simm.s32 $_tile_overlayer_lowered  }
0x9c: {  	s8 =	simm.s32 $0x1BFF;
	s21 =	sshll.u32 s7, $0x1;
	s5 =	sadd.s32 s5, s20  }
0x9d: {  	s22 =	simm.s32 $0x0;
	s6 =	sshll.u32 s6, $0x1;
	s7 =	sadd.s32 s21, s5  }
0x9e: {  	[timem:s22], [sflag:s8] =	dma.local [hbm:s7], s6  }
0x9f: {  	_ =	swait.ge [sflag:s8], s6  }
0xa0: {  	s6 =	ssub.s32 $0x0, s6;
	[sflag:s8] =	ssyncset.done $0x0  }
0xa1: {  	[sflag:s8] =	ssyncadd.s32 s6;
	_ =	sdelay $0x1  }
0xa2: {  	s23 =	simm.s32 $0x1B8B  }
0xa3: {  	_ =	swait.ge [sflag:s23], $0x1  }
0xa4: {  	[sflag:s23] =	ssyncset.done $0x0  }
0xa5: {  	[sflag:s23] =	ssyncadd.s32 $0xFFFFFFFF  }
0xa6: {  	s6 =	sld [smem:$0x0]  }
0xa7: {  	s7 =	sand.u32 $0xFFFFFFFE, s1  }
0xa8: {  	p0 =	sne.s32 s1, s7  }
0xa9: {  	s7 =	sshll.u32 @p0 s7, $0xE  }
0xaa: {  	s7 =	sadd.s32 @p0 $0x11B8D, s7;
	s8 =	sshll.u32 @p0 s6, $0x11  }
0xab: {  	s7 =	sor.u32 @p0 s8, s7  }
0xac: {  	[sflag:s7] =	ssyncadd.remote.s32 @p0 $0x1;
	_ =	sdelay $0x1  }
0xad: {  	s7 =	simm.s32 @p0 $0x1B8D  }
0xae: {  	_ =	swait.eq @p0 [sflag:s7], $0x1  }
0xaf: {  	[sflag:s7] =	ssyncadd.s32 @p0 $0xFFFFFFFF  }
0xb0: {  	s8 =	sshll.u32 @!p0 s1, $0xE  }
0xb1: {  	s8 =	sor.u32 @!p0 $0x4000, s8;
	s7 =	simm.s32 @!p0 $0x1B8D  }
0xb2: {  	s6 =	sshll.u32 @!p0 s6, $0x11;
	s8 =	sadd.s32 @!p0 $0x11B8D, s8;
	_ =	swait.eq @!p0 [sflag:s7], $0x1  }
0xb3: {  	s6 =	sor.u32 @!p0 s6, s8;
	[sflag:s7] =	ssyncadd.s32 @!p0 $0xFFFFFFFF  }
0xb4: {  	s25 =	simm.s32 $0x1B8E;
	s24 =	sld [smem:$0x3FFE];
	[sflag:s6] =	ssyncadd.remote.s32 @!p0 $0x1  }
0xb5: {  	s26 =	simm.s32 $execute0_lowered;
	[smem:$0x3FD2] =	sst s25  }
0xb6: {  	s7 =	sshll.u32 s26, $0x1;
	_ =	strace $0x8000004F;
	[dreg:$0x1] =	wrdreg $0xFFFFFFFF  }
0xb7: {  	s28 =	simm.s32 $_size_execute0_lowered;
	s5 =	sadd.s32 s5, s7;
	[dreg:$0x0] =	wrdreg $0x0  }
0xb8: {  	s7 =	sshll.u32 s28, $0x1;
	[dreg:$0x2] =	wrdreg s5  }
0xb9: {  	[dreg:$0x3] =	wrdreg s7  }
0xba: {  	[dreg:$0x4] =	wrdreg $0xC0  }
0xbb: {  	_ =	task [dreg:s22], $0x5FFFF  }
0xbc: {  	[dreg:$0x1] =	wrdreg $0xFFFFFFFF  }
0xbd: {  	[dreg:$0x0] =	wrdreg $0x60  }
0xbe: {  	[dreg:$0x2] =	wrdreg s18  }
0xbf: {  	[dreg:$0x3] =	wrdreg s4  }
0xc0: {  	[dreg:$0x4] =	wrdreg s24  }
0xc1: {  	[dreg:$0x5] =	wrdreg $0xA  }
0xc2: {  	_ =	task.clear_ibuf [dreg:s22], $0x6FFFF;
	_ =	strace $0x9000004F  }
0xc3: {  	s29 =	simm.s32 $0xA;
	_ =	strace $0x80000051  }
0xc4: {  	_ =	swait.ge [sflag:s29], $0x1  }
0xc5: {  	[sflag:s29] =	ssyncadd.s32 $0xFFFFFFFF  }
0xc6: {  	_ =	strace $0x90000051  }
0xc7: {  	_ =	sfence  }
0xc8: {  	s30 =	sld [smem:$0x0];
	_ =	sdelay $0x2  }
0xc9: {  	s31 =	sshll.u32 s1, $0xD;
	s1 =	sshrl.u32 s1, $0x2  }
0xca: {  	s4 =	sand.u32 $0x4000, s31;
	s1 =	sadd.s32 s1, s30  }
0xcb: {  	s0 =	sor.u32 s4, s0;
	s1 =	sshll.u32 s1, $0x11  }
0xcc: {  	s0 =	sor.u32 s1, s0  }
0xcd: {  	s0 =	sadd.s32 $0x8F2B, s0  }
0xce: {  	[sflag:s0] =	ssyncadd.remote.s32 $0x1  }
0xcf: {  	_ =	sfence.sel $0xFFFF  }
0xd0: {  	[dreg:$0x0] =	wrdreg $0xFFFFFFFF;
	(pc) =	sbr.abs _section_cstart, $3  }
0xd1: {  	[dreg:$0x1] =	wrdreg $0xFFFFFFFF  }
0xd2: {  	_ =	task.clear_ibuf [dreg:s22], $0x2FFFF;
	_ =	strace $0x9FFFFFFF  }
0xd3: {  	(tm) =	ssettm $0x7FFFFFFF  }
tec
execute0_lowered:
.L_overlay_start_1:
0x0: {  	(tag) =	ssettag $0x1  }
0x1: {  	s1 =	srdreg.scid;
	s0 =	stileid.u32  }
0x2: {  	s1 =	sand.u32 $0x1, s1;
	s3 =	sshll.u32 s0, $0x1  }
0x3: {  	s4 =	sor.u32 s1, s3  }
0x4: {  	s2 =	rddreg [dreg:$0x0];
	s3 =	smul.u32 $0xA0, s4  }
0x5: {  	s5 =	rddreg [dreg:$0x1]  }
0x6: {  	s6 =	rddreg [dreg:$0x2];
	s7 =	sshrl.u32 s3, $0x3;
	s3 =	simm.s32 $0x0  }
0x7: {  	s9 =	simm.s32 $0x80;
	[smem:$0x7FF] =	sst s3  }
0x8: {  	s10 =	simm.s32 $0x900;
	_ =	strace $0x80000050;
	[dreg:$0x7] =	wrdreg s9  }
0x9: {  	s11 =	simm.s32 $0x1100;
	[dreg:$0x8] =	wrdreg s10  }
0xa: {  	s12 =	simm.s32 $0x1900;
	[dreg:$0x9] =	wrdreg s11  }
0xb: {  	s13 =	simm.s32 $0x2100;
	[dreg:$0xa] =	wrdreg s12  }
0xc: {  	s14 =	simm.s32 $0x2900;
	[dreg:$0xb] =	wrdreg s13  }
0xd: {  	s15 =	simm.s32 $0x3100;
	[dreg:$0xc] =	wrdreg s14  }
0xe: {  	s16 =	simm.s32 $0x3900;
	[dreg:$0xd] =	wrdreg s15  }
0xf: {  	s17 =	simm.s32 $0x4100;
	[dreg:$0xe] =	wrdreg s16  }
0x10: {  	s18 =	simm.s32 $0x4900;
	[dreg:$0xf] =	wrdreg s17  }
0x11: {  	s19 =	simm.s32 $0x5100;
	[dreg:$0x10] =	wrdreg s18  }
0x12: {  	s20 =	simm.s32 $0x5900;
	[dreg:$0x11] =	wrdreg s19  }
0x13: {  	s21 =	simm.s32 $0x6100;
	[dreg:$0x12] =	wrdreg s20  }
0x14: {  	s22 =	simm.s32 $0x6900;
	[dreg:$0x13] =	wrdreg s21  }
0x15: {  	s23 =	simm.s32 $0x7100;
	[dreg:$0x14] =	wrdreg s22  }
0x16: {  	s24 =	simm.s32 $0x7900;
	[dreg:$0x15] =	wrdreg s23  }
0x17: {  	s25 =	simm.s32 $0x8100;
	[dreg:$0x16] =	wrdreg s24  }
0x18: {  	s26 =	simm.s32 $0x8900;
	[dreg:$0x17] =	wrdreg s25  }
0x19: {  	[dreg:$0x18] =	wrdreg s26;
	s9 =	simm.s32 $0xB100  }
0x1a: {  	s10 =	simm.s32 $0xB900;
	[dreg:$0x1d] =	wrdreg s9  }
0x1b: {  	s11 =	simm.s32 $0xC100;
	[dreg:$0x1e] =	wrdreg s10  }
0x1c: {  	s28 =	simm.s32 $0x1C900;
	s12 =	simm.s32 $0xC900;
	[dreg:$0x1f] =	wrdreg s11  }
0x1d: {  	s29 =	simm.s32 $0x1D100;
	s13 =	simm.s32 $0xD100;
	[smem:$0x7EF] =	sst s12  }
0x1e: {  	s30 =	simm.s32 $0x1D900;
	s14 =	simm.s32 $0xD900;
	[smem:$0x7F0] =	sst s13  }
0x1f: {  	s31 =	simm.s32 $0x1;
	s15 =	simm.s32 $0xE100;
	[smem:$0x7F1] =	sst s14  }
0x20: {  	s1 =	ssub.s32 $0x2, s1;
	s16 =	simm.s32 $0xE900;
	[smem:$0x7F2] =	sst s15  }
0x21: {  	s4 =	sshll.u32 s4, $0x5;
	s17 =	simm.s32 $0xF900;
	[smem:$0x7F3] =	sst s16  }
0x22: {  	s4 =	sadd.s32 s5, s4;
	s18 =	simm.s32 $0x10100;
	[smem:$0x7F4] =	sst s17  }
0x23: {  	s7 =	smul.u32 $0x300, s7;
	s19 =	simm.s32 $0x10900;
	[smem:$0x7F5] =	sst s18  }
0x24: {  	s20 =	simm.s32 $0x11100;
	s21 =	sshrl.u32 s1, $0x1;
	[smem:$0x7F6] =	sst s19  }
0x25: {  	s22 =	simm.s32 $0x11900;
	s23 =	simm.s32 $0x12100;
	[smem:$0x7F7] =	sst s20  }
0x26: {  	s24 =	simm.s32 $0x12900;
	s25 =	simm.s32 $0x13900;
	[smem:$0x7F8] =	sst s22  }
0x27: {  	s26 =	simm.s32 $0x14100;
	s0 =	sadd.s32 s7, s6;
	[smem:$0x7F9] =	sst s23  }
0x28: {  	s7 =	sadd.s32 $0x10, s4;
	s6 =	simm.s32 $0x9900;
	[smem:$0x7FA] =	sst s24  }
0x29: {  	s1 =	ssub.s32 s1, s21;
	[smem:$0x7FC] =	sst s25;
	s9 =	simm.s32 $0x100  }
0x2a: {  	s10 =	simm.s32 $0xF100;
	[smem:$0x7FD] =	sst s26;
	s12 =	simm.s32 $0x15100  }
0x2b: {  	s13 =	simm.s32 $0x15900;
	s14 =	simm.s32 $0x16100;
	s15 =	simm.s32 $0x16900  }
0x2c: {  	s16 =	simm.s32 $0x17100;
	s17 =	simm.s32 $0x17900;
	s18 =	simm.s32 $0x18100  }
0x2d: {  	s19 =	simm.s32 $0x18900;
	s20 =	simm.s32 $0x19100;
	s21 =	simm.s32 $0x19900  }
0x2e: {  	s22 =	simm.s32 $0x1A100;
	s23 =	simm.s32 $0x1A900;
	[dreg:$0x4] =	wrdreg s7  }
0x2f: {  	s24 =	simm.s32 $0x1B100;
	s8 =	sadd.s32 $0xA00, s0;
	[dreg:$0x1a] =	wrdreg s6  }
0x30: {  	s25 =	simm.s32 $0x1B900;
	s5 =	sadd.s32 $0x2800, s0;
	[dreg:$0x5] =	wrdreg s8  }
0x31: {  	s26 =	simm.s32 $0x1C100;
	s0 =	simm.s32 $0x9100;
	[dreg:$0x6] =	wrdreg s5  }
0x32: {  	s7 =	simm.s32 $0xA100;
	s6 =	sadd.s32 $0x200, s2;
	[dreg:$0x19] =	wrdreg s0  }
0x33: {  	v2 =	vlaneseq.u32;
	[dreg:$0x1b] =	wrdreg s7;
	s8 =	simm.s32 $0xA900;
	s5 =	sadd.s32 $0x100, s2  }
0x34: {  	vm0 =	vmmov $0xffff;
	v1 =	vshrl.u32 v2, $0x3;
	s7 =	smax.u32 s1, $0x1;
	[dreg:$0x1c] =	wrdreg s8;
	s8 =	simm.s32 $0x13100  }
0x35: {  	v0 =	vand.u32 $0x7, v2;
	v2 =	vor.u32 $0x8, v2;
	v1 =	vmul.u32 $0x8, v1;
	s1 =	simm.s32 $0x2;
	[smem:$0x7FB] =	sst s8;
	s8 =	simm.s32 $0x3  }
.LBB2_1:
0x36: {  	[tilespmem:s3], [sflag:$0x3] =	stream.linear.gather [hbm4b:s4+s3], $0x80, $0x38;
	[tilespmem:$0x1E100] =	vst v63  }
0x37: {  	_ =	swait.ge [sflag:s8], $0x80  }
0x38: {  	s0 =	rddreg [dreg:$0x4];
	[sflag:s8] =	ssyncset.done $0x0  }
0x39: {  	s11 =	rddreg [dreg:$0x7];
	[sflag:s8] =	ssyncadd.s32 $0xFFFFFF80  }
0x3a: {  	[tilespmem:s11], [sflag:$0x3] =	stream.linear.gather [hbm4b:s0+s3], $0x80, $0x38;
	[tilespmem:$0x1E100] =	vst v63  }
0x3b: {  	_ =	swait.ge [sflag:s8], $0x80  }
0x3c: {  	[sflag:s8] =	ssyncset.done $0x0  }
0x3d: {  	[sflag:s8] =	ssyncadd.s32 $0xFFFFFF80  }
0x3e: {  	v3 =	vld [tilespmem:$0x0];
	_ =	sdelay $0x4  }
0x3f: {  	v4 =	vshrl.u32 v3, $0x3  }
0x40: {  	v4 =	vmul.u32 $0x30, v4  }
0x41: {  	v3 =	vand.u32 $0x7, v3  }
0x42: {  	v3 =	vor.u32 v3, v4  }
0x43: {  	v4 =	vperm.xlane v3, v0;
	_ =	sdelay $0x1  }
0x44: {  	v4 =	vadd.s32 v1, v4;
	_ =	sdelay $0x3  }
0x45: {  	v3 =	vperm.xlane v3, v2  }
0x46: {  	[tilespmem:s9], [sflag:$0x1] =	stream.indirect_vreg.gather [hbm4b:s2+s3], $0x80, v4, vm0, $0xb8;
	[tilespmem:$0x1E100] =	vst v63  }
0x47: {  	s0 =	rddreg [dreg:$0x8];
	v3 =	vadd.s32 v1, v3  }
0x48: {  	[tilespmem:s0], [sflag:$0x1] =	stream.indirect_vreg.gather [hbm4b:s5+s3], $0x80, v4, vm0, $0xb8;
	[tilespmem:$0x1E100] =	vst v63  }
0x49: {  	s11 =	rddreg [dreg:$0x9]  }
0x4a: {  	[tilespmem:s11], [sflag:$0x1] =	stream.indirect_vreg.gather [hbm4b:s6+s3], $0x80, v4, vm0, $0xb8;
	[tilespmem:$0x1E100] =	vst v63  }
0x4b: {  	s0 =	rddreg [dreg:$0xa]  }
0x4c: {  	[tilespmem:s0], [sflag:$0x1] =	stream.indirect_vreg.gather [hbm4b:s2+s3], $0x80, v3, vm0, $0xb8;
	[tilespmem:$0x1E100] =	vst v63  }
0x4d: {  	s11 =	rddreg [dreg:$0xb]  }
0x4e: {  	[tilespmem:s11], [sflag:$0x1] =	stream.indirect_vreg.gather [hbm4b:s5+s3], $0x80, v3, vm0, $0xb8;
	[tilespmem:$0x1E100] =	vst v63  }
0x4f: {  	s0 =	rddreg [dreg:$0xc]  }
0x50: {  	[tilespmem:s0], [sflag:$0x1] =	stream.indirect_vreg.gather [hbm4b:s6+s3], $0x80, v3, vm0, $0xb8;
	[tilespmem:$0x1E100] =	vst v63  }
0x51: {  	v3 =	vld [tilespmem:$0x10];
	_ =	sdelay $0x4  }
0x52: {  	v55 =	vshrl.u32 v3, $0x3  }
0x53: {  	v4 =	vmul.u32 $0x30, v55  }
0x54: {  	v3 =	vand.u32 $0x7, v3  }
0x55: {  	v3 =	vor.u32 v3, v4  }
0x56: {  	v4 =	vperm.xlane v3, v0;
	_ =	sdelay $0x1  }
0x57: {  	v4 =	vadd.s32 v1, v4;
	_ =	sdelay $0x3  }
0x58: {  	s0 =	rddreg [dreg:$0xd];
	v3 =	vperm.xlane v3, v2  }
0x59: {  	[tilespmem:s0], [sflag:$0x1] =	stream.indirect_vreg.gather [hbm4b:s2+s3], $0x80, v4, vm0, $0xb8;
	[tilespmem:$0x1E100] =	vst v63  }
0x5a: {  	s11 =	rddreg [dreg:$0xe];
	v3 =	vadd.s32 v1, v3  }
0x5b: {  	[tilespmem:s11], [sflag:$0x1] =	stream.indirect_vreg.gather [hbm4b:s5+s3], $0x80, v4, vm0, $0xb8;
	[tilespmem:$0x1E100] =	vst v63  }
0x5c: {  	s0 =	rddreg [dreg:$0xf]  }
0x5d: {  	[tilespmem:s0], [sflag:$0x1] =	stream.indirect_vreg.gather [hbm4b:s6+s3], $0x80, v4, vm0, $0xb8;
	[tilespmem:$0x1E100] =	vst v63  }
0x5e: {  	s11 =	rddreg [dreg:$0x10]  }
0x5f: {  	[tilespmem:s11], [sflag:$0x1] =	stream.indirect_vreg.gather [hbm4b:s2+s3], $0x80, v3, vm0, $0xb8;
	[tilespmem:$0x1E100] =	vst v63  }
0x60: {  	s0 =	rddreg [dreg:$0x11]  }
0x61: {  	[tilespmem:s0], [sflag:$0x1] =	stream.indirect_vreg.gather [hbm4b:s5+s3], $0x80, v3, vm0, $0xb8;
	[tilespmem:$0x1E100] =	vst v63  }
0x62: {  	s11 =	rddreg [dreg:$0x12]  }
0x63: {  	[tilespmem:s11], [sflag:$0x1] =	stream.indirect_vreg.gather [hbm4b:s6+s3], $0x80, v3, vm0, $0xb8;
	[tilespmem:$0x1E100] =	vst v63  }
0x64: {  	v3 =	vld [tilespmem:$0x20];
	_ =	sdelay $0x4  }
0x65: {  	v56 =	vshrl.u32 v3, $0x3  }
0x66: {  	v4 =	vmul.u32 $0x30, v56  }
0x67: {  	v3 =	vand.u32 $0x7, v3  }
0x68: {  	v3 =	vor.u32 v3, v4  }
0x69: {  	v4 =	vperm.xlane v3, v0;
	_ =	sdelay $0x1  }
0x6a: {  	v4 =	vadd.s32 v1, v4;
	_ =	sdelay $0x3  }
0x6b: {  	s0 =	rddreg [dreg:$0x13];
	v3 =	vperm.xlane v3, v2  }
0x6c: {  	[tilespmem:s0], [sflag:$0x1] =	stream.indirect_vreg.gather [hbm4b:s2+s3], $0x80, v4, vm0, $0xb8;
	[tilespmem:$0x1E100] =	vst v63  }
0x6d: {  	s11 =	rddreg [dreg:$0x14];
	v3 =	vadd.s32 v1, v3  }
0x6e: {  	[tilespmem:s11], [sflag:$0x1] =	stream.indirect_vreg.gather [hbm4b:s5+s3], $0x80, v4, vm0, $0xb8;
	[tilespmem:$0x1E100] =	vst v63  }
0x6f: {  	s0 =	rddreg [dreg:$0x15]  }
0x70: {  	[tilespmem:s0], [sflag:$0x1] =	stream.indirect_vreg.gather [hbm4b:s6+s3], $0x80, v4, vm0, $0xb8;
	[tilespmem:$0x1E100] =	vst v63  }
0x71: {  	s11 =	rddreg [dreg:$0x16]  }
0x72: {  	[tilespmem:s11], [sflag:$0x1] =	stream.indirect_vreg.gather [hbm4b:s2+s3], $0x80, v3, vm0, $0xb8;
	[tilespmem:$0x1E100] =	vst v63  }
0x73: {  	s0 =	rddreg [dreg:$0x17]  }
0x74: {  	[tilespmem:s0], [sflag:$0x1] =	stream.indirect_vreg.gather [hbm4b:s5+s3], $0x80, v3, vm0, $0xb8;
	[tilespmem:$0x1E100] =	vst v63  }
0x75: {  	s11 =	rddreg [dreg:$0x18]  }
0x76: {  	[tilespmem:s11], [sflag:$0x1] =	stream.indirect_vreg.gather [hbm4b:s6+s3], $0x80, v3, vm0, $0xb8;
	[tilespmem:$0x1E100] =	vst v63  }
0x77: {  	v3 =	vld [tilespmem:$0x30];
	_ =	sdelay $0x4  }
0x78: {  	v57 =	vshrl.u32 v3, $0x3  }
0x79: {  	v4 =	vmul.u32 $0x30, v57  }
0x7a: {  	v3 =	vand.u32 $0x7, v3  }
0x7b: {  	v3 =	vor.u32 v3, v4  }
0x7c: {  	v4 =	vperm.xlane v3, v0;
	_ =	sdelay $0x1  }
0x7d: {  	v4 =	vadd.s32 v1, v4;
	_ =	sdelay $0x3  }
0x7e: {  	s0 =	rddreg [dreg:$0x19];
	v3 =	vperm.xlane v3, v2  }
0x7f: {  	[tilespmem:s0], [sflag:$0x1] =	stream.indirect_vreg.gather [hbm4b:s2+s3], $0x80, v4, vm0, $0xb8;
	[tilespmem:$0x1E100] =	vst v63  }
0x80: {  	s11 =	rddreg [dreg:$0x1a];
	v3 =	vadd.s32 v1, v3  }
0x81: {  	[tilespmem:s11], [sflag:$0x1] =	stream.indirect_vreg.gather [hbm4b:s5+s3], $0x80, v4, vm0, $0xb8;
	[tilespmem:$0x1E100] =	vst v63  }
0x82: {  	s0 =	rddreg [dreg:$0x1b]  }
0x83: {  	[tilespmem:s0], [sflag:$0x1] =	stream.indirect_vreg.gather [hbm4b:s6+s3], $0x80, v4, vm0, $0xb8;
	[tilespmem:$0x1E100] =	vst v63  }
0x84: {  	s11 =	rddreg [dreg:$0x1c]  }
0x85: {  	[tilespmem:s11], [sflag:$0x1] =	stream.indirect_vreg.gather [hbm4b:s2+s3], $0x80, v3, vm0, $0xb8;
	[tilespmem:$0x1E100] =	vst v63  }
0x86: {  	s0 =	rddreg [dreg:$0x1d]  }
0x87: {  	[tilespmem:s0], [sflag:$0x1] =	stream.indirect_vreg.gather [hbm4b:s5+s3], $0x80, v3, vm0, $0xb8;
	[tilespmem:$0x1E100] =	vst v63  }
0x88: {  	s11 =	rddreg [dreg:$0x1e]  }
0x89: {  	[tilespmem:s11], [sflag:$0x1] =	stream.indirect_vreg.gather [hbm4b:s6+s3], $0x80, v3, vm0, $0xb8;
	[tilespmem:$0x1E100] =	vst v63  }
0x8a: {  	v3 =	vld [tilespmem:$0x40];
	_ =	sdelay $0x4  }
0x8b: {  	v58 =	vshrl.u32 v3, $0x3  }
0x8c: {  	v4 =	vmul.u32 $0x30, v58  }
0x8d: {  	v3 =	vand.u32 $0x7, v3  }
0x8e: {  	v3 =	vor.u32 v3, v4  }
0x8f: {  	v4 =	vperm.xlane v3, v0;
	_ =	sdelay $0x1  }
0x90: {  	v4 =	vadd.s32 v1, v4;
	_ =	sdelay $0x2  }
0x91: {  	s0 =	rddreg [dreg:$0x1f]  }
0x92: {  	s11 =	sld [smem:$0x7EF];
	v3 =	vperm.xlane v3, v2  }
0x93: {  	[tilespmem:s0], [sflag:$0x1] =	stream.indirect_vreg.gather [hbm4b:s2+s3], $0x80, v4, vm0, $0xb8;
	[tilespmem:$0x1E100] =	vst v63  }
0x94: {  	v3 =	vadd.s32 v1, v3;
	s0 =	sld [smem:$0x7F0]  }
0x95: {  	[tilespmem:s11], [sflag:$0x1] =	stream.indirect_vreg.gather [hbm4b:s5+s3], $0x80, v4, vm0, $0xb8;
	[tilespmem:$0x1E100] =	vst v63  }
0x96: {  	s11 =	sld [smem:$0x7F1]  }
0x97: {  	[tilespmem:s0], [sflag:$0x1] =	stream.indirect_vreg.gather [hbm4b:s6+s3], $0x80, v4, vm0, $0xb8;
	[tilespmem:$0x1E100] =	vst v63  }
0x98: {  	s0 =	sld [smem:$0x7F2]  }
0x99: {  	[tilespmem:s11], [sflag:$0x1] =	stream.indirect_vreg.gather [hbm4b:s2+s3], $0x80, v3, vm0, $0xb8;
	[tilespmem:$0x1E100] =	vst v63  }
0x9a: {  	s11 =	sld [smem:$0x7F3]  }
0x9b: {  	[tilespmem:s0], [sflag:$0x1] =	stream.indirect_vreg.gather [hbm4b:s5+s3], $0x80, v3, vm0, $0xb8;
	[tilespmem:$0x1E100] =	vst v63  }
0x9c: {  	_ = 	snop  }
0x9d: {  	[tilespmem:s11], [sflag:$0x1] =	stream.indirect_vreg.gather [hbm4b:s6+s3], $0x80, v3, vm0, $0xb8;
	[tilespmem:$0x1E100] =	vst v63  }
0x9e: {  	v3 =	vld [tilespmem:$0x80];
	_ =	sdelay $0x4  }
0x9f: {  	v59 =	vshrl.u32 v3, $0x3  }
0xa0: {  	v4 =	vmul.u32 $0x30, v59  }
0xa1: {  	v3 =	vand.u32 $0x7, v3  }
0xa2: {  	v3 =	vor.u32 v3, v4  }
0xa3: {  	v4 =	vperm.xlane v3, v0;
	_ =	sdelay $0x1  }
0xa4: {  	v4 =	vadd.s32 v1, v4;
	_ =	sdelay $0x3  }
0xa5: {  	s0 =	sld [smem:$0x7F4];
	v3 =	vperm.xlane v3, v2  }
0xa6: {  	[tilespmem:s10], [sflag:$0x2] =	stream.indirect_vreg.gather [hbm4b:s2+s3], $0x80, v4, vm0, $0xb8;
	[tilespmem:$0x1E100] =	vst v63  }
0xa7: {  	s11 =	sld [smem:$0x7F5];
	v3 =	vadd.s32 v1, v3  }
0xa8: {  	[tilespmem:s0], [sflag:$0x2] =	stream.indirect_vreg.gather [hbm4b:s5+s3], $0x80, v4, vm0, $0xb8;
	[tilespmem:$0x1E100] =	vst v63  }
0xa9: {  	s0 =	sld [smem:$0x7F6]  }
0xaa: {  	[tilespmem:s11], [sflag:$0x2] =	stream.indirect_vreg.gather [hbm4b:s6+s3], $0x80, v4, vm0, $0xb8;
	[tilespmem:$0x1E100] =	vst v63  }
0xab: {  	s11 =	sld [smem:$0x7F7]  }
0xac: {  	[tilespmem:s0], [sflag:$0x2] =	stream.indirect_vreg.gather [hbm4b:s2+s3], $0x80, v3, vm0, $0xb8;
	[tilespmem:$0x1E100] =	vst v63  }
0xad: {  	s0 =	sld [smem:$0x7F8]  }
0xae: {  	[tilespmem:s11], [sflag:$0x2] =	stream.indirect_vreg.gather [hbm4b:s5+s3], $0x80, v3, vm0, $0xb8;
	[tilespmem:$0x1E100] =	vst v63  }
0xaf: {  	_ = 	snop  }
0xb0: {  	[tilespmem:s0], [sflag:$0x2] =	stream.indirect_vreg.gather [hbm4b:s6+s3], $0x80, v3, vm0, $0xb8;
	[tilespmem:$0x1E100] =	vst v63  }
0xb1: {  	v3 =	vld [tilespmem:$0x90];
	_ =	sdelay $0x4  }
0xb2: {  	v60 =	vshrl.u32 v3, $0x3  }
0xb3: {  	v4 =	vmul.u32 $0x30, v60  }
0xb4: {  	v3 =	vand.u32 $0x7, v3  }
0xb5: {  	v3 =	vor.u32 v3, v4  }
0xb6: {  	v4 =	vperm.xlane v3, v0;
	_ =	sdelay $0x1  }
0xb7: {  	v4 =	vadd.s32 v1, v4;
	_ =	sdelay $0x1  }
0xb8: {  	s0 =	sld [smem:$0x7F9];
	_ =	sdelay $0x1  }
0xb9: {  	s11 =	sld [smem:$0x7FA];
	v3 =	vperm.xlane v3, v2  }
0xba: {  	[tilespmem:s0], [sflag:$0x2] =	stream.indirect_vreg.gather [hbm4b:s2+s3], $0x80, v4, vm0, $0xb8;
	[tilespmem:$0x1E100] =	vst v63  }
0xbb: {  	v3 =	vadd.s32 v1, v3;
	s0 =	sld [smem:$0x7FB]  }
0xbc: {  	[tilespmem:s11], [sflag:$0x2] =	stream.indirect_vreg.gather [hbm4b:s5+s3], $0x80, v4, vm0, $0xb8;
	[tilespmem:$0x1E100] =	vst v63  }
0xbd: {  	s11 =	sld [smem:$0x7FC]  }
0xbe: {  	[tilespmem:s0], [sflag:$0x2] =	stream.indirect_vreg.gather [hbm4b:s6+s3], $0x80, v4, vm0, $0xb8;
	[tilespmem:$0x1E100] =	vst v63  }
0xbf: {  	s0 =	sld [smem:$0x7FD]  }
0xc0: {  	[tilespmem:s11], [sflag:$0x2] =	stream.indirect_vreg.gather [hbm4b:s2+s3], $0x80, v3, vm0, $0xb8;
	[tilespmem:$0x1E100] =	vst v63  }
0xc1: {  	_ = 	snop  }
0xc2: {  	[tilespmem:s0], [sflag:$0x2] =	stream.indirect_vreg.gather [hbm4b:s5+s3], $0x80, v3, vm0, $0xb8;
	[tilespmem:$0x1E100] =	vst v63  }
0xc3: {  	s11 =	simm.s32 $0x14900  }
0xc4: {  	[tilespmem:s11], [sflag:$0x2] =	stream.indirect_vreg.gather [hbm4b:s6+s3], $0x80, v3, vm0, $0xb8;
	[tilespmem:$0x1E100] =	vst v63  }
0xc5: {  	v3 =	vld [tilespmem:$0xA0];
	_ =	sdelay $0x4  }
0xc6: {  	v61 =	vshrl.u32 v3, $0x3  }
0xc7: {  	v4 =	vmul.u32 $0x30, v61  }
0xc8: {  	v3 =	vand.u32 $0x7, v3  }
0xc9: {  	v3 =	vor.u32 v3, v4  }
0xca: {  	v4 =	vperm.xlane v3, v0;
	_ =	sdelay $0x1  }
0xcb: {  	v4 =	vadd.s32 v1, v4;
	_ =	sdelay $0x3  }
0xcc: {  	v3 =	vperm.xlane v3, v2  }
0xcd: {  	[tilespmem:s12], [sflag:$0x2] =	stream.indirect_vreg.gather [hbm4b:s2+s3], $0x80, v4, vm0, $0xb8;
	[tilespmem:$0x1E100] =	vst v63  }
0xce: {  	v3 =	vadd.s32 v1, v3  }
0xcf: {  	[tilespmem:s13], [sflag:$0x2] =	stream.indirect_vreg.gather [hbm4b:s5+s3], $0x80, v4, vm0, $0xb8;
	[tilespmem:$0x1E100] =	vst v63  }
0xd0: {  	_ = 	snop  }
0xd1: {  	[tilespmem:s14], [sflag:$0x2] =	stream.indirect_vreg.gather [hbm4b:s6+s3], $0x80, v4, vm0, $0xb8;
	[tilespmem:$0x1E100] =	vst v63  }
0xd2: {  	_ = 	snop  }
0xd3: {  	[tilespmem:s15], [sflag:$0x2] =	stream.indirect_vreg.gather [hbm4b:s2+s3], $0x80, v3, vm0, $0xb8;
	[tilespmem:$0x1E100] =	vst v63  }
0xd4: {  	_ = 	snop  }
0xd5: {  	[tilespmem:s16], [sflag:$0x2] =	stream.indirect_vreg.gather [hbm4b:s5+s3], $0x80, v3, vm0, $0xb8;
	[tilespmem:$0x1E100] =	vst v63  }
0xd6: {  	_ = 	snop  }
0xd7: {  	[tilespmem:s17], [sflag:$0x2] =	stream.indirect_vreg.gather [hbm4b:s6+s3], $0x80, v3, vm0, $0xb8;
	[tilespmem:$0x1E100] =	vst v63  }
0xd8: {  	v3 =	vld [tilespmem:$0xB0];
	_ =	sdelay $0x4  }
0xd9: {  	v62 =	vshrl.u32 v3, $0x3  }
0xda: {  	v4 =	vmul.u32 $0x30, v62  }
0xdb: {  	v3 =	vand.u32 $0x7, v3  }
0xdc: {  	v3 =	vor.u32 v3, v4  }
0xdd: {  	v4 =	vperm.xlane v3, v0;
	_ =	sdelay $0x1  }
0xde: {  	v4 =	vadd.s32 v1, v4;
	_ =	sdelay $0x3  }
0xdf: {  	v3 =	vperm.xlane v3, v2  }
0xe0: {  	[tilespmem:s18], [sflag:$0x2] =	stream.indirect_vreg.gather [hbm4b:s2+s3], $0x80, v4, vm0, $0xb8;
	[tilespmem:$0x1E100] =	vst v63  }
0xe1: {  	v3 =	vadd.s32 v1, v3  }
0xe2: {  	[tilespmem:s19], [sflag:$0x2] =	stream.indirect_vreg.gather [hbm4b:s5+s3], $0x80, v4, vm0, $0xb8;
	[tilespmem:$0x1E100] =	vst v63  }
0xe3: {  	_ = 	snop  }
0xe4: {  	[tilespmem:s20], [sflag:$0x2] =	stream.indirect_vreg.gather [hbm4b:s6+s3], $0x80, v4, vm0, $0xb8;
	[tilespmem:$0x1E100] =	vst v63  }
0xe5: {  	_ = 	snop  }
0xe6: {  	[tilespmem:s21], [sflag:$0x2] =	stream.indirect_vreg.gather [hbm4b:s2+s3], $0x80, v3, vm0, $0xb8;
	[tilespmem:$0x1E100] =	vst v63  }
0xe7: {  	_ = 	snop  }
0xe8: {  	[tilespmem:s22], [sflag:$0x2] =	stream.indirect_vreg.gather [hbm4b:s5+s3], $0x80, v3, vm0, $0xb8;
	[tilespmem:$0x1E100] =	vst v63  }
0xe9: {  	_ = 	snop  }
0xea: {  	[tilespmem:s23], [sflag:$0x2] =	stream.indirect_vreg.gather [hbm4b:s6+s3], $0x80, v3, vm0, $0xb8;
	[tilespmem:$0x1E100] =	vst v63  }
0xeb: {  	v3 =	vld [tilespmem:$0xC0];
	_ =	sdelay $0x4  }
0xec: {  	v63 =	vshrl.u32 v3, $0x3  }
0xed: {  	v4 =	vmul.u32 $0x30, v63  }
0xee: {  	v3 =	vand.u32 $0x7, v3  }
0xef: {  	v3 =	vor.u32 v3, v4  }
0xf0: {  	v4 =	vperm.xlane v3, v0;
	_ =	sdelay $0x1  }
0xf1: {  	v4 =	vadd.s32 v1, v4;
	_ =	sdelay $0x3  }
0xf2: {  	v3 =	vperm.xlane v3, v2  }
0xf3: {  	[tilespmem:s24], [sflag:$0x2] =	stream.indirect_vreg.gather [hbm4b:s2+s3], $0x80, v4, vm0, $0xb8;
	[tilespmem:$0x1E100] =	vst v63  }
0xf4: {  	v3 =	vadd.s32 v1, v3  }
0xf5: {  	[tilespmem:s25], [sflag:$0x2] =	stream.indirect_vreg.gather [hbm4b:s5+s3], $0x80, v4, vm0, $0xb8;
	[tilespmem:$0x1E100] =	vst v63  }
0xf6: {  	_ = 	snop  }
0xf7: {  	[tilespmem:s26], [sflag:$0x2] =	stream.indirect_vreg.gather [hbm4b:s6+s3], $0x80, v4, vm0, $0xb8;
	[tilespmem:$0x1E100] =	vst v63  }
0xf8: {  	_ = 	snop  }
0xf9: {  	[tilespmem:s28], [sflag:$0x2] =	stream.indirect_vreg.gather [hbm4b:s2+s3], $0x80, v3, vm0, $0xb8;
	[tilespmem:$0x1E100] =	vst v63  }
0xfa: {  	_ = 	snop  }
0xfb: {  	[tilespmem:s29], [sflag:$0x2] =	stream.indirect_vreg.gather [hbm4b:s5+s3], $0x80, v3, vm0, $0xb8;
	[tilespmem:$0x1E100] =	vst v63  }
0xfc: {  	_ = 	snop  }
0xfd: {  	[tilespmem:s30], [sflag:$0x2] =	stream.indirect_vreg.gather [hbm4b:s6+s3], $0x80, v3, vm0, $0xb8;
	[tilespmem:$0x1E100] =	vst v63  }
0xfe: {  	_ =	swait.ge [sflag:s31], $0xF000  }
0xff: {  	[sflag:s31] =	ssyncset.done $0x0  }
0x100: {  	[sflag:s31] =	ssyncadd.s32 $0xFFFF1000  }
0x101: {  	_ =	swait.ge [sflag:s1], $0xF000  }
0x102: {  	[sflag:s1] =	ssyncset.done $0x0  }
0x103: {  	s11 =	rddreg [dreg:$0x5];
	[sflag:s1] =	ssyncadd.s32 $0xFFFF1000  }
0x104: {  	[hbm4b:s11+s3] =	stream.linear.scatter [tilespmem:s9], [sflag:$0x3], $0xF000, $0x38;
	[tilespmem:$0x1E100] =	vst v63  }
0x105: {  	_ =	swait.ge [sflag:s8], $0xF000  }
0x106: {  	p0 =	sne.s32 s7, $0x1;
	[sflag:s8] =	ssyncset.done $0x0  }
.Ltmp0:
0x107: {  	s11 =	rddreg [dreg:$0x6];
	[sflag:s8] =	ssyncadd.s32 $0xFFFF1000;
	(pc) =	sbr.rel @p0 .LBB2_1-.Ltmp0, $4  }
0x108: {  	[hbm4b:s11+s3] =	stream.linear.scatter [tilespmem:s10], [sflag:$0x3], $0xF000, $0x38;
	[tilespmem:$0x1E100] =	vst v63  }
0x109: {  	_ =	swait.ge [sflag:s8], $0xF000  }
0x10a: {  	[sflag:s8] =	ssyncset.done $0x0  }
0x10b: {  	s7 =	sadd.s32 $0xFFFFFFFF, s7;
	[sflag:s8] =	ssyncadd.s32 $0xFFFF1000  }
0x10c: {  	_ =	sfence.sel $0x180000  }
0x10d: {  	[bflag:$0x0] =	sbarrier.arrive $0xFFFF  }
0x10e: {  	_ =	strace $0x90000050  }
0x10f: {  	s0 =	stileid.u32;
	[bflag:$0x2] =	sbarrier.arrive $0xFFFF  }
0x110: {  	p0 =	sne.s32 s0, $0x0;
	s0 =	rddreg [dreg:$0x3]  }
0x111: {  	s0 =	sadd.s32 @!p0 $0x100000, s0  }
0x112: {  	[sflag:s0] =	ssyncadd.tile.s32 @!p0 $0x1;
	_ =	shalt  }
.Lfunc_end2:
_tile_overlayer_lowered:
.L_overlay_start_2:
0x113: {  	(tag) =	ssettag $0x2  }
0x114: {  	s0 =	rddreg [dreg:$0x0];
	s2 =	stileid.u32  }
0x115: {  	s1 =	rddreg [dreg:$0x1];
	p0 =	sne.s32 s2, $0x0  }
0x116: {  	s3 =	rddreg [dreg:$0x2];
	[bflag:$0x3] =	sbarrier.arrive $0xFFFF;
	s2 =	simm.s32 @!p0 $0x1C03  }
0x117: {  	[timem:s3], [sflag:s2] =	dma.local @!p0 [hbm:s0], s1  }
0x118: {  	s0 =	simm.s32 @!p0 $0x3  }
0x119: {  	_ =	swait.ge @!p0 [sflag:s0], s1  }
0x11a: {  	s1 =	ssub.s32 @!p0 $0x0, s1;
	[sflag:s0] =	ssyncset.done @!p0 $0x0  }
0x11b: {  	[sflag:s0] =	ssyncadd.s32 @!p0 s1  }
0x11c: {  	[bflag:$0x3] =	sbarrier.arrive $0xFFFF  }
0x11d: {  	_ =	shalt  }

// kernel: kernel.9.cloned.1.call-start
scs
__scs_entry_jumppad:
0x0: {  	(pc) =	sbr.rel $0x88, $3  }
0x1: {  	(tag) =	ssettag $0x0;
	lr =	simm.s32 $0x1  }
0x2: {  	[smem:$0x3F96] =	sst lr;
	_ =	strace $0xD0000000  }
0x3: {  	_ = 	snop  }
0x4: {  	_ = 	snop  }
0x5: {  	_ = 	snop  }
0x6: {  	_ = 	snop  }
0x7: {  	_ = 	snop  }
__scs_overlays_trampoline_lowered:
0x8: {  	[smem:$0x3FA5] =	sst s0  }
0x9: {  	[smem:$0x3FA6] =	sst s1  }
0xa: {  	[smem:$0x3FA7] =	sst s2  }
0xb: {  	[smem:$0x3FA8] =	sst s3  }
0xc: {  	[smem:$0x3FA9] =	sst s4  }
0xd: {  	[smem:$0x3FAA] =	sst s5  }
0xe: {  	[smem:$0x3FAB] =	sst s6  }
0xf: {  	[smem:$0x3FAC] =	sst s7  }
0x10: {  	[smem:$0x3FAD] =	sst s8  }
0x11: {  	[smem:$0x3FAE] =	sst s9;
	s0 =	simm.s32 @!p0 $0x0  }
0x12: {  	s1 =	sld [smem:$0x3F94];
	s0 =	simm.s32 @p0 $0x1  }
0x13: {  	[smem:$0x3FAF] =	sst s0;
	s0 =	simm.s32 @!p1 $0x0  }
0x14: {  	s2 =	sld [smem:$0x3F93];
	s0 =	simm.s32 @p1 $0x1  }
0x15: {  	[smem:$0x3FB0] =	sst s0;
	s0 =	simm.s32 @!p2 $0x0  }
0x16: {  	s3 =	sld [smem:$0x3FDB];
	s0 =	simm.s32 @p2 $0x1  }
0x17: {  	s4 =	simm.s32 $0x1BF5;
	[smem:$0x3FB2] =	sst s0  }
0x18: {  	s0 =	sld [smem:$0x3F95];
	_ =	swait.ge [sflag:s4], $0x0  }
0x19: {  	s7 =	sld [smem:$0x3F96]  }
0x1a: {  	s8 =	sadd.s32 $0xFFFFE003, lr  }
0x1b: {  	s9 =	sadd.s32 $0xFFFFFEF7, lr;
	s5 =	simm.s32 $0xFFFFFFFF;
	p2 =	slt.u32 s8, $0xFFFFF086  }
0x1c: {  	p1 =	slt.u32 s9, $0xF7A;
	s5 =	simm.s32 @!p2 $0x0  }
0x1d: {  	s5 =	simm.s32 @p1 $0x1;
	p0 =	seq.s32 s7, s2  }
0x1e: {  	s7 =	smul.u32 @!p0 $0xF7A, s2;
	p2 =	seq.s32 @!p0 s5, $0x0  }
0x1f: {  	s9 =	smul.u32 $0xF7A, s1;
	s8 =	simm.s32 @!p0 $0x1BF5;
	p2 =	por !p2, p0  }
0x20: {  	[sflag:s8] =	ssyncset.s32 @!p0 $0xFFFFF086;
	s6 =	sadd.s32 @!p0 s3, s7;
	s7 =	simm.s32 @!p0 $0x108  }
0x21: {  	s3 =	sadd.s32 s3, s9;
	s6 =	sadd.s32 @!p0 $0x88, s6;
	s7 =	simm.s32 @p2 $0x1082  }
0x22: {  	[simem:s7], [sflag:s8] =	dma.local @!p0 [hbm:s6], $0xF7A  }
0x23: {  	s9 =	sor.u32 $0xD0000000, s2;
	s6 =	simm.s32 $0x108;
	_ =	swait.ge @!p0 [sflag:s8], $0x0  }
0x24: {  	s3 =	sadd.s32 $0x88, s3;
	s6 =	simm.s32 @!p1 $0x1082;
	[sflag:s4] =	ssyncset.s32 $0xFFFFF086  }
0x25: {  	[simem:s6], [sflag:s4] =	dma.local [hbm:s3], $0xF7A  }
0x26: {  	[smem:$0x3F96] =	sst s1;
	(tag) =	ssettag s2;
	_ =	strace s9  }
0x27: {  	s1 =	sld [smem:$0x3FA6]  }
0x28: {  	s2 =	sld [smem:$0x3FA7]  }
0x29: {  	s4 =	sld [smem:$0x3FA9]  }
0x2a: {  	p0 =	seq.s32 s5, $0x0;
	s5 =	sld [smem:$0x3FAA]  }
0x2b: {  	s6 =	sld [smem:$0x3FAB]  }
0x2c: {  	s7 =	sld [smem:$0x3FAC]  }
0x2d: {  	s3 =	simm.s32 $0x108;
	s8 =	sld [smem:$0x3FAD]  }
0x2e: {  	s3 =	simm.s32 @!p0 $0x1082;
	s9 =	sld [smem:$0x3FAE]  }
0x2f: {  	lr =	sadd.s32 s0, s3;
	s0 =	sld [smem:$0x3FA5]  }
0x30: {  	s3 =	sld [smem:$0x3FA8]  }
0x31: {  	[smem:$0x3FB1] =	sst s10  }
0x32: {  	s10 =	sld [smem:$0x3FAF];
	_ =	sdelay $0x3  }
0x33: {  	p0 =	seq.s32 s10, $0x1;
	s10 =	sld [smem:$0x3FB1];
	_ =	sdelay $0x3  }
0x34: {  	[smem:$0x3FB1] =	sst s10  }
0x35: {  	s10 =	sld [smem:$0x3FB0];
	_ =	sdelay $0x3  }
0x36: {  	p1 =	seq.s32 s10, $0x1;
	s10 =	sld [smem:$0x3FB1];
	_ =	sdelay $0x3  }
0x37: {  	[smem:$0x3FB1] =	sst s10  }
0x38: {  	s10 =	sld [smem:$0x3FB2]  }
0x39: {  	_ = 	snop;
	(pc) =	sbr.ind lr, $3  }
0x3a: {  	_ = 	snop  }
0x3b: {  	_ = 	snop  }
0x3c: {  	p2 =	seq.s32 s10, $0x1;
	s10 =	sld [smem:$0x3FB1]  }
0x3d: {  	_ =	shalt  }
0x3e: {  	_ =	shalt  }
0x3f: {  	_ =	shalt  }
0x40: {  	_ =	shalt  }
0x41: {  	_ =	shalt  }
0x42: {  	_ =	shalt  }
0x43: {  	_ =	shalt  }
0x44: {  	_ =	shalt  }
0x45: {  	_ =	shalt  }
0x46: {  	_ =	shalt  }
0x47: {  	_ =	shalt  }
0x48: {  	_ =	shalt  }
0x49: {  	_ =	shalt  }
0x4a: {  	_ =	shalt  }
0x4b: {  	_ =	shalt  }
0x4c: {  	_ =	shalt  }
0x4d: {  	_ =	shalt  }
0x4e: {  	_ =	shalt  }
0x4f: {  	_ =	shalt  }
0x50: {  	_ =	shalt  }
0x51: {  	_ =	shalt  }
0x52: {  	_ =	shalt  }
0x53: {  	_ =	shalt  }
0x54: {  	_ =	shalt  }
0x55: {  	_ =	shalt  }
0x56: {  	_ =	shalt  }
0x57: {  	_ =	shalt  }
0x58: {  	_ =	shalt  }
0x59: {  	_ =	shalt  }
0x5a: {  	_ =	shalt  }
0x5b: {  	_ =	shalt  }
0x5c: {  	_ =	shalt  }
0x5d: {  	_ =	shalt  }
0x5e: {  	_ =	shalt  }
0x5f: {  	_ =	shalt  }
0x60: {  	_ =	shalt  }
0x61: {  	_ =	shalt  }
0x62: {  	_ =	shalt  }
0x63: {  	_ =	shalt  }
0x64: {  	_ =	shalt  }
0x65: {  	_ =	shalt  }
0x66: {  	_ =	shalt  }
0x67: {  	_ =	shalt  }
0x68: {  	_ =	shalt  }
0x69: {  	_ =	shalt  }
0x6a: {  	_ =	shalt  }
0x6b: {  	_ =	shalt  }
0x6c: {  	_ =	shalt  }
0x6d: {  	_ =	shalt  }
0x6e: {  	_ =	shalt  }
0x6f: {  	_ =	shalt  }
0x70: {  	_ =	shalt  }
0x71: {  	_ =	shalt  }
0x72: {  	_ =	shalt  }
0x73: {  	_ =	shalt  }
0x74: {  	_ =	shalt  }
0x75: {  	_ =	shalt  }
0x76: {  	_ =	shalt  }
0x77: {  	_ =	shalt  }
0x78: {  	_ =	shalt  }
0x79: {  	_ =	shalt  }
0x7a: {  	_ =	shalt  }
0x7b: {  	_ =	shalt  }
0x7c: {  	_ =	shalt  }
0x7d: {  	_ =	shalt  }
0x7e: {  	_ =	shalt  }
0x7f: {  	_ =	shalt  }
0x80: {  	_ =	shalt  }
0x81: {  	_ =	shalt  }
0x82: {  	_ =	shalt  }
0x83: {  	_ =	shalt  }
0x84: {  	_ =	shalt  }
0x85: {  	_ =	shalt  }
0x86: {  	_ =	shalt  }
0x87: {  	_ =	shalt  }
.Lfunc_end0:
.L_simem_size_0:
called_computation.4_lowered:
.L_overlay_start_0:
0x88: {  	s2 =	sld [smem:$0x3FD9]  }
0x89: {  	s3 =	sld [smem:$0x3FFE];
	_ =	sdelay $0x1  }
0x8a: {  	s1 =	srdreg.scid  }
0x8b: {  	s0 =	sand.u32 $0x1, s1  }
0x8c: {  	s17 =	sshll.u32 s0, $0xA;
	s2 =	sadd.s32 s3, s2  }
0x8d: {  	s2 =	sadd.s32 s2, s17  }
0x8e: {  	[smem:$0x3FBD] =	sst s2  }
0x8f: {  	_ = 	snop  }
0x90: {  	s2 =	sld [smem:$0x3FD0];
	(tm) =	ssettm $0x1  }
0x91: {  	s18 =	sld [smem:$0x3FFB];
	_ =	sdelay $0x3  }
0x92: {  	_ =	strace s18  }
0x93: {  	s3 =	sld [smem:$0x3FFC];
	_ =	sdelay $0x3  }
0x94: {  	_ =	strace s3  }
0x95: {  	s3 =	sld [smem:$0x3FFD];
	_ =	sdelay $0x3  }
0x96: {  	_ =	strace s3  }
0x97: {  	_ =	strace $0x8FFFFFFF  }
0x98: {  	s19 =	sld [smem:$0x3FDB];
	_ =	sdelay $0x1  }
0x99: {  	s4 =	simm.s32 $_scs_section_size  }
0x9a: {  	s5 =	simm.s32 $_size__tile_overlayer_lowered;
	s6 =	simm.s32 $_tile_overlayer_lowered  }
0x9b: {  	s22 =	simm.s32 $0x1BFF;
	s21 =	sshll.u32 s6, $0x1;
	s3 =	sadd.s32 s4, s19  }
0x9c: {  	s7 =	simm.s32 $0x0;
	s20 =	sshll.u32 s5, $0x1;
	s5 =	sadd.s32 s21, s3  }
0x9d: {  	[timem:s7], [sflag:s22] =	dma.local [hbm:s5], s20  }
0x9e: {  	_ =	swait.ge [sflag:s22], s20  }
0x9f: {  	s4 =	ssub.s32 $0x0, s20;
	[sflag:s22] =	ssyncset.done $0x0  }
0xa0: {  	[sflag:s22] =	ssyncadd.s32 s4;
	_ =	sdelay $0x1  }
0xa1: {  	s23 =	simm.s32 $0x1B8B  }
0xa2: {  	_ =	swait.ge [sflag:s23], $0x1  }
0xa3: {  	[sflag:s23] =	ssyncset.done $0x0  }
0xa4: {  	s25 =	simm.s32 $0x1B8E;
	s24 =	sld [smem:$0x3FFE];
	[sflag:s23] =	ssyncadd.s32 $0xFFFFFFFF  }
0xa5: {  	s26 =	simm.s32 $execute0_lowered;
	[smem:$0x3FD2] =	sst s25  }
0xa6: {  	s5 =	sshll.u32 s26, $0x1;
	_ =	strace $0x80000052;
	[dreg:$0x1] =	wrdreg $0xFFFFFFFF  }
0xa7: {  	s28 =	simm.s32 $_size_execute0_lowered;
	s3 =	sadd.s32 s3, s5;
	[dreg:$0x0] =	wrdreg $0x0  }
0xa8: {  	s5 =	sshll.u32 s28, $0x1;
	[dreg:$0x2] =	wrdreg s3  }
0xa9: {  	[dreg:$0x3] =	wrdreg s5  }
0xaa: {  	[dreg:$0x4] =	wrdreg $0xC0  }
0xab: {  	_ =	task [dreg:s7], $0x5FFFF  }
0xac: {  	[dreg:$0x1] =	wrdreg $0xFFFFFFFF  }
0xad: {  	[dreg:$0x0] =	wrdreg $0x60  }
0xae: {  	[dreg:$0x2] =	wrdreg s24  }
0xaf: {  	[dreg:$0x3] =	wrdreg s2  }
0xb0: {  	[dreg:$0x4] =	wrdreg $0x9  }
0xb1: {  	_ =	task.clear_ibuf [dreg:s7], $0x5FFFF;
	_ =	strace $0x90000052  }
0xb2: {  	s29 =	simm.s32 $0x9;
	_ =	strace $0x80000054  }
0xb3: {  	_ =	swait.ge [sflag:s29], $0x1  }
0xb4: {  	[sflag:s29] =	ssyncadd.s32 $0xFFFFFFFF  }
0xb5: {  	_ =	strace $0x90000054  }
0xb6: {  	_ =	sfence  }
0xb7: {  	s30 =	sld [smem:$0x0];
	_ =	sdelay $0x2  }
0xb8: {  	s31 =	sshll.u32 s1, $0xD;
	s1 =	sshrl.u32 s1, $0x2  }
0xb9: {  	s3 =	sand.u32 $0x4000, s31;
	s1 =	sadd.s32 s1, s30  }
0xba: {  	s0 =	sor.u32 s3, s0;
	s1 =	sshll.u32 s1, $0x11  }
0xbb: {  	s0 =	sor.u32 s1, s0  }
0xbc: {  	s0 =	sadd.s32 $0x8F2B, s0  }
0xbd: {  	[sflag:s0] =	ssyncadd.remote.s32 $0x1  }
0xbe: {  	_ =	sfence.sel $0xFFFF  }
0xbf: {  	[dreg:$0x0] =	wrdreg $0xFFFFFFFF;
	(pc) =	sbr.abs _section_cstart, $3  }
0xc0: {  	[dreg:$0x1] =	wrdreg $0xFFFFFFFF  }
0xc1: {  	_ =	task.clear_ibuf [dreg:s7], $0x2FFFF;
	_ =	strace $0x9FFFFFFF  }
0xc2: {  	(tm) =	ssettm $0x7FFFFFFF  }
0xc3: {  	_ =	shalt  }
tec
execute0_lowered:
.L_overlay_start_1:
0x0: {  	(tag) =	ssettag $0x1  }
0x1: {  	s0 =	rddreg [dreg:$0x0]  }
0x2: {  	s1 =	rddreg [dreg:$0x1];
	s3 =	srdreg.scid  }
0x3: {  	s2 =	simm.s32 $0x0;
	s4 =	stileid.u32;
	s10 =	simm.s32 $0x3  }
0x4: {  	s12 =	simm.s32 $0x100;
	s11 =	simm.s32 $0x15100;
	s13 =	simm.s32 $0x15900  }
0x5: {  	s14 =	simm.s32 $0x16100;
	s15 =	simm.s32 $0x16900;
	s16 =	simm.s32 $0x17100  }
0x6: {  	s17 =	simm.s32 $0x17900;
	s18 =	simm.s32 $0x1;
	s19 =	simm.s32 $0x2  }
0x7: {  	s20 =	simm.s32 $0x0;
	s3 =	sand.u32 $0x1, s3;
	[smem:$0x7FF] =	sst s2  }
0x8: {  	s4 =	sshll.u32 s4, $0x4;
	s7 =	sadd.s32 $0x78C00, s0;
	s5 =	sshll.u32 s3, $0x3  }
0x9: {  	_ =	strace $0x80000053;
	s6 =	ssub.s32 $0x2, s3;
	s4 =	sor.u32 s5, s4  }
0xa: {  	v2 =	vlaneseq.u32;
	s31 =	sshrl.u32 s6, $0x1;
	s3 =	sadd.s32 s0, s4;
	s8 =	smul.u32 $0x300, s4  }
0xb: {  	vm0 =	vmmov $0xffff;
	v1 =	vshrl.u32 v2, $0x3;
	s4 =	sadd.s32 $0x78A00, s0;
	s9 =	ssub.s32 s6, s31;
	s6 =	sadd.s32 $0x78B00, s0  }
0xc: {  	v0 =	vand.u32 $0x7, v2;
	v2 =	vor.u32 $0x8, v2;
	v1 =	vmul.u32 $0x8, v1;
	s5 =	sadd.s32 $0x200, s3;
	s9 =	smax.u32 s9, $0x1;
	s8 =	sadd.s32 s1, s8  }
.LBB2_1:
0xd: {  	[tilespmem:s2], [sflag:$0x3] =	stream.linear.gather [hbm4b:s5+s2], $0x40, $0x38;
	[tilespmem:$0x18100] =	vst v63  }
0xe: {  	_ =	swait.ge [sflag:s10], $0x40  }
0xf: {  	[sflag:s10] =	ssyncset.done $0x0  }
0x10: {  	s0 =	simm.s32 $0x80;
	[sflag:s10] =	ssyncadd.s32 $0xFFFFFFC0  }
0x11: {  	[tilespmem:s0], [sflag:$0x3] =	stream.linear.gather [hbm4b:s3+s2], $0x40, $0x38;
	[tilespmem:$0x18100] =	vst v63  }
0x12: {  	_ =	swait.ge [sflag:s10], $0x40  }
0x13: {  	[sflag:s10] =	ssyncset.done $0x0  }
0x14: {  	[sflag:s10] =	ssyncadd.s32 $0xFFFFFFC0  }
0x15: {  	v3 =	vld [tilespmem:$0x0];
	_ =	sdelay $0x4  }
0x16: {  	v4 =	vshrl.u32 v3, $0x3  }
0x17: {  	v4 =	vmul.u32 $0x30, v4  }
0x18: {  	v3 =	vand.u32 $0x7, v3  }
0x19: {  	v3 =	vor.u32 v3, v4  }
0x1a: {  	v4 =	vperm.xlane v3, v0;
	_ =	sdelay $0x1  }
0x1b: {  	v4 =	vadd.s32 v1, v4;
	_ =	sdelay $0x3  }
0x1c: {  	v3 =	vperm.xlane v3, v2  }
0x1d: {  	[tilespmem:s12], [sflag:$0x1] =	stream.indirect_vreg.gather [hbm4b:s4+s2], $0x80, v4, vm0, $0xb8;
	[tilespmem:$0x18100] =	vst v63  }
0x1e: {  	s1 =	simm.s32 $0x900;
	v3 =	vadd.s32 v1, v3  }
0x1f: {  	[tilespmem:s1], [sflag:$0x1] =	stream.indirect_vreg.gather [hbm4b:s6+s2], $0x80, v4, vm0, $0xb8;
	[tilespmem:$0x18100] =	vst v63  }
0x20: {  	s21 =	simm.s32 $0x1100  }
0x21: {  	[tilespmem:s21], [sflag:$0x1] =	stream.indirect_vreg.gather [hbm4b:s7+s2], $0x80, v4, vm0, $0xb8;
	[tilespmem:$0x18100] =	vst v63  }
0x22: {  	s22 =	simm.s32 $0x1900  }
0x23: {  	[tilespmem:s22], [sflag:$0x1] =	stream.indirect_vreg.gather [hbm4b:s4+s2], $0x80, v3, vm0, $0xb8;
	[tilespmem:$0x18100] =	vst v63  }
0x24: {  	s23 =	simm.s32 $0x2100  }
0x25: {  	[tilespmem:s23], [sflag:$0x1] =	stream.indirect_vreg.gather [hbm4b:s6+s2], $0x80, v3, vm0, $0xb8;
	[tilespmem:$0x18100] =	vst v63  }
0x26: {  	s24 =	simm.s32 $0x2900  }
0x27: {  	[tilespmem:s24], [sflag:$0x1] =	stream.indirect_vreg.gather [hbm4b:s7+s2], $0x80, v3, vm0, $0xb8;
	[tilespmem:$0x18100] =	vst v63  }
0x28: {  	v3 =	vld [tilespmem:$0x10];
	_ =	sdelay $0x4  }
0x29: {  	v4 =	vshrl.u32 v3, $0x3  }
0x2a: {  	v4 =	vmul.u32 $0x30, v4  }
0x2b: {  	v3 =	vand.u32 $0x7, v3  }
0x2c: {  	v3 =	vor.u32 v3, v4  }
0x2d: {  	v4 =	vperm.xlane v3, v0;
	_ =	sdelay $0x1  }
0x2e: {  	v4 =	vadd.s32 v1, v4;
	_ =	sdelay $0x3  }
0x2f: {  	s25 =	simm.s32 $0x3100;
	v3 =	vperm.xlane v3, v2  }
0x30: {  	[tilespmem:s25], [sflag:$0x1] =	stream.indirect_vreg.gather [hbm4b:s4+s2], $0x80, v4, vm0, $0xb8;
	[tilespmem:$0x18100] =	vst v63  }
0x31: {  	s26 =	simm.s32 $0x3900;
	v3 =	vadd.s32 v1, v3  }
0x32: {  	[tilespmem:s26], [sflag:$0x1] =	stream.indirect_vreg.gather [hbm4b:s6+s2], $0x80, v4, vm0, $0xb8;
	[tilespmem:$0x18100] =	vst v63  }
0x33: {  	s28 =	simm.s32 $0x4100  }
0x34: {  	[tilespmem:s28], [sflag:$0x1] =	stream.indirect_vreg.gather [hbm4b:s7+s2], $0x80, v4, vm0, $0xb8;
	[tilespmem:$0x18100] =	vst v63  }
0x35: {  	s29 =	simm.s32 $0x4900  }
0x36: {  	[tilespmem:s29], [sflag:$0x1] =	stream.indirect_vreg.gather [hbm4b:s4+s2], $0x80, v3, vm0, $0xb8;
	[tilespmem:$0x18100] =	vst v63  }
0x37: {  	s30 =	simm.s32 $0x5100  }
0x38: {  	[tilespmem:s30], [sflag:$0x1] =	stream.indirect_vreg.gather [hbm4b:s6+s2], $0x80, v3, vm0, $0xb8;
	[tilespmem:$0x18100] =	vst v63  }
0x39: {  	s31 =	simm.s32 $0x5900  }
0x3a: {  	[tilespmem:s31], [sflag:$0x1] =	stream.indirect_vreg.gather [hbm4b:s7+s2], $0x80, v3, vm0, $0xb8;
	[tilespmem:$0x18100] =	vst v63  }
0x3b: {  	v3 =	vld [tilespmem:$0x20];
	_ =	sdelay $0x4  }
0x3c: {  	v4 =	vshrl.u32 v3, $0x3  }
0x3d: {  	v4 =	vmul.u32 $0x30, v4  }
0x3e: {  	v3 =	vand.u32 $0x7, v3  }
0x3f: {  	v3 =	vor.u32 v3, v4  }
0x40: {  	v4 =	vperm.xlane v3, v0;
	_ =	sdelay $0x1  }
0x41: {  	v4 =	vadd.s32 v1, v4;
	_ =	sdelay $0x3  }
0x42: {  	s1 =	simm.s32 $0x6100;
	v3 =	vperm.xlane v3, v2  }
0x43: {  	[tilespmem:s1], [sflag:$0x1] =	stream.indirect_vreg.gather [hbm4b:s4+s2], $0x80, v4, vm0, $0xb8;
	[tilespmem:$0x18100] =	vst v63  }
0x44: {  	s21 =	simm.s32 $0x6900;
	v3 =	vadd.s32 v1, v3  }
0x45: {  	[tilespmem:s21], [sflag:$0x1] =	stream.indirect_vreg.gather [hbm4b:s6+s2], $0x80, v4, vm0, $0xb8;
	[tilespmem:$0x18100] =	vst v63  }
0x46: {  	s22 =	simm.s32 $0x7100  }
0x47: {  	[tilespmem:s22], [sflag:$0x1] =	stream.indirect_vreg.gather [hbm4b:s7+s2], $0x80, v4, vm0, $0xb8;
	[tilespmem:$0x18100] =	vst v63  }
0x48: {  	s23 =	simm.s32 $0x7900  }
0x49: {  	[tilespmem:s23], [sflag:$0x1] =	stream.indirect_vreg.gather [hbm4b:s4+s2], $0x80, v3, vm0, $0xb8;
	[tilespmem:$0x18100] =	vst v63  }
0x4a: {  	s24 =	simm.s32 $0x8100  }
0x4b: {  	[tilespmem:s24], [sflag:$0x1] =	stream.indirect_vreg.gather [hbm4b:s6+s2], $0x80, v3, vm0, $0xb8;
	[tilespmem:$0x18100] =	vst v63  }
0x4c: {  	s25 =	simm.s32 $0x8900  }
0x4d: {  	[tilespmem:s25], [sflag:$0x1] =	stream.indirect_vreg.gather [hbm4b:s7+s2], $0x80, v3, vm0, $0xb8;
	[tilespmem:$0x18100] =	vst v63  }
0x4e: {  	v3 =	vld [tilespmem:$0x30];
	_ =	sdelay $0x4  }
0x4f: {  	v4 =	vshrl.u32 v3, $0x3  }
0x50: {  	v4 =	vmul.u32 $0x30, v4  }
0x51: {  	v3 =	vand.u32 $0x7, v3  }
0x52: {  	v3 =	vor.u32 v3, v4  }
0x53: {  	v4 =	vperm.xlane v3, v0;
	_ =	sdelay $0x1  }
0x54: {  	v4 =	vadd.s32 v1, v4;
	_ =	sdelay $0x3  }
0x55: {  	s26 =	simm.s32 $0x9100;
	v3 =	vperm.xlane v3, v2  }
0x56: {  	[tilespmem:s26], [sflag:$0x1] =	stream.indirect_vreg.gather [hbm4b:s4+s2], $0x80, v4, vm0, $0xb8;
	[tilespmem:$0x18100] =	vst v63  }
0x57: {  	s28 =	simm.s32 $0x9900;
	v3 =	vadd.s32 v1, v3  }
0x58: {  	[tilespmem:s28], [sflag:$0x1] =	stream.indirect_vreg.gather [hbm4b:s6+s2], $0x80, v4, vm0, $0xb8;
	[tilespmem:$0x18100] =	vst v63  }
0x59: {  	s29 =	simm.s32 $0xA100  }
0x5a: {  	[tilespmem:s29], [sflag:$0x1] =	stream.indirect_vreg.gather [hbm4b:s7+s2], $0x80, v4, vm0, $0xb8;
	[tilespmem:$0x18100] =	vst v63  }
0x5b: {  	s30 =	simm.s32 $0xA900  }
0x5c: {  	[tilespmem:s30], [sflag:$0x1] =	stream.indirect_vreg.gather [hbm4b:s4+s2], $0x80, v3, vm0, $0xb8;
	[tilespmem:$0x18100] =	vst v63  }
0x5d: {  	s31 =	simm.s32 $0xB100  }
0x5e: {  	[tilespmem:s31], [sflag:$0x1] =	stream.indirect_vreg.gather [hbm4b:s6+s2], $0x80, v3, vm0, $0xb8;
	[tilespmem:$0x18100] =	vst v63  }
0x5f: {  	s1 =	simm.s32 $0xB900  }
0x60: {  	[tilespmem:s1], [sflag:$0x1] =	stream.indirect_vreg.gather [hbm4b:s7+s2], $0x80, v3, vm0, $0xb8;
	[tilespmem:$0x18100] =	vst v63  }
0x61: {  	v3 =	vld [tilespmem:$0x80];
	_ =	sdelay $0x4  }
0x62: {  	v4 =	vshrl.u32 v3, $0x3  }
0x63: {  	v4 =	vmul.u32 $0x30, v4  }
0x64: {  	v3 =	vand.u32 $0x7, v3  }
0x65: {  	v3 =	vor.u32 v3, v4  }
0x66: {  	v4 =	vperm.xlane v3, v0;
	_ =	sdelay $0x1  }
0x67: {  	v4 =	vadd.s32 v1, v4;
	_ =	sdelay $0x3  }
0x68: {  	s21 =	simm.s32 $0xC100;
	v3 =	vperm.xlane v3, v2  }
0x69: {  	[tilespmem:s21], [sflag:$0x2] =	stream.indirect_vreg.gather [hbm4b:s4+s2], $0x80, v4, vm0, $0xb8;
	[tilespmem:$0x18100] =	vst v63  }
0x6a: {  	s22 =	simm.s32 $0xC900;
	v3 =	vadd.s32 v1, v3  }
0x6b: {  	[tilespmem:s22], [sflag:$0x2] =	stream.indirect_vreg.gather [hbm4b:s6+s2], $0x80, v4, vm0, $0xb8;
	[tilespmem:$0x18100] =	vst v63  }
0x6c: {  	s23 =	simm.s32 $0xD100  }
0x6d: {  	[tilespmem:s23], [sflag:$0x2] =	stream.indirect_vreg.gather [hbm4b:s7+s2], $0x80, v4, vm0, $0xb8;
	[tilespmem:$0x18100] =	vst v63  }
0x6e: {  	s24 =	simm.s32 $0xD900  }
0x6f: {  	[tilespmem:s24], [sflag:$0x2] =	stream.indirect_vreg.gather [hbm4b:s4+s2], $0x80, v3, vm0, $0xb8;
	[tilespmem:$0x18100] =	vst v63  }
0x70: {  	s25 =	simm.s32 $0xE100  }
0x71: {  	[tilespmem:s25], [sflag:$0x2] =	stream.indirect_vreg.gather [hbm4b:s6+s2], $0x80, v3, vm0, $0xb8;
	[tilespmem:$0x18100] =	vst v63  }
0x72: {  	s26 =	simm.s32 $0xE900  }
0x73: {  	[tilespmem:s26], [sflag:$0x2] =	stream.indirect_vreg.gather [hbm4b:s7+s2], $0x80, v3, vm0, $0xb8;
	[tilespmem:$0x18100] =	vst v63  }
0x74: {  	v3 =	vld [tilespmem:$0x90];
	_ =	sdelay $0x4  }
0x75: {  	v4 =	vshrl.u32 v3, $0x3  }
0x76: {  	v4 =	vmul.u32 $0x30, v4  }
0x77: {  	v3 =	vand.u32 $0x7, v3  }
0x78: {  	v3 =	vor.u32 v3, v4  }
0x79: {  	v4 =	vperm.xlane v3, v0;
	_ =	sdelay $0x1  }
0x7a: {  	v4 =	vadd.s32 v1, v4;
	_ =	sdelay $0x3  }
0x7b: {  	s28 =	simm.s32 $0xF100;
	v3 =	vperm.xlane v3, v2  }
0x7c: {  	[tilespmem:s28], [sflag:$0x2] =	stream.indirect_vreg.gather [hbm4b:s4+s2], $0x80, v4, vm0, $0xb8;
	[tilespmem:$0x18100] =	vst v63  }
0x7d: {  	s29 =	simm.s32 $0xF900;
	v3 =	vadd.s32 v1, v3  }
0x7e: {  	[tilespmem:s29], [sflag:$0x2] =	stream.indirect_vreg.gather [hbm4b:s6+s2], $0x80, v4, vm0, $0xb8;
	[tilespmem:$0x18100] =	vst v63  }
0x7f: {  	s30 =	simm.s32 $0x10100  }
0x80: {  	[tilespmem:s30], [sflag:$0x2] =	stream.indirect_vreg.gather [hbm4b:s7+s2], $0x80, v4, vm0, $0xb8;
	[tilespmem:$0x18100] =	vst v63  }
0x81: {  	s31 =	simm.s32 $0x10900  }
0x82: {  	[tilespmem:s31], [sflag:$0x2] =	stream.indirect_vreg.gather [hbm4b:s4+s2], $0x80, v3, vm0, $0xb8;
	[tilespmem:$0x18100] =	vst v63  }
0x83: {  	s1 =	simm.s32 $0x11100  }
0x84: {  	[tilespmem:s1], [sflag:$0x2] =	stream.indirect_vreg.gather [hbm4b:s6+s2], $0x80, v3, vm0, $0xb8;
	[tilespmem:$0x18100] =	vst v63  }
0x85: {  	s21 =	simm.s32 $0x11900  }
0x86: {  	[tilespmem:s21], [sflag:$0x2] =	stream.indirect_vreg.gather [hbm4b:s7+s2], $0x80, v3, vm0, $0xb8;
	[tilespmem:$0x18100] =	vst v63  }
0x87: {  	v3 =	vld [tilespmem:$0xA0];
	_ =	sdelay $0x4  }
0x88: {  	v4 =	vshrl.u32 v3, $0x3  }
0x89: {  	v4 =	vmul.u32 $0x30, v4  }
0x8a: {  	v3 =	vand.u32 $0x7, v3  }
0x8b: {  	v3 =	vor.u32 v3, v4  }
0x8c: {  	v4 =	vperm.xlane v3, v0;
	_ =	sdelay $0x1  }
0x8d: {  	v4 =	vadd.s32 v1, v4;
	_ =	sdelay $0x3  }
0x8e: {  	s22 =	simm.s32 $0x12100;
	v3 =	vperm.xlane v3, v2  }
0x8f: {  	[tilespmem:s22], [sflag:$0x2] =	stream.indirect_vreg.gather [hbm4b:s4+s2], $0x80, v4, vm0, $0xb8;
	[tilespmem:$0x18100] =	vst v63  }
0x90: {  	s23 =	simm.s32 $0x12900;
	v3 =	vadd.s32 v1, v3  }
0x91: {  	[tilespmem:s23], [sflag:$0x2] =	stream.indirect_vreg.gather [hbm4b:s6+s2], $0x80, v4, vm0, $0xb8;
	[tilespmem:$0x18100] =	vst v63  }
0x92: {  	s24 =	simm.s32 $0x13100  }
0x93: {  	[tilespmem:s24], [sflag:$0x2] =	stream.indirect_vreg.gather [hbm4b:s7+s2], $0x80, v4, vm0, $0xb8;
	[tilespmem:$0x18100] =	vst v63  }
0x94: {  	s25 =	simm.s32 $0x13900  }
0x95: {  	[tilespmem:s25], [sflag:$0x2] =	stream.indirect_vreg.gather [hbm4b:s4+s2], $0x80, v3, vm0, $0xb8;
	[tilespmem:$0x18100] =	vst v63  }
0x96: {  	s26 =	simm.s32 $0x14100  }
0x97: {  	[tilespmem:s26], [sflag:$0x2] =	stream.indirect_vreg.gather [hbm4b:s6+s2], $0x80, v3, vm0, $0xb8;
	[tilespmem:$0x18100] =	vst v63  }
0x98: {  	s28 =	simm.s32 $0x14900  }
0x99: {  	[tilespmem:s28], [sflag:$0x2] =	stream.indirect_vreg.gather [hbm4b:s7+s2], $0x80, v3, vm0, $0xb8;
	[tilespmem:$0x18100] =	vst v63  }
0x9a: {  	v3 =	vld [tilespmem:$0xB0];
	_ =	sdelay $0x4  }
0x9b: {  	v4 =	vshrl.u32 v3, $0x3  }
0x9c: {  	v4 =	vmul.u32 $0x30, v4  }
0x9d: {  	v3 =	vand.u32 $0x7, v3  }
0x9e: {  	v3 =	vor.u32 v3, v4  }
0x9f: {  	v4 =	vperm.xlane v3, v0;
	_ =	sdelay $0x1  }
0xa0: {  	v4 =	vadd.s32 v1, v4;
	_ =	sdelay $0x3  }
0xa1: {  	v3 =	vperm.xlane v3, v2  }
0xa2: {  	[tilespmem:s11], [sflag:$0x2] =	stream.indirect_vreg.gather [hbm4b:s4+s2], $0x80, v4, vm0, $0xb8;
	[tilespmem:$0x18100] =	vst v63  }
0xa3: {  	v3 =	vadd.s32 v1, v3  }
0xa4: {  	[tilespmem:s13], [sflag:$0x2] =	stream.indirect_vreg.gather [hbm4b:s6+s2], $0x80, v4, vm0, $0xb8;
	[tilespmem:$0x18100] =	vst v63  }
0xa5: {  	_ = 	snop  }
0xa6: {  	[tilespmem:s14], [sflag:$0x2] =	stream.indirect_vreg.gather [hbm4b:s7+s2], $0x80, v4, vm0, $0xb8;
	[tilespmem:$0x18100] =	vst v63  }
0xa7: {  	_ = 	snop  }
0xa8: {  	[tilespmem:s15], [sflag:$0x2] =	stream.indirect_vreg.gather [hbm4b:s4+s2], $0x80, v3, vm0, $0xb8;
	[tilespmem:$0x18100] =	vst v63  }
0xa9: {  	_ = 	snop  }
0xaa: {  	[tilespmem:s16], [sflag:$0x2] =	stream.indirect_vreg.gather [hbm4b:s6+s2], $0x80, v3, vm0, $0xb8;
	[tilespmem:$0x18100] =	vst v63  }
0xab: {  	_ = 	snop  }
0xac: {  	[tilespmem:s17], [sflag:$0x2] =	stream.indirect_vreg.gather [hbm4b:s7+s2], $0x80, v3, vm0, $0xb8;
	[tilespmem:$0x18100] =	vst v63  }
0xad: {  	_ =	swait.ge [sflag:s18], $0xC000  }
0xae: {  	[sflag:s18] =	ssyncset.done $0x0  }
0xaf: {  	s29 =	simm.s32 $0x0;
	[sflag:s18] =	ssyncadd.s32 $0xFFFF4000  }
0xb0: {  	s21 =	sand.u32 $0x300, s2;
	s22 =	smul.u32 $0x1800, s29;
	_ =	swait.ge [sflag:s19], $0xC000  }
0xb1: {  	s30 =	sor.u32 $0x80, s21;
	[sflag:s19] =	ssyncset.done $0x0  }
0xb2: {  	s1 =	sor.u32 s22, s30;
	[sflag:s19] =	ssyncadd.s32 $0xFFFF4000  }
0xb3: {  	v3 =	vld [tilespmem:s1+$0x100]  }
0xb4: {  	v4 =	vld [tilespmem:s1+$0xC100]  }
0xb5: {  	v5 =	vld [tilespmem:s1+$0x110]  }
0xb6: {  	v6 =	vld [tilespmem:s1+$0xC110]  }
0xb7: {  	v7 =	vld [tilespmem:s1+$0x120]  }
0xb8: {  	v8 =	vld [tilespmem:s1+$0xC120]  }
0xb9: {  	v9 =	vld [tilespmem:s1+$0x130]  }
0xba: {  	v10 =	vld [tilespmem:s1+$0xC130]  }
0xbb: {  	v11 =	vld [tilespmem:s1+$0x140]  }
0xbc: {  	v12 =	vld [tilespmem:s1+$0xC140]  }
0xbd: {  	v13 =	vld [tilespmem:s1+$0x150]  }
0xbe: {  	v14 =	vld [tilespmem:s1+$0xC150]  }
0xbf: {  	v15 =	vld [tilespmem:s1+$0x160]  }
0xc0: {  	v16 =	vld [tilespmem:s1+$0xC160]  }
0xc1: {  	v17 =	vld [tilespmem:s1+$0x170]  }
0xc2: {  	v18 =	vld [tilespmem:s1+$0xC170]  }
0xc3: {  	v19 =	vld [tilespmem:s1+$0x500]  }
0xc4: {  	v20 =	vld [tilespmem:s1+$0xC500]  }
0xc5: {  	v21 =	vld [tilespmem:s1+$0x510]  }
0xc6: {  	v22 =	vld [tilespmem:s1+$0xC510]  }
0xc7: {  	v23 =	vld [tilespmem:s1+$0x520]  }
0xc8: {  	v36 =	vld [tilespmem:s1+$0xC560];
	v3 =	vadd.f32 v4, v3  }
0xc9: {  	v37 =	vld [tilespmem:s1+$0x570];
	v5 =	vadd.f32 v6, v5  }
0xca: {  	v38 =	vld [tilespmem:s1+$0xC570];
	[tilespmem:s1+$0x100] =	vst v3;
	v3 =	vadd.f32 v8, v7  }
0xcb: {  	v4 =	vld [tilespmem:s1+$0xC520];
	[tilespmem:s1+$0x110] =	vst v5;
	v5 =	vadd.f32 v10, v9  }
0xcc: {  	v6 =	vld [tilespmem:s1+$0x530];
	[tilespmem:s1+$0x120] =	vst v3;
	v3 =	vadd.f32 v12, v11  }
0xcd: {  	v7 =	vld [tilespmem:s1+$0xC530];
	[tilespmem:s1+$0x130] =	vst v5;
	v5 =	vadd.f32 v14, v13  }
0xce: {  	v9 =	vld [tilespmem:s1+$0x550];
	[tilespmem:s1+$0x140] =	vst v3;
	v3 =	vadd.f32 v16, v15  }
0xcf: {  	v10 =	vld [tilespmem:s1+$0xC550];
	[tilespmem:s1+$0x150] =	vst v5;
	v5 =	vadd.f32 v18, v17  }
0xd0: {  	v11 =	vld [tilespmem:s1+$0x560];
	[tilespmem:s1+$0x160] =	vst v3;
	v3 =	vadd.f32 v20, v19  }
0xd1: {  	v8 =	vld [tilespmem:s1+$0x540];
	[tilespmem:s1+$0x170] =	vst v5;
	v5 =	vadd.f32 v22, v21  }
0xd2: {  	[tilespmem:s1+$0x500] =	vst v3;
	v3 =	vadd.f32 v4, v23;
	v4 =	vld [tilespmem:s1+$0xC540]  }
0xd3: {  	[tilespmem:s1+$0x510] =	vst v5;
	v5 =	vadd.f32 v7, v6  }
0xd4: {  	s28 =	sor.u32 s21, s22;
	[tilespmem:s1+$0x520] =	vst v3;
	v3 =	vadd.f32 v10, v9  }
0xd5: {  	v55 =	vld [tilespmem:s28+$0xC130];
	[tilespmem:s1+$0x530] =	vst v5;
	v5 =	vadd.f32 v36, v11  }
0xd6: {  	v56 =	vld [tilespmem:s28+$0x140];
	[tilespmem:s1+$0x550] =	vst v3;
	v3 =	vadd.f32 v38, v37  }
0xd7: {  	v57 =	vld [tilespmem:s28+$0xC140];
	[tilespmem:s1+$0x560] =	vst v5;
	v4 =	vadd.f32 v4, v8  }
0xd8: {  	s24 =	sadd.s32 $0x800, s22;
	v58 =	vld [tilespmem:s28+$0x150];
	[tilespmem:s1+$0x570] =	vst v3  }
0xd9: {  	s23 =	sor.u32 s30, s24;
	v12 =	vld [tilespmem:s28+$0xC110];
	[tilespmem:s1+$0x540] =	vst v4  }
0xda: {  	v3 =	vld [tilespmem:s23+$0x100]  }
0xdb: {  	v4 =	vld [tilespmem:s23+$0xC100]  }
0xdc: {  	v5 =	vld [tilespmem:s23+$0x110]  }
0xdd: {  	v6 =	vld [tilespmem:s23+$0xC110]  }
0xde: {  	v7 =	vld [tilespmem:s23+$0x120]  }
0xdf: {  	v8 =	vld [tilespmem:s23+$0xC120]  }
0xe0: {  	v9 =	vld [tilespmem:s23+$0x130]  }
0xe1: {  	v10 =	vld [tilespmem:s23+$0xC130]  }
0xe2: {  	v11 =	vld [tilespmem:s23+$0x140]  }
0xe3: {  	v39 =	vld [tilespmem:s23+$0x150]  }
0xe4: {  	v40 =	vld [tilespmem:s23+$0xC150]  }
0xe5: {  	v41 =	vld [tilespmem:s23+$0x160]  }
0xe6: {  	v42 =	vld [tilespmem:s23+$0xC160]  }
0xe7: {  	v3 =	vadd.f32 v4, v3;
	v4 =	vld [tilespmem:s23+$0x170]  }
0xe8: {  	v5 =	vadd.f32 v6, v5;
	v6 =	vld [tilespmem:s23+$0xC170]  }
0xe9: {  	[tilespmem:s23+$0x100] =	vst v3;
	v3 =	vadd.f32 v8, v7;
	v7 =	vld [tilespmem:s23+$0xC140]  }
0xea: {  	v8 =	vld [tilespmem:s28+$0x100]  }
0xeb: {  	[tilespmem:s23+$0x110] =	vst v5;
	v5 =	vadd.f32 v10, v9;
	v9 =	vld [tilespmem:s28+$0xC100]  }
0xec: {  	v10 =	vld [tilespmem:s28+$0x110];
	[tilespmem:s23+$0x120] =	vst v3;
	v3 =	vadd.f32 v40, v39  }
0xed: {  	[tilespmem:s23+$0x130] =	vst v5;
	v5 =	vadd.f32 v42, v41;
	v39 =	vld [tilespmem:s28+$0x170]  }
0xee: {  	v41 =	vld [tilespmem:s28+$0xC170];
	[tilespmem:s23+$0x150] =	vst v3;
	v3 =	vadd.f32 v6, v4  }
0xef: {  	v4 =	vld [tilespmem:s28+$0x120];
	[tilespmem:s23+$0x160] =	vst v5;
	v6 =	vadd.f32 v7, v11  }
0xf0: {  	s25 =	sadd.s32 $0xC00, s22;
	v5 =	vld [tilespmem:s28+$0xC120];
	[tilespmem:s23+$0x170] =	vst v3  }
0xf1: {  	s31 =	sor.u32 s30, s25;
	v8 =	vadd.f32 v9, v8;
	v9 =	vld [tilespmem:s28+$0xC510];
	[tilespmem:s23+$0x140] =	vst v6  }
0xf2: {  	v6 =	vld [tilespmem:s31+$0x100]  }
0xf3: {  	v7 =	vld [tilespmem:s31+$0xC100]  }
0xf4: {  	v11 =	vld [tilespmem:s31+$0x110]  }
0xf5: {  	v43 =	vld [tilespmem:s31+$0xC110]  }
0xf6: {  	v44 =	vld [tilespmem:s31+$0x120]  }
0xf7: {  	v45 =	vld [tilespmem:s31+$0xC120]  }
0xf8: {  	v46 =	vld [tilespmem:s31+$0x130]  }
0xf9: {  	v47 =	vld [tilespmem:s31+$0xC130]  }
0xfa: {  	v48 =	vld [tilespmem:s31+$0x140]  }
0xfb: {  	v49 =	vld [tilespmem:s31+$0x150]  }
0xfc: {  	v54 =	vld [tilespmem:s31+$0xC140]  }
0xfd: {  	v50 =	vld [tilespmem:s31+$0xC150]  }
0xfe: {  	v10 =	vadd.f32 v12, v10;
	v51 =	vld [tilespmem:s31+$0x160]  }
0xff: {  	[tilespmem:s28+$0x100] =	vst v8;
	v52 =	vld [tilespmem:s31+$0xC160];
	v6 =	vadd.f32 v7, v6  }
0x100: {  	[tilespmem:s28+$0x110] =	vst v10;
	v53 =	vld [tilespmem:s31+$0xC170];
	v11 =	vadd.f32 v43, v11  }
0x101: {  	v7 =	vld [tilespmem:s31+$0x170];
	v59 =	vadd.f32 v54, v48;
	[tilespmem:s31+$0x100] =	vst v6  }
0x102: {  	v3 =	vld [tilespmem:s28+$0x130];
	v6 =	vadd.f32 v45, v44;
	[tilespmem:s31+$0x110] =	vst v11  }
0x103: {  	v8 =	vld [tilespmem:s28+$0x530];
	v11 =	vadd.f32 v47, v46;
	[tilespmem:s31+$0x140] =	vst v59  }
0x104: {  	v10 =	vld [tilespmem:s28+$0xC530];
	[tilespmem:s31+$0x120] =	vst v6;
	v6 =	vadd.f32 v50, v49  }
0x105: {  	v4 =	vadd.f32 v5, v4;
	v5 =	vld [tilespmem:s28+$0xC520];
	[tilespmem:s31+$0x130] =	vst v11;
	v11 =	vadd.f32 v52, v51  }
0x106: {  	[tilespmem:s31+$0x150] =	vst v6;
	v6 =	vadd.f32 v53, v7;
	v7 =	vld [tilespmem:s28+$0xC150]  }
0x107: {  	s26 =	sadd.s32 $0x1000, s22;
	[tilespmem:s31+$0x160] =	vst v11;
	v11 =	vld [tilespmem:s28+$0x160]  }
0x108: {  	s23 =	sor.u32 s30, s26;
	[tilespmem:s31+$0x170] =	vst v6;
	v6 =	vld [tilespmem:s28+$0xC160]  }
0x109: {  	v13 =	vld [tilespmem:s23+$0x100]  }
0x10a: {  	v60 =	vld [tilespmem:s23+$0xC100]  }
0x10b: {  	v61 =	vld [tilespmem:s23+$0x110]  }
0x10c: {  	v62 =	vld [tilespmem:s23+$0xC110]  }
0x10d: {  	v63 =	vld [tilespmem:s23+$0x120]  }
0x10e: {  	v32 =	vld [tilespmem:s23+$0xC120]  }
0x10f: {  	v33 =	vld [tilespmem:s23+$0x130]  }
0x110: {  	v24 =	vld [tilespmem:s23+$0x140]  }
0x111: {  	v3 =	vadd.f32 v55, v3;
	v25 =	vld [tilespmem:s23+$0xC140]  }
0x112: {  	v26 =	vld [tilespmem:s23+$0x150]  }
0x113: {  	[tilespmem:s28+$0x130] =	vst v3;
	v27 =	vld [tilespmem:s23+$0xC150];
	v3 =	vadd.f32 v7, v58  }
0x114: {  	[tilespmem:s28+$0x120] =	vst v4;
	v4 =	vadd.f32 v57, v56;
	v28 =	vld [tilespmem:s23+$0x160]  }
0x115: {  	v29 =	vld [tilespmem:s23+$0xC160];
	[tilespmem:s28+$0x150] =	vst v3;
	v3 =	vadd.f32 v41, v39  }
0x116: {  	[tilespmem:s28+$0x140] =	vst v4;
	v34 =	vld [tilespmem:s23+$0x170];
	v13 =	vadd.f32 v60, v13  }
0x117: {  	v35 =	vld [tilespmem:s23+$0xC170];
	v18 =	vadd.f32 v62, v61;
	[tilespmem:s28+$0x170] =	vst v3  }
0x118: {  	v37 =	vld [tilespmem:s23+$0xC130];
	v36 =	vadd.f32 v32, v63;
	[tilespmem:s23+$0x100] =	vst v13  }
0x119: {  	v43 =	vld [tilespmem:s28+$0x500];
	v38 =	vadd.f32 v25, v24;
	[tilespmem:s23+$0x110] =	vst v18  }
0x11a: {  	v47 =	vld [tilespmem:s28+$0x510];
	v40 =	vadd.f32 v27, v26;
	[tilespmem:s23+$0x120] =	vst v36  }
0x11b: {  	v45 =	vld [tilespmem:s28+$0xC500];
	v42 =	vadd.f32 v29, v28;
	[tilespmem:s23+$0x140] =	vst v38  }
0x11c: {  	v48 =	vld [tilespmem:s28+$0x520];
	v44 =	vadd.f32 v35, v34;
	[tilespmem:s23+$0x150] =	vst v40  }
0x11d: {  	v4 =	vadd.f32 v6, v11;
	v6 =	vld [tilespmem:s28+$0x540];
	v46 =	vadd.f32 v37, v33;
	[tilespmem:s23+$0x160] =	vst v42  }
0x11e: {  	s22 =	sadd.s32 $0x1400, s22;
	v11 =	vld [tilespmem:s28+$0xC540];
	[tilespmem:s23+$0x170] =	vst v44  }
0x11f: {  	v3 =	vadd.f32 v9, v47;
	v9 =	vld [tilespmem:s28+$0x550];
	[tilespmem:s23+$0x130] =	vst v46;
	s23 =	sor.u32 s30, s22  }
0x120: {  	[tilespmem:s28+$0x160] =	vst v4;
	v4 =	vadd.f32 v45, v43;
	v7 =	vld [tilespmem:s23+$0x170]  }
0x121: {  	v13 =	vld [tilespmem:s23+$0xC170]  }
0x122: {  	[tilespmem:s28+$0x500] =	vst v4;
	v4 =	vadd.f32 v5, v48;
	v5 =	vld [tilespmem:s28+$0xC550]  }
0x123: {  	[tilespmem:s28+$0x510] =	vst v3;
	v3 =	vadd.f32 v10, v8;
	v8 =	vld [tilespmem:s28+$0x560]  }
0x124: {  	[tilespmem:s28+$0x520] =	vst v4;
	v4 =	vld [tilespmem:s28+$0xC560]  }
0x125: {  	v10 =	vld [tilespmem:s28+$0xC570]  }
0x126: {  	v6 =	vadd.f32 v11, v6;
	[tilespmem:s28+$0x530] =	vst v3;
	v3 =	vld [tilespmem:s28+$0x570]  }
0x127: {  	v51 =	vld [tilespmem:s23+$0xC100]  }
0x128: {  	s29 =	sor.u32 s21, s24;
	v56 =	vld [tilespmem:s23+$0xC120];
	[tilespmem:s28+$0x540] =	vst v6;
	v5 =	vadd.f32 v5, v9  }
0x129: {  	v6 =	vld [tilespmem:s29+$0x100];
	v4 =	vadd.f32 v4, v8  }
0x12a: {  	v9 =	vld [tilespmem:s29+$0x110];
	[tilespmem:s28+$0x550] =	vst v5  }
0x12b: {  	v5 =	vadd.f32 v13, v7;
	v3 =	vadd.f32 v10, v3;
	v7 =	vld [tilespmem:s29+$0x120];
	[tilespmem:s28+$0x560] =	vst v4  }
0x12c: {  	v4 =	vld [tilespmem:s29+$0x130]  }
0x12d: {  	[tilespmem:s28+$0x570] =	vst v3;
	v3 =	vld [tilespmem:s23+$0x100]  }
0x12e: {  	[tilespmem:s23+$0x170] =	vst v5;
	v5 =	vld [tilespmem:s29+$0xC100]  }
0x12f: {  	v8 =	vld [tilespmem:s29+$0xC110]  }
0x130: {  	v10 =	vld [tilespmem:s29+$0xC120]  }
0x131: {  	v11 =	vld [tilespmem:s29+$0xC130]  }
0x132: {  	v49 =	vld [tilespmem:s29+$0x140]  }
0x133: {  	v50 =	vld [tilespmem:s29+$0xC140];
	v5 =	vadd.f32 v5, v6  }
0x134: {  	v6 =	vadd.f32 v8, v9;
	v8 =	vld [tilespmem:s29+$0x150]  }
0x135: {  	[tilespmem:s29+$0x100] =	vst v5;
	v5 =	vadd.f32 v10, v7;
	v7 =	vld [tilespmem:s29+$0xC150]  }
0x136: {  	v4 =	vadd.f32 v11, v4;
	[tilespmem:s29+$0x110] =	vst v6;
	v6 =	vld [tilespmem:s29+$0x160]  }
0x137: {  	[tilespmem:s29+$0x120] =	vst v5;
	v5 =	vld [tilespmem:s29+$0xC160]  }
0x138: {  	v9 =	vadd.f32 v50, v49;
	[tilespmem:s29+$0x130] =	vst v4;
	v4 =	vld [tilespmem:s29+$0x170]  }
0x139: {  	v10 =	vld [tilespmem:s29+$0xC170]  }
0x13a: {  	s30 =	sor.u32 s21, s25;
	v3 =	vadd.f32 v51, v3;
	v11 =	vld [tilespmem:s23+$0x110];
	[tilespmem:s29+$0x140] =	vst v9  }
0x13b: {  	v9 =	vld [tilespmem:s30+$0x110];
	v7 =	vadd.f32 v7, v8  }
0x13c: {  	[tilespmem:s23+$0x100] =	vst v3;
	v8 =	vld [tilespmem:s30+$0x100];
	v5 =	vadd.f32 v5, v6  }
0x13d: {  	[tilespmem:s29+$0x150] =	vst v7;
	v6 =	vld [tilespmem:s23+$0xC110]  }
0x13e: {  	v4 =	vadd.f32 v10, v4;
	v3 =	vld [tilespmem:s30+$0x120];
	[tilespmem:s29+$0x160] =	vst v5  }
0x13f: {  	v5 =	vld [tilespmem:s30+$0x130]  }
0x140: {  	[tilespmem:s29+$0x170] =	vst v4;
	v4 =	vld [tilespmem:s23+$0x120]  }
0x141: {  	v7 =	vld [tilespmem:s30+$0xC100]  }
0x142: {  	v10 =	vld [tilespmem:s30+$0xC110]  }
0x143: {  	v52 =	vld [tilespmem:s30+$0xC120]  }
0x144: {  	v53 =	vld [tilespmem:s30+$0xC130]  }
0x145: {  	v54 =	vld [tilespmem:s30+$0x140]  }
0x146: {  	v55 =	vld [tilespmem:s30+$0xC140];
	v7 =	vadd.f32 v7, v8  }
0x147: {  	v8 =	vadd.f32 v10, v9;
	v9 =	vld [tilespmem:s30+$0x150]  }
0x148: {  	v3 =	vadd.f32 v52, v3;
	[tilespmem:s30+$0x100] =	vst v7;
	v7 =	vld [tilespmem:s30+$0xC150]  }
0x149: {  	[tilespmem:s30+$0x110] =	vst v8;
	v8 =	vld [tilespmem:s30+$0x160]  }
0x14a: {  	v5 =	vadd.f32 v53, v5;
	[tilespmem:s30+$0x120] =	vst v3;
	v3 =	vld [tilespmem:s30+$0xC160]  }
0x14b: {  	v6 =	vadd.f32 v6, v11;
	v11 =	vld [tilespmem:s30+$0xC170];
	v10 =	vadd.f32 v55, v54  }
0x14c: {  	[tilespmem:s30+$0x130] =	vst v5;
	v5 =	vld [tilespmem:s30+$0x170]  }
0x14d: {  	s31 =	sor.u32 s21, s26;
	v4 =	vadd.f32 v56, v4;
	[tilespmem:s30+$0x140] =	vst v10  }
0x14e: {  	[tilespmem:s23+$0x110] =	vst v6;
	v6 =	vld [tilespmem:s31+$0x110];
	v7 =	vadd.f32 v7, v9  }
0x14f: {  	[tilespmem:s23+$0x120] =	vst v4;
	v9 =	vld [tilespmem:s31+$0x100];
	v3 =	vadd.f32 v3, v8  }
0x150: {  	[tilespmem:s30+$0x150] =	vst v7;
	v7 =	vld [tilespmem:s23+$0x130]  }
0x151: {  	v4 =	vld [tilespmem:s31+$0x120];
	[tilespmem:s30+$0x160] =	vst v3;
	v3 =	vadd.f32 v11, v5  }
0x152: {  	v5 =	vld [tilespmem:s31+$0x130]  }
0x153: {  	[tilespmem:s30+$0x170] =	vst v3;
	v3 =	vld [tilespmem:s23+$0xC130]  }
0x154: {  	v8 =	vld [tilespmem:s31+$0xC100]  }
0x155: {  	v10 =	vld [tilespmem:s31+$0xC110]  }
0x156: {  	v11 =	vld [tilespmem:s31+$0xC120]  }
0x157: {  	v57 =	vld [tilespmem:s31+$0xC130]  }
0x158: {  	v58 =	vld [tilespmem:s31+$0x140]  }
0x159: {  	v59 =	vld [tilespmem:s31+$0xC140];
	v8 =	vadd.f32 v8, v9  }
0x15a: {  	v6 =	vadd.f32 v10, v6;
	v9 =	vld [tilespmem:s31+$0x150]  }
0x15b: {  	v4 =	vadd.f32 v11, v4;
	[tilespmem:s31+$0x100] =	vst v8;
	v8 =	vld [tilespmem:s31+$0xC150]  }
0x15c: {  	[tilespmem:s31+$0x110] =	vst v6;
	v6 =	vld [tilespmem:s31+$0x160]  }
0x15d: {  	v5 =	vadd.f32 v57, v5;
	[tilespmem:s31+$0x120] =	vst v4;
	v4 =	vld [tilespmem:s31+$0xC160]  }
0x15e: {  	v3 =	vadd.f32 v3, v7;
	v7 =	vld [tilespmem:s31+$0xC170]  }
0x15f: {  	v10 =	vadd.f32 v59, v58;
	[tilespmem:s31+$0x130] =	vst v5;
	v5 =	vld [tilespmem:s31+$0x170];
	_ =	sdelay $0x1  }
0x160: {  	s25 =	sor.u32 s21, s22;
	v60 =	vld [tilespmem:s23+$0x140];
	[tilespmem:s31+$0x140] =	vst v10;
	v8 =	vadd.f32 v8, v9  }
0x161: {  	[tilespmem:s23+$0x130] =	vst v3;
	v10 =	vld [tilespmem:s25+$0x110];
	v3 =	vadd.f32 v4, v6  }
0x162: {  	v9 =	vld [tilespmem:s25+$0x100];
	[tilespmem:s31+$0x150] =	vst v8  }
0x163: {  	v6 =	vld [tilespmem:s25+$0x120];
	[tilespmem:s31+$0x160] =	vst v3;
	v3 =	vadd.f32 v7, v5  }
0x164: {  	v11 =	vld [tilespmem:s23+$0xC150]  }
0x165: {  	v8 =	vld [tilespmem:s25+$0x130];
	[tilespmem:s31+$0x170] =	vst v3  }
0x166: {  	v5 =	vld [tilespmem:s25+$0xC100]  }
0x167: {  	v4 =	vld [tilespmem:s23+$0xC140]  }
0x168: {  	v7 =	vld [tilespmem:s23+$0x150]  }
0x169: {  	v61 =	vld [tilespmem:s25+$0xC110]  }
0x16a: {  	v62 =	vld [tilespmem:s25+$0xC120]  }
0x16b: {  	v63 =	vld [tilespmem:s25+$0xC130];
	v9 =	vadd.f32 v5, v9  }
0x16c: {  	v15 =	vadd.f32 v4, v60;
	v3 =	vld [tilespmem:s25+$0x140]  }
0x16d: {  	v5 =	vld [tilespmem:s25+$0xC140];
	[tilespmem:s25+$0x100] =	vst v9;
	v9 =	vadd.f32 v11, v7  }
0x16e: {  	v4 =	vld [tilespmem:s25+$0x150];
	[tilespmem:s23+$0x140] =	vst v15;
	v10 =	vadd.f32 v61, v10  }
0x16f: {  	v7 =	vld [tilespmem:s25+$0xC150];
	[tilespmem:s23+$0x150] =	vst v9;
	v9 =	vadd.f32 v62, v6  }
0x170: {  	s21 =	simm.s32 $0x0;
	s22 =	simm.s32 $0x0;
	v8 =	vadd.f32 v63, v8;
	[tilespmem:s25+$0x110] =	vst v10;
	v6 =	vld [tilespmem:s25+$0x160]  }
.LBB2_2:
0x171: {  	s21 =	sadd.s32 $0x2, s21;
	[tilespmem:s25+$0x120] =	vst v9;
	v9 =	vld [tilespmem:s25+$0xC160]  }
0x172: {  	s22 =	sadd.s32 $0x100, s22;
	s0 =	sshrl.u32 s21, $0x3;
	p0 =	slt.u32 s21, $0x3E;
	[tilespmem:s25+$0x130] =	vst v8;
	v3 =	vadd.f32 v5, v3;
	v5 =	vld [tilespmem:s25+$0x170]  }
0x173: {  	s26 =	sand.u32 $0x300, s22;
	s29 =	smul.u32 $0x1800, s0;
	v8 =	vld [tilespmem:s25+$0xC170]  }
0x174: {  	s28 =	sor.u32 $0x80, s26;
	[tilespmem:s25+$0x140] =	vst v3;
	v3 =	vadd.f32 v7, v4;
	v4 =	vld [tilespmem:s23+$0x160]  }
0x175: {  	s24 =	sor.u32 s26, s29;
	s0 =	sor.u32 s29, s28;
	v7 =	vld [tilespmem:s23+$0xC160]  }
0x176: {  	v10 =	vld [tilespmem:s0+$0x100];
	[tilespmem:s25+$0x150] =	vst v3;
	v3 =	vadd.f32 v9, v6  }
0x177: {  	v6 =	vld [tilespmem:s0+$0xC100]  }
0x178: {  	v9 =	vld [tilespmem:s0+$0x110];
	[tilespmem:s25+$0x160] =	vst v3;
	v3 =	vadd.f32 v8, v5  }
0x179: {  	v5 =	vld [tilespmem:s0+$0xC110]  }
0x17a: {  	v8 =	vld [tilespmem:s0+$0x120];
	[tilespmem:s25+$0x170] =	vst v3;
	v3 =	vadd.f32 v7, v4  }
0x17b: {  	v4 =	vld [tilespmem:s0+$0xC120]  }
0x17c: {  	v7 =	vld [tilespmem:s0+$0x130];
	[tilespmem:s23+$0x160] =	vst v3  }
0x17d: {  	v3 =	vld [tilespmem:s0+$0xC130]  }
0x17e: {  	v11 =	vld [tilespmem:s0+$0x140]  }
0x17f: {  	v12 =	vld [tilespmem:s0+$0xC140]  }
0x180: {  	v13 =	vld [tilespmem:s0+$0x150]  }
0x181: {  	v14 =	vld [tilespmem:s0+$0xC150]  }
0x182: {  	v15 =	vld [tilespmem:s0+$0x160]  }
0x183: {  	v16 =	vld [tilespmem:s0+$0xC160]  }
0x184: {  	v17 =	vld [tilespmem:s0+$0x170]  }
0x185: {  	v18 =	vld [tilespmem:s0+$0xC170]  }
0x186: {  	v19 =	vld [tilespmem:s0+$0x500]  }
0x187: {  	v20 =	vld [tilespmem:s0+$0xC500]  }
0x188: {  	v21 =	vld [tilespmem:s0+$0x510]  }
0x189: {  	v22 =	vld [tilespmem:s0+$0xC510]  }
0x18a: {  	v23 =	vld [tilespmem:s0+$0x520]  }
0x18b: {  	v6 =	vadd.f32 v6, v10;
	v10 =	vld [tilespmem:s0+$0xC520]  }
0x18c: {  	v5 =	vadd.f32 v5, v9;
	v9 =	vld [tilespmem:s0+$0x530]  }
0x18d: {  	v4 =	vadd.f32 v4, v8;
	[tilespmem:s0+$0x100] =	vst v6;
	v6 =	vld [tilespmem:s0+$0xC530]  }
0x18e: {  	v3 =	vadd.f32 v3, v7;
	[tilespmem:s0+$0x110] =	vst v5;
	v5 =	vld [tilespmem:s0+$0x540]  }
0x18f: {  	[tilespmem:s0+$0x120] =	vst v4;
	v4 =	vadd.f32 v12, v11;
	v7 =	vld [tilespmem:s0+$0x550]  }
0x190: {  	[tilespmem:s0+$0x130] =	vst v3;
	v3 =	vadd.f32 v14, v13;
	v8 =	vld [tilespmem:s0+$0xC550]  }
0x191: {  	[tilespmem:s0+$0x140] =	vst v4;
	v4 =	vadd.f32 v16, v15;
	v11 =	vld [tilespmem:s0+$0x560]  }
0x192: {  	[tilespmem:s0+$0x150] =	vst v3;
	v3 =	vadd.f32 v18, v17;
	v12 =	vld [tilespmem:s0+$0xC560]  }
0x193: {  	[tilespmem:s0+$0x160] =	vst v4;
	v4 =	vadd.f32 v20, v19;
	v13 =	vld [tilespmem:s0+$0x570]  }
0x194: {  	[tilespmem:s0+$0x170] =	vst v3;
	v3 =	vadd.f32 v22, v21;
	v14 =	vld [tilespmem:s0+$0xC570]  }
0x195: {  	[tilespmem:s0+$0x500] =	vst v4;
	v4 =	vadd.f32 v10, v23;
	v10 =	vld [tilespmem:s0+$0xC540]  }
0x196: {  	v15 =	vld [tilespmem:s24+$0x100];
	[tilespmem:s0+$0x510] =	vst v3;
	v3 =	vadd.f32 v6, v9  }
0x197: {  	v6 =	vld [tilespmem:s24+$0xC100];
	[tilespmem:s0+$0x520] =	vst v4;
	v4 =	vadd.f32 v8, v7  }
0x198: {  	v7 =	vld [tilespmem:s24+$0x110];
	[tilespmem:s0+$0x530] =	vst v3;
	v3 =	vadd.f32 v12, v11  }
0x199: {  	v8 =	vld [tilespmem:s24+$0xC110];
	[tilespmem:s0+$0x550] =	vst v4;
	v4 =	vadd.f32 v14, v13  }
0x19a: {  	s1 =	sadd.s32 $0x800, s29;
	v9 =	vld [tilespmem:s24+$0x120];
	v5 =	vadd.f32 v10, v5;
	[tilespmem:s0+$0x560] =	vst v3  }
0x19b: {  	s30 =	sor.u32 s26, s1;
	s23 =	sor.u32 s28, s1;
	v3 =	vld [tilespmem:s24+$0xC120];
	[tilespmem:s0+$0x570] =	vst v4  }
0x19c: {  	v4 =	vadd.f32 v6, v15;
	[tilespmem:s0+$0x540] =	vst v5;
	v5 =	vld [tilespmem:s23+$0x100]  }
0x19d: {  	v6 =	vld [tilespmem:s23+$0xC100]  }
0x19e: {  	[tilespmem:s24+$0x100] =	vst v4;
	v4 =	vadd.f32 v8, v7;
	v7 =	vld [tilespmem:s23+$0x110]  }
0x19f: {  	v8 =	vld [tilespmem:s23+$0xC110]  }
0x1a0: {  	[tilespmem:s24+$0x110] =	vst v4;
	v3 =	vadd.f32 v3, v9;
	v4 =	vld [tilespmem:s23+$0x120]  }
0x1a1: {  	v9 =	vld [tilespmem:s23+$0xC120]  }
0x1a2: {  	[tilespmem:s24+$0x120] =	vst v3;
	v3 =	vld [tilespmem:s23+$0x130]  }
0x1a3: {  	v10 =	vld [tilespmem:s23+$0xC130]  }
0x1a4: {  	v11 =	vld [tilespmem:s23+$0x140]  }
0x1a5: {  	v12 =	vld [tilespmem:s23+$0x150]  }
0x1a6: {  	v13 =	vld [tilespmem:s23+$0xC150]  }
0x1a7: {  	v14 =	vld [tilespmem:s23+$0x160]  }
0x1a8: {  	v15 =	vld [tilespmem:s23+$0xC160]  }
0x1a9: {  	v5 =	vadd.f32 v6, v5;
	v6 =	vld [tilespmem:s23+$0x170]  }
0x1aa: {  	v7 =	vadd.f32 v8, v7;
	v8 =	vld [tilespmem:s23+$0xC170]  }
0x1ab: {  	v4 =	vadd.f32 v9, v4;
	[tilespmem:s23+$0x100] =	vst v5;
	v5 =	vld [tilespmem:s23+$0xC140]  }
0x1ac: {  	v3 =	vadd.f32 v10, v3;
	v9 =	vld [tilespmem:s24+$0x130];
	[tilespmem:s23+$0x110] =	vst v7  }
0x1ad: {  	v7 =	vld [tilespmem:s24+$0xC130];
	[tilespmem:s23+$0x120] =	vst v4;
	v4 =	vadd.f32 v13, v12  }
0x1ae: {  	v10 =	vld [tilespmem:s24+$0x140];
	[tilespmem:s23+$0x130] =	vst v3;
	v3 =	vadd.f32 v15, v14  }
0x1af: {  	v12 =	vld [tilespmem:s24+$0xC140];
	[tilespmem:s23+$0x150] =	vst v4;
	v4 =	vadd.f32 v8, v6  }
0x1b0: {  	s0 =	sadd.s32 $0xC00, s29;
	v6 =	vld [tilespmem:s24+$0x150];
	v5 =	vadd.f32 v5, v11;
	[tilespmem:s23+$0x160] =	vst v3  }
0x1b1: {  	s31 =	sor.u32 s26, s0;
	s25 =	sor.u32 s28, s0;
	v3 =	vld [tilespmem:s24+$0xC150];
	[tilespmem:s23+$0x170] =	vst v4  }
0x1b2: {  	v4 =	vadd.f32 v7, v9;
	[tilespmem:s23+$0x140] =	vst v5;
	v5 =	vld [tilespmem:s25+$0x100]  }
0x1b3: {  	v7 =	vld [tilespmem:s25+$0xC100]  }
0x1b4: {  	[tilespmem:s24+$0x130] =	vst v4;
	v4 =	vadd.f32 v12, v10;
	v8 =	vld [tilespmem:s25+$0x110]  }
0x1b5: {  	v9 =	vld [tilespmem:s25+$0xC110]  }
0x1b6: {  	[tilespmem:s24+$0x140] =	vst v4;
	v3 =	vadd.f32 v3, v6;
	v4 =	vld [tilespmem:s25+$0x120]  }
0x1b7: {  	v6 =	vld [tilespmem:s25+$0xC120]  }
0x1b8: {  	[tilespmem:s24+$0x150] =	vst v3;
	v3 =	vld [tilespmem:s25+$0x130]  }
0x1b9: {  	v10 =	vld [tilespmem:s25+$0xC130]  }
0x1ba: {  	v11 =	vld [tilespmem:s25+$0x140]  }
0x1bb: {  	v12 =	vld [tilespmem:s25+$0x150]  }
0x1bc: {  	v13 =	vld [tilespmem:s25+$0xC150]  }
0x1bd: {  	v14 =	vld [tilespmem:s25+$0x160]  }
0x1be: {  	v15 =	vld [tilespmem:s25+$0xC160]  }
0x1bf: {  	v5 =	vadd.f32 v7, v5;
	v7 =	vld [tilespmem:s25+$0x170]  }
0x1c0: {  	v8 =	vadd.f32 v9, v8;
	v9 =	vld [tilespmem:s25+$0xC170]  }
0x1c1: {  	v4 =	vadd.f32 v6, v4;
	[tilespmem:s25+$0x100] =	vst v5;
	v5 =	vld [tilespmem:s25+$0xC140]  }
0x1c2: {  	v3 =	vadd.f32 v10, v3;
	v6 =	vld [tilespmem:s24+$0x160];
	[tilespmem:s25+$0x110] =	vst v8  }
0x1c3: {  	v8 =	vld [tilespmem:s24+$0xC160];
	[tilespmem:s25+$0x120] =	vst v4;
	v4 =	vadd.f32 v13, v12  }
0x1c4: {  	v10 =	vld [tilespmem:s24+$0x170];
	[tilespmem:s25+$0x130] =	vst v3;
	v3 =	vadd.f32 v15, v14  }
0x1c5: {  	v12 =	vld [tilespmem:s24+$0xC170];
	[tilespmem:s25+$0x150] =	vst v4;
	v4 =	vadd.f32 v9, v7  }
0x1c6: {  	s1 =	sadd.s32 $0x1000, s29;
	v7 =	vld [tilespmem:s24+$0x500];
	v5 =	vadd.f32 v5, v11;
	[tilespmem:s25+$0x160] =	vst v3  }
0x1c7: {  	s0 =	sor.u32 s26, s1;
	s1 =	sor.u32 s28, s1;
	v3 =	vld [tilespmem:s24+$0xC500];
	[tilespmem:s25+$0x170] =	vst v4  }
0x1c8: {  	v4 =	vadd.f32 v8, v6;
	[tilespmem:s25+$0x140] =	vst v5;
	v5 =	vld [tilespmem:s1+$0x100]  }
0x1c9: {  	v6 =	vld [tilespmem:s1+$0xC100]  }
0x1ca: {  	[tilespmem:s24+$0x160] =	vst v4;
	v4 =	vadd.f32 v12, v10;
	v8 =	vld [tilespmem:s1+$0x110]  }
0x1cb: {  	v9 =	vld [tilespmem:s1+$0xC110]  }
0x1cc: {  	[tilespmem:s24+$0x170] =	vst v4;
	v3 =	vadd.f32 v3, v7;
	v4 =	vld [tilespmem:s1+$0x120]  }
0x1cd: {  	v7 =	vld [tilespmem:s1+$0xC120]  }
0x1ce: {  	[tilespmem:s24+$0x500] =	vst v3;
	v3 =	vld [tilespmem:s1+$0x130]  }
0x1cf: {  	v10 =	vld [tilespmem:s1+$0x140]  }
0x1d0: {  	v11 =	vld [tilespmem:s1+$0xC140]  }
0x1d1: {  	v12 =	vld [tilespmem:s1+$0x150]  }
0x1d2: {  	v13 =	vld [tilespmem:s1+$0xC150]  }
0x1d3: {  	v14 =	vld [tilespmem:s1+$0x160]  }
0x1d4: {  	v15 =	vld [tilespmem:s1+$0xC160]  }
0x1d5: {  	v5 =	vadd.f32 v6, v5;
	v6 =	vld [tilespmem:s1+$0x170]  }
0x1d6: {  	v8 =	vadd.f32 v9, v8;
	v9 =	vld [tilespmem:s1+$0xC170]  }
0x1d7: {  	v4 =	vadd.f32 v7, v4;
	[tilespmem:s1+$0x100] =	vst v5;
	v5 =	vld [tilespmem:s1+$0xC130]  }
0x1d8: {  	v7 =	vld [tilespmem:s24+$0x510];
	[tilespmem:s1+$0x110] =	vst v8;
	v8 =	vadd.f32 v11, v10  }
0x1d9: {  	v10 =	vld [tilespmem:s24+$0xC510];
	[tilespmem:s1+$0x120] =	vst v4;
	v4 =	vadd.f32 v13, v12  }
0x1da: {  	v11 =	vld [tilespmem:s24+$0x520];
	[tilespmem:s1+$0x140] =	vst v8;
	v8 =	vadd.f32 v15, v14  }
0x1db: {  	v12 =	vld [tilespmem:s24+$0xC520];
	[tilespmem:s1+$0x150] =	vst v4;
	v4 =	vadd.f32 v9, v6  }
0x1dc: {  	s23 =	sadd.s32 $0x1400, s29;
	v6 =	vld [tilespmem:s24+$0x530];
	v3 =	vadd.f32 v5, v3;
	[tilespmem:s1+$0x160] =	vst v8  }
0x1dd: {  	s25 =	sor.u32 s26, s23;
	s23 =	sor.u32 s28, s23;
	v5 =	vld [tilespmem:s24+$0xC530];
	[tilespmem:s1+$0x170] =	vst v4  }
0x1de: {  	v4 =	vadd.f32 v10, v7;
	[tilespmem:s1+$0x130] =	vst v3;
	v3 =	vld [tilespmem:s23+$0x170]  }
0x1df: {  	v7 =	vld [tilespmem:s23+$0xC170]  }
0x1e0: {  	[tilespmem:s24+$0x510] =	vst v4;
	v4 =	vadd.f32 v12, v11;
	v8 =	vld [tilespmem:s24+$0x540]  }
0x1e1: {  	v9 =	vld [tilespmem:s24+$0xC540]  }
0x1e2: {  	[tilespmem:s24+$0x520] =	vst v4;
	v4 =	vadd.f32 v5, v6;
	v5 =	vld [tilespmem:s24+$0x550]  }
0x1e3: {  	v6 =	vld [tilespmem:s24+$0xC550]  }
0x1e4: {  	[tilespmem:s24+$0x530] =	vst v4;
	v4 =	vld [tilespmem:s24+$0x560];
	v3 =	vadd.f32 v7, v3  }
0x1e5: {  	v7 =	vld [tilespmem:s24+$0xC560]  }
0x1e6: {  	v8 =	vadd.f32 v9, v8;
	v9 =	vld [tilespmem:s24+$0x570];
	[tilespmem:s23+$0x170] =	vst v3  }
0x1e7: {  	v3 =	vld [tilespmem:s24+$0xC570]  }
0x1e8: {  	[tilespmem:s24+$0x540] =	vst v8;
	v5 =	vadd.f32 v6, v5;
	v6 =	vld [tilespmem:s30+$0x100]  }
0x1e9: {  	v8 =	vld [tilespmem:s30+$0x110]  }
0x1ea: {  	[tilespmem:s24+$0x550] =	vst v5;
	v4 =	vadd.f32 v7, v4;
	v5 =	vld [tilespmem:s23+$0x100]  }
0x1eb: {  	v7 =	vld [tilespmem:s30+$0x120]  }
0x1ec: {  	[tilespmem:s24+$0x560] =	vst v4;
	v3 =	vadd.f32 v3, v9;
	v4 =	vld [tilespmem:s23+$0xC100]  }
0x1ed: {  	v9 =	vld [tilespmem:s30+$0x130]  }
0x1ee: {  	[tilespmem:s24+$0x570] =	vst v3;
	v3 =	vld [tilespmem:s23+$0x110]  }
0x1ef: {  	v10 =	vld [tilespmem:s30+$0xC100]  }
0x1f0: {  	v11 =	vld [tilespmem:s30+$0xC110]  }
0x1f1: {  	v12 =	vld [tilespmem:s30+$0xC120];
	v4 =	vadd.f32 v4, v5  }
0x1f2: {  	v5 =	vld [tilespmem:s30+$0xC130]  }
0x1f3: {  	v13 =	vld [tilespmem:s30+$0x140];
	[tilespmem:s23+$0x100] =	vst v4  }
0x1f4: {  	v4 =	vadd.f32 v10, v6;
	v6 =	vld [tilespmem:s30+$0xC140]  }
0x1f5: {  	v8 =	vadd.f32 v11, v8;
	v10 =	vld [tilespmem:s30+$0x150]  }
0x1f6: {  	[tilespmem:s30+$0x100] =	vst v4;
	v4 =	vadd.f32 v12, v7;
	v7 =	vld [tilespmem:s30+$0xC150]  }
0x1f7: {  	[tilespmem:s30+$0x110] =	vst v8;
	v5 =	vadd.f32 v5, v9;
	v8 =	vld [tilespmem:s30+$0x160]  }
0x1f8: {  	[tilespmem:s30+$0x120] =	vst v4;
	v4 =	vld [tilespmem:s30+$0xC160]  }
0x1f9: {  	[tilespmem:s30+$0x130] =	vst v5;
	v5 =	vadd.f32 v6, v13;
	v6 =	vld [tilespmem:s30+$0x170]  }
0x1fa: {  	v9 =	vld [tilespmem:s30+$0xC170]  }
0x1fb: {  	[tilespmem:s30+$0x140] =	vst v5;
	v5 =	vadd.f32 v7, v10;
	v7 =	vld [tilespmem:s31+$0x100]  }
0x1fc: {  	v10 =	vld [tilespmem:s31+$0x110]  }
0x1fd: {  	[tilespmem:s30+$0x150] =	vst v5;
	v4 =	vadd.f32 v4, v8;
	v5 =	vld [tilespmem:s23+$0xC110]  }
0x1fe: {  	v8 =	vld [tilespmem:s31+$0x120]  }
0x1ff: {  	[tilespmem:s30+$0x160] =	vst v4;
	v4 =	vadd.f32 v9, v6;
	v6 =	vld [tilespmem:s23+$0x120]  }
0x200: {  	v9 =	vld [tilespmem:s31+$0x130]  }
0x201: {  	[tilespmem:s30+$0x170] =	vst v4;
	v4 =	vld [tilespmem:s23+$0xC120]  }
0x202: {  	v11 =	vld [tilespmem:s31+$0xC100];
	v3 =	vadd.f32 v5, v3  }
0x203: {  	v5 =	vld [tilespmem:s31+$0xC110]  }
0x204: {  	v12 =	vld [tilespmem:s31+$0xC120];
	[tilespmem:s23+$0x110] =	vst v3  }
0x205: {  	v3 =	vld [tilespmem:s31+$0xC130]  }
0x206: {  	v13 =	vld [tilespmem:s31+$0x140];
	v4 =	vadd.f32 v4, v6  }
0x207: {  	v6 =	vadd.f32 v11, v7;
	v7 =	vld [tilespmem:s31+$0xC140]  }
0x208: {  	v5 =	vadd.f32 v5, v10;
	v10 =	vld [tilespmem:s31+$0x150];
	[tilespmem:s23+$0x120] =	vst v4  }
0x209: {  	[tilespmem:s31+$0x100] =	vst v6;
	v4 =	vadd.f32 v12, v8;
	v6 =	vld [tilespmem:s31+$0xC150]  }
0x20a: {  	[tilespmem:s31+$0x110] =	vst v5;
	v3 =	vadd.f32 v3, v9;
	v5 =	vld [tilespmem:s31+$0x160]  }
0x20b: {  	[tilespmem:s31+$0x120] =	vst v4;
	v4 =	vld [tilespmem:s31+$0xC160]  }
0x20c: {  	[tilespmem:s31+$0x130] =	vst v3;
	v3 =	vadd.f32 v7, v13;
	v7 =	vld [tilespmem:s31+$0x170]  }
0x20d: {  	v8 =	vld [tilespmem:s31+$0xC170]  }
0x20e: {  	[tilespmem:s31+$0x140] =	vst v3;
	v3 =	vadd.f32 v6, v10;
	v6 =	vld [tilespmem:s0+$0x100]  }
0x20f: {  	v9 =	vld [tilespmem:s0+$0x110]  }
0x210: {  	[tilespmem:s31+$0x150] =	vst v3;
	v3 =	vadd.f32 v4, v5;
	v4 =	vld [tilespmem:s23+$0x130]  }
0x211: {  	v5 =	vld [tilespmem:s0+$0x120]  }
0x212: {  	[tilespmem:s31+$0x160] =	vst v3;
	v3 =	vadd.f32 v8, v7;
	v7 =	vld [tilespmem:s23+$0xC130]  }
0x213: {  	v8 =	vld [tilespmem:s0+$0x130]  }
0x214: {  	[tilespmem:s31+$0x170] =	vst v3;
	v3 =	vld [tilespmem:s23+$0x140]  }
0x215: {  	v10 =	vld [tilespmem:s0+$0xC100]  }
0x216: {  	v11 =	vld [tilespmem:s0+$0xC110]  }
0x217: {  	v12 =	vld [tilespmem:s0+$0xC120];
	v4 =	vadd.f32 v7, v4  }
0x218: {  	v7 =	vld [tilespmem:s0+$0xC130]  }
0x219: {  	v13 =	vld [tilespmem:s0+$0x140];
	[tilespmem:s23+$0x130] =	vst v4  }
0x21a: {  	v4 =	vadd.f32 v10, v6;
	v6 =	vld [tilespmem:s0+$0xC140]  }
0x21b: {  	v9 =	vadd.f32 v11, v9;
	v10 =	vld [tilespmem:s0+$0x150]  }
0x21c: {  	[tilespmem:s0+$0x100] =	vst v4;
	v4 =	vadd.f32 v12, v5;
	v5 =	vld [tilespmem:s0+$0xC150]  }
0x21d: {  	[tilespmem:s0+$0x110] =	vst v9;
	v7 =	vadd.f32 v7, v8;
	v8 =	vld [tilespmem:s0+$0x160]  }
0x21e: {  	[tilespmem:s0+$0x120] =	vst v4;
	v4 =	vld [tilespmem:s0+$0xC160]  }
0x21f: {  	[tilespmem:s0+$0x130] =	vst v7;
	v6 =	vadd.f32 v6, v13;
	v7 =	vld [tilespmem:s0+$0x170]  }
0x220: {  	v9 =	vld [tilespmem:s0+$0xC170]  }
0x221: {  	[tilespmem:s0+$0x140] =	vst v6;
	v5 =	vadd.f32 v5, v10;
	v6 =	vld [tilespmem:s25+$0x100]  }
0x222: {  	v10 =	vld [tilespmem:s25+$0x110]  }
0x223: {  	[tilespmem:s0+$0x150] =	vst v5;
	v4 =	vadd.f32 v4, v8;
	v5 =	vld [tilespmem:s23+$0xC140]  }
0x224: {  	v8 =	vld [tilespmem:s25+$0x120]  }
0x225: {  	[tilespmem:s0+$0x160] =	vst v4;
	v4 =	vadd.f32 v9, v7;
	v7 =	vld [tilespmem:s23+$0x150]  }
0x226: {  	v11 =	vld [tilespmem:s25+$0x130]  }
0x227: {  	[tilespmem:s0+$0x170] =	vst v4;
	v4 =	vld [tilespmem:s23+$0xC150]  }
0x228: {  	v9 =	vld [tilespmem:s25+$0xC100];
	v3 =	vadd.f32 v5, v3  }
0x229: {  	v12 =	vld [tilespmem:s25+$0xC110]  }
0x22a: {  	v13 =	vld [tilespmem:s25+$0xC120];
	[tilespmem:s23+$0x140] =	vst v3  }
0x22b: {  	v14 =	vld [tilespmem:s25+$0xC130]  }
.Ltmp0:
0x22c: {  	v3 =	vld [tilespmem:s25+$0x140];
	v7 =	vadd.f32 v4, v7;
	(pc) =	sbr.rel @p0 .LBB2_2-.Ltmp0, $4  }
0x22d: {  	v6 =	vadd.f32 v9, v6;
	v5 =	vld [tilespmem:s25+$0xC140]  }
0x22e: {  	v10 =	vadd.f32 v12, v10;
	v4 =	vld [tilespmem:s25+$0x150];
	[tilespmem:s23+$0x150] =	vst v7  }
0x22f: {  	[tilespmem:s25+$0x100] =	vst v6;
	v9 =	vadd.f32 v13, v8;
	v7 =	vld [tilespmem:s25+$0xC150]  }
0x230: {  	[tilespmem:s25+$0x110] =	vst v10;
	v8 =	vadd.f32 v14, v11;
	v6 =	vld [tilespmem:s25+$0x160]  }
0x231: {  	v61 =	vld [tilespmem:s25+$0xC160]  }
0x232: {  	v62 =	vld [tilespmem:s25+$0x170]  }
0x233: {  	v10 =	vld [tilespmem:s25+$0xC170]  }
0x234: {  	v11 =	vld [tilespmem:s23+$0x160]  }
0x235: {  	v12 =	vld [tilespmem:s23+$0xC160]  }
0x236: {  	[tilespmem:s25+$0x120] =	vst v9;
	v3 =	vadd.f32 v5, v3  }
0x237: {  	[tilespmem:s25+$0x130] =	vst v8;
	v4 =	vadd.f32 v7, v4  }
0x238: {  	[tilespmem:s25+$0x140] =	vst v3;
	v3 =	vadd.f32 v61, v6  }
0x239: {  	[tilespmem:s25+$0x150] =	vst v4;
	v63 =	vadd.f32 v10, v62  }
0x23a: {  	s20 =	sadd.s32 $0x1, s20;
	[tilespmem:s25+$0x160] =	vst v3;
	v3 =	vadd.f32 v12, v11  }
0x23b: {  	p0 =	sne.s32 s20, s9;
	[tilespmem:s25+$0x170] =	vst v63  }
.Ltmp1:
0x23c: {  	[tilespmem:s23+$0x160] =	vst v3;
	(pc) =	sbr.rel @p0 .LBB2_1-.Ltmp1, $4  }
0x23d: {  	[hbm4b:s8+s2] =	stream.linear.scatter [tilespmem:s12], [sflag:$0x3], $0xC000, $0x38;
	[tilespmem:$0x18100] =	vst v63  }
0x23e: {  	_ =	swait.ge [sflag:s10], $0xC000  }
0x23f: {  	[sflag:s10] =	ssyncset.done $0x0  }
0x240: {  	[sflag:s10] =	ssyncadd.s32 $0xFFFF4000  }
0x241: {  	_ =	sfence.sel $0x180000  }
0x242: {  	[bflag:$0x0] =	sbarrier.arrive $0xFFFF  }
0x243: {  	_ =	strace $0x90000053  }
0x244: {  	s0 =	stileid.u32;
	[bflag:$0x2] =	sbarrier.arrive $0xFFFF  }
0x245: {  	p0 =	sne.s32 s0, $0x0;
	s0 =	rddreg [dreg:$0x2]  }
0x246: {  	s0 =	sadd.s32 @!p0 $0x100000, s0  }
0x247: {  	[sflag:s0] =	ssyncadd.tile.s32 @!p0 $0x1;
	_ =	shalt  }
.Lfunc_end2:
_tile_overlayer_lowered:
.L_overlay_start_2:
0x248: {  	(tag) =	ssettag $0x2  }
0x249: {  	s0 =	rddreg [dreg:$0x0];
	s2 =	stileid.u32  }
0x24a: {  	s1 =	rddreg [dreg:$0x1];
	p0 =	sne.s32 s2, $0x0  }
0x24b: {  	s3 =	rddreg [dreg:$0x2];
	[bflag:$0x3] =	sbarrier.arrive $0xFFFF;
	s2 =	simm.s32 @!p0 $0x1C03  }
0x24c: {  	[timem:s3], [sflag:s2] =	dma.local @!p0 [hbm:s0], s1  }
0x24d: {  	s0 =	simm.s32 @!p0 $0x3  }
0x24e: {  	_ =	swait.ge @!p0 [sflag:s0], s1  }
0x24f: {  	s1 =	ssub.s32 @!p0 $0x0, s1;
	[sflag:s0] =	ssyncset.done @!p0 $0x0  }
0x250: {  	[sflag:s0] =	ssyncadd.s32 @!p0 s1  }
0x251: {  	[bflag:$0x3] =	sbarrier.arrive $0xFFFF  }
0x252: {  	_ =	shalt  }

// kernel: scatter_offload_async_start
scs
__scs_entry_jumppad:
0x0: {  	(pc) =	sbr.rel $0x88, $3  }
0x1: {  	(tag) =	ssettag $0x0;
	lr =	simm.s32 $0x1  }
0x2: {  	[smem:$0x3F96] =	sst lr;
	_ =	strace $0xD0000000  }
0x3: {  	_ = 	snop  }
0x4: {  	_ = 	snop  }
0x5: {  	_ = 	snop  }
0x6: {  	_ = 	snop  }
0x7: {  	_ = 	snop  }
__scs_overlays_trampoline_lowered:
0x8: {  	[smem:$0x3FA5] =	sst s0  }
0x9: {  	[smem:$0x3FA6] =	sst s1  }
0xa: {  	[smem:$0x3FA7] =	sst s2  }
0xb: {  	[smem:$0x3FA8] =	sst s3  }
0xc: {  	[smem:$0x3FA9] =	sst s4  }
0xd: {  	[smem:$0x3FAA] =	sst s5  }
0xe: {  	[smem:$0x3FAB] =	sst s6  }
0xf: {  	[smem:$0x3FAC] =	sst s7  }
0x10: {  	[smem:$0x3FAD] =	sst s8  }
0x11: {  	[smem:$0x3FAE] =	sst s9;
	s0 =	simm.s32 @!p0 $0x0  }
0x12: {  	s1 =	sld [smem:$0x3F94];
	s0 =	simm.s32 @p0 $0x1  }
0x13: {  	[smem:$0x3FAF] =	sst s0;
	s0 =	simm.s32 @!p1 $0x0  }
0x14: {  	s2 =	sld [smem:$0x3F93];
	s0 =	simm.s32 @p1 $0x1  }
0x15: {  	[smem:$0x3FB0] =	sst s0;
	s0 =	simm.s32 @!p2 $0x0  }
0x16: {  	s3 =	sld [smem:$0x3FDB];
	s0 =	simm.s32 @p2 $0x1  }
0x17: {  	s4 =	simm.s32 $0x1BF5;
	[smem:$0x3FB2] =	sst s0  }
0x18: {  	s0 =	sld [smem:$0x3F95];
	_ =	swait.ge [sflag:s4], $0x0  }
0x19: {  	s7 =	sld [smem:$0x3F96]  }
0x1a: {  	s8 =	sadd.s32 $0xFFFFE003, lr  }
0x1b: {  	s9 =	sadd.s32 $0xFFFFFEF7, lr;
	s5 =	simm.s32 $0xFFFFFFFF;
	p2 =	slt.u32 s8, $0xFFFFF086  }
0x1c: {  	p1 =	slt.u32 s9, $0xF7A;
	s5 =	simm.s32 @!p2 $0x0  }
0x1d: {  	s5 =	simm.s32 @p1 $0x1;
	p0 =	seq.s32 s7, s2  }
0x1e: {  	s7 =	smul.u32 @!p0 $0xF7A, s2;
	p2 =	seq.s32 @!p0 s5, $0x0  }
0x1f: {  	s9 =	smul.u32 $0xF7A, s1;
	s8 =	simm.s32 @!p0 $0x1BF5;
	p2 =	por !p2, p0  }
0x20: {  	[sflag:s8] =	ssyncset.s32 @!p0 $0xFFFFF086;
	s6 =	sadd.s32 @!p0 s3, s7;
	s7 =	simm.s32 @!p0 $0x108  }
0x21: {  	s3 =	sadd.s32 s3, s9;
	s6 =	sadd.s32 @!p0 $0x88, s6;
	s7 =	simm.s32 @p2 $0x1082  }
0x22: {  	[simem:s7], [sflag:s8] =	dma.local @!p0 [hbm:s6], $0xF7A  }
0x23: {  	s9 =	sor.u32 $0xD0000000, s2;
	s6 =	simm.s32 $0x108;
	_ =	swait.ge @!p0 [sflag:s8], $0x0  }
0x24: {  	s3 =	sadd.s32 $0x88, s3;
	s6 =	simm.s32 @!p1 $0x1082;
	[sflag:s4] =	ssyncset.s32 $0xFFFFF086  }
0x25: {  	[simem:s6], [sflag:s4] =	dma.local [hbm:s3], $0xF7A  }
0x26: {  	[smem:$0x3F96] =	sst s1;
	(tag) =	ssettag s2;
	_ =	strace s9  }
0x27: {  	s1 =	sld [smem:$0x3FA6]  }
0x28: {  	s2 =	sld [smem:$0x3FA7]  }
0x29: {  	s4 =	sld [smem:$0x3FA9]  }
0x2a: {  	p0 =	seq.s32 s5, $0x0;
	s5 =	sld [smem:$0x3FAA]  }
0x2b: {  	s6 =	sld [smem:$0x3FAB]  }
0x2c: {  	s7 =	sld [smem:$0x3FAC]  }
0x2d: {  	s3 =	simm.s32 $0x108;
	s8 =	sld [smem:$0x3FAD]  }
0x2e: {  	s3 =	simm.s32 @!p0 $0x1082;
	s9 =	sld [smem:$0x3FAE]  }
0x2f: {  	lr =	sadd.s32 s0, s3;
	s0 =	sld [smem:$0x3FA5]  }
0x30: {  	s3 =	sld [smem:$0x3FA8]  }
0x31: {  	[smem:$0x3FB1] =	sst s10  }
0x32: {  	s10 =	sld [smem:$0x3FAF];
	_ =	sdelay $0x3  }
0x33: {  	p0 =	seq.s32 s10, $0x1;
	s10 =	sld [smem:$0x3FB1];
	_ =	sdelay $0x3  }
0x34: {  	[smem:$0x3FB1] =	sst s10  }
0x35: {  	s10 =	sld [smem:$0x3FB0];
	_ =	sdelay $0x3  }
0x36: {  	p1 =	seq.s32 s10, $0x1;
	s10 =	sld [smem:$0x3FB1];
	_ =	sdelay $0x3  }
0x37: {  	[smem:$0x3FB1] =	sst s10  }
0x38: {  	s10 =	sld [smem:$0x3FB2]  }
0x39: {  	_ = 	snop;
	(pc) =	sbr.ind lr, $3  }
0x3a: {  	_ = 	snop  }
0x3b: {  	_ = 	snop  }
0x3c: {  	p2 =	seq.s32 s10, $0x1;
	s10 =	sld [smem:$0x3FB1]  }
0x3d: {  	_ =	shalt  }
0x3e: {  	_ =	shalt  }
0x3f: {  	_ =	shalt  }
0x40: {  	_ =	shalt  }
0x41: {  	_ =	shalt  }
0x42: {  	_ =	shalt  }
0x43: {  	_ =	shalt  }
0x44: {  	_ =	shalt  }
0x45: {  	_ =	shalt  }
0x46: {  	_ =	shalt  }
0x47: {  	_ =	shalt  }
0x48: {  	_ =	shalt  }
0x49: {  	_ =	shalt  }
0x4a: {  	_ =	shalt  }
0x4b: {  	_ =	shalt  }
0x4c: {  	_ =	shalt  }
0x4d: {  	_ =	shalt  }
0x4e: {  	_ =	shalt  }
0x4f: {  	_ =	shalt  }
0x50: {  	_ =	shalt  }
0x51: {  	_ =	shalt  }
0x52: {  	_ =	shalt  }
0x53: {  	_ =	shalt  }
0x54: {  	_ =	shalt  }
0x55: {  	_ =	shalt  }
0x56: {  	_ =	shalt  }
0x57: {  	_ =	shalt  }
0x58: {  	_ =	shalt  }
0x59: {  	_ =	shalt  }
0x5a: {  	_ =	shalt  }
0x5b: {  	_ =	shalt  }
0x5c: {  	_ =	shalt  }
0x5d: {  	_ =	shalt  }
0x5e: {  	_ =	shalt  }
0x5f: {  	_ =	shalt  }
0x60: {  	_ =	shalt  }
0x61: {  	_ =	shalt  }
0x62: {  	_ =	shalt  }
0x63: {  	_ =	shalt  }
0x64: {  	_ =	shalt  }
0x65: {  	_ =	shalt  }
0x66: {  	_ =	shalt  }
0x67: {  	_ =	shalt  }
0x68: {  	_ =	shalt  }
0x69: {  	_ =	shalt  }
0x6a: {  	_ =	shalt  }
0x6b: {  	_ =	shalt  }
0x6c: {  	_ =	shalt  }
0x6d: {  	_ =	shalt  }
0x6e: {  	_ =	shalt  }
0x6f: {  	_ =	shalt  }
0x70: {  	_ =	shalt  }
0x71: {  	_ =	shalt  }
0x72: {  	_ =	shalt  }
0x73: {  	_ =	shalt  }
0x74: {  	_ =	shalt  }
0x75: {  	_ =	shalt  }
0x76: {  	_ =	shalt  }
0x77: {  	_ =	shalt  }
0x78: {  	_ =	shalt  }
0x79: {  	_ =	shalt  }
0x7a: {  	_ =	shalt  }
0x7b: {  	_ =	shalt  }
0x7c: {  	_ =	shalt  }
0x7d: {  	_ =	shalt  }
0x7e: {  	_ =	shalt  }
0x7f: {  	_ =	shalt  }
0x80: {  	_ =	shalt  }
0x81: {  	_ =	shalt  }
0x82: {  	_ =	shalt  }
0x83: {  	_ =	shalt  }
0x84: {  	_ =	shalt  }
0x85: {  	_ =	shalt  }
0x86: {  	_ =	shalt  }
0x87: {  	_ =	shalt  }
.Lfunc_end0:
.L_simem_size_0:
called_computation_lowered:
.L_overlay_start_0:
0x88: {  	s0 =	sld [smem:$0x3FD9]  }
0x89: {  	s1 =	sld [smem:$0x3FFE];
	_ =	sdelay $0x3  }
0x8a: {  	s0 =	sadd.s32 s1, s0  }
0x8b: {  	[smem:$0x3FBD] =	sst s0  }
0x8c: {  	_ = 	snop  }
0x8d: {  	s0 =	sld [smem:$0x3FD0];
	(tm) =	ssettm $0x1  }
0x8e: {  	s16 =	sld [smem:$0x3FFB];
	_ =	sdelay $0x3  }
0x8f: {  	_ =	strace s16  }
0x90: {  	s1 =	sld [smem:$0x3FFC];
	_ =	sdelay $0x3  }
0x91: {  	_ =	strace s1  }
0x92: {  	s1 =	sld [smem:$0x3FFD];
	_ =	sdelay $0x3  }
0x93: {  	_ =	strace s1  }
0x94: {  	_ =	strace $0x8FFFFFFF  }
0x95: {  	s17 =	sld [smem:$0x3FDB];
	_ =	sdelay $0x1  }
0x96: {  	s2 =	simm.s32 $_scs_section_size  }
0x97: {  	s3 =	simm.s32 $_size__tile_overlayer_lowered;
	s4 =	simm.s32 $_tile_overlayer_lowered  }
0x98: {  	s20 =	simm.s32 $0x1BFF;
	s19 =	sshll.u32 s4, $0x1;
	s1 =	sadd.s32 s2, s17  }
0x99: {  	s5 =	simm.s32 $0x0;
	s18 =	sshll.u32 s3, $0x1;
	s3 =	sadd.s32 s19, s1  }
0x9a: {  	[timem:s5], [sflag:s20] =	dma.local [hbm:s3], s18  }
0x9b: {  	_ =	swait.ge [sflag:s20], s18  }
0x9c: {  	s2 =	ssub.s32 $0x0, s18;
	[sflag:s20] =	ssyncset.done $0x0  }
0x9d: {  	[sflag:s20] =	ssyncadd.s32 s2;
	_ =	sdelay $0x1  }
0x9e: {  	s21 =	simm.s32 $0x1B8B  }
0x9f: {  	_ =	swait.ge [sflag:s21], $0x1  }
0xa0: {  	[sflag:s21] =	ssyncset.done $0x0  }
0xa1: {  	s23 =	simm.s32 $0x1B8E;
	s22 =	sld [smem:$0x3FFE];
	[sflag:s21] =	ssyncadd.s32 $0xFFFFFFFF  }
0xa2: {  	s24 =	simm.s32 $execute0_lowered;
	[smem:$0x3FD2] =	sst s23  }
0xa3: {  	s3 =	sshll.u32 s24, $0x1;
	_ =	strace $0x80000046;
	[dreg:$0x1] =	wrdreg $0xFFFFFFFF  }
0xa4: {  	s25 =	simm.s32 $_size_execute0_lowered;
	s1 =	sadd.s32 s1, s3;
	[dreg:$0x0] =	wrdreg $0x0  }
0xa5: {  	s3 =	sshll.u32 s25, $0x1;
	[dreg:$0x2] =	wrdreg s1  }
0xa6: {  	[dreg:$0x3] =	wrdreg s3  }
0xa7: {  	[dreg:$0x4] =	wrdreg $0xC0  }
0xa8: {  	_ =	task [dreg:s5], $0x5FFFF  }
0xa9: {  	[dreg:$0x1] =	wrdreg $0xFFFFFFFF  }
0xaa: {  	[dreg:$0x0] =	wrdreg $0x60  }
0xab: {  	[dreg:$0x2] =	wrdreg s22  }
0xac: {  	[dreg:$0x3] =	wrdreg s0  }
0xad: {  	[dreg:$0x4] =	wrdreg $0x9  }
0xae: {  	_ =	task.clear_ibuf [dreg:s5], $0x5FFFF;
	_ =	strace $0x90000046  }
0xaf: {  	s26 =	simm.s32 $0x9;
	_ =	strace $0x80000048  }
0xb0: {  	_ =	swait.ge [sflag:s26], $0x1  }
0xb1: {  	[sflag:s26] =	ssyncadd.s32 $0xFFFFFFFF  }
0xb2: {  	_ =	strace $0x90000048  }
0xb3: {  	_ =	sfence  }
0xb4: {  	s28 =	sld [smem:$0x0];
	_ =	sdelay $0x1  }
0xb5: {  	s29 =	srdreg.scid  }
0xb6: {  	s30 =	sshll.u32 s29, $0xD;
	s31 =	sshrl.u32 s29, $0x2  }
0xb7: {  	s2 =	sand.u32 $0x4000, s30;
	s1 =	sand.u32 $0x1, s29;
	s0 =	sadd.s32 s31, s28  }
0xb8: {  	s1 =	sor.u32 s2, s1;
	s0 =	sshll.u32 s0, $0x11  }
0xb9: {  	s0 =	sor.u32 s0, s1  }
0xba: {  	s0 =	sadd.s32 $0x8F2B, s0  }
0xbb: {  	[sflag:s0] =	ssyncadd.remote.s32 $0x1  }
0xbc: {  	_ =	sfence.sel $0xFFFF  }
0xbd: {  	[dreg:$0x0] =	wrdreg $0xFFFFFFFF;
	(pc) =	sbr.abs _section_cstart, $3  }
0xbe: {  	[dreg:$0x1] =	wrdreg $0xFFFFFFFF  }
0xbf: {  	_ =	task.clear_ibuf [dreg:s5], $0x2FFFF;
	_ =	strace $0x9FFFFFFF  }
0xc0: {  	(tm) =	ssettm $0x7FFFFFFF  }
0xc1: {  	_ =	shalt  }
tec
execute0_lowered:
.L_overlay_start_1:
0x0: {  	(tag) =	ssettag $0x1  }
0x1: {  	s5 =	rddreg [dreg:$0x0]  }
0x2: {  	s6 =	rddreg [dreg:$0x1]  }
0x3: {  	s0 =	rddreg [dreg:$0x2];
	_ =	strace $0x80000047;
	s7 =	stileid.u32  }
0x4: {  	s3 =	simm.s32 $0x3E;
	s1 =	sadd.s32 $0x400, s5;
	p0 =	sne.s32 s7, $0x0  }
0x5: {  	[sflag:s3] =	ssyncpa.u1 $0x0;
	s4 =	simm.s32 @!p0 $0x1C3E;
	s2 =	simm.s32 @!p0 $0x0  }
0x6: {  	[spmem:s2], [sflag:s4] =	dma.local @!p0 [hbm:s1], $0x10  }
0x7: {  	s4 =	simm.s32 @!p0 $0x3E  }
0x8: {  	_ =	swait.ge @!p0 [sflag:s4], $0x10  }
0x9: {  	[sflag:s4] =	ssyncset.done @!p0 $0x0  }
0xa: {  	[sflag:s4] =	ssyncadd.s32 @!p0 $0xFFFFFFF0  }
0xb: {  	s9 =	simm.s32 $0x108;
	s8 =	sadd.s32 $0x600, s5;
	[bflag:$0x0] =	sbarrier.arrive $0xFFFF  }
0xc: {  	s7 =	sshll.u32 s7, $0x5;
	[sflag:s3] =	ssyncpa.u1 $0x1;
	s3 =	simm.s32 $0x1  }
0xd: {  	s5 =	simm.s32 $0x0;
	s4 =	simm.s32 $0x2;
	[sflag:s3] =	ssyncpa.u1 $0x0  }
0xe: {  	s6 =	sadd.s32 s6, s7;
	(ifvalue) =	ssetifvalue $0x80;
	[sflag:s4] =	ssyncpa.u1 $0x0  }
0xf: {  	[tilespmem:s9], [sflag:$0x2] =	stream.linear.gather [hbm4b:s6+s5], $0x100, $0x38;
	[tilespmem:$0x408] =	vst v63  }
0x10: {  	s23 =	simm.s32 $0x308;
	s22 =	sadd.s32 s8, s7  }
0x11: {  	[tilespmem:s23], [sflag:$0x2] =	stream.linear.gather [hbm4b:s22+s5], $0x100, $0x38;
	[tilespmem:$0x408] =	vst v63  }
0x12: {  	_ =	swait.ge [sflag:s4], $0x200  }
0x13: {  	[sflag:s4] =	ssyncset.done $0x0  }
0x14: {  	[sflag:s4] =	ssyncadd.s32 $0xFFFFFE00  }
0x15: {  	v0 =	vld.msk [tilespmem:s9+$0x0 ss:$0x1], $0xffff;
	_ =	sdelay $0x4  }
0x16: {  	v0 =	vmin.u32 v0, $0x80;
	_ =	sdelay $0x3  }
0x17: {  	vm0 =	vmmov $0xffff;
	s24 =	simm.s32 $0x118  }
0x18: {  	[spmem:s5] =	stream.indirect_vreg.scatter.add.s32 [tilespmem:s23], [sflag:$0x1], $0x1, v0, vm0, $0x4038;
	[tilespmem:$0x408] =	vst v63  }
0x19: {  	v0 =	vld.msk [tilespmem:s24+$0x0 ss:$0x1], $0xffff;
	_ =	sdelay $0x4  }
0x1a: {  	v0 =	vmin.u32 v0, $0x80;
	_ =	sdelay $0x3  }
0x1b: {  	s25 =	simm.s32 $0x318;
	s26 =	simm.s32 $0x128  }
0x1c: {  	[spmem:s5] =	stream.indirect_vreg.scatter.add.s32 [tilespmem:s25], [sflag:$0x1], $0x1, v0, vm0, $0x4038;
	[tilespmem:$0x408] =	vst v63  }
0x1d: {  	v0 =	vld.msk [tilespmem:s26+$0x0 ss:$0x1], $0xffff;
	_ =	sdelay $0x4  }
0x1e: {  	v0 =	vmin.u32 v0, $0x80;
	_ =	sdelay $0x3  }
0x1f: {  	s28 =	simm.s32 $0x328;
	s29 =	simm.s32 $0x138  }
0x20: {  	[spmem:s5] =	stream.indirect_vreg.scatter.add.s32 [tilespmem:s28], [sflag:$0x1], $0x1, v0, vm0, $0x4038;
	[tilespmem:$0x408] =	vst v63  }
0x21: {  	v0 =	vld.msk [tilespmem:s29+$0x0 ss:$0x1], $0xffff;
	_ =	sdelay $0x4  }
0x22: {  	v0 =	vmin.u32 v0, $0x80;
	_ =	sdelay $0x3  }
0x23: {  	s30 =	simm.s32 $0x338;
	s31 =	simm.s32 $0x148  }
0x24: {  	[spmem:s5] =	stream.indirect_vreg.scatter.add.s32 [tilespmem:s30], [sflag:$0x1], $0x1, v0, vm0, $0x4038;
	[tilespmem:$0x408] =	vst v63  }
0x25: {  	v0 =	vld.msk [tilespmem:s31+$0x0 ss:$0x1], $0xffff;
	_ =	sdelay $0x4  }
0x26: {  	v0 =	vmin.u32 v0, $0x80;
	_ =	sdelay $0x3  }
0x27: {  	s7 =	simm.s32 $0x348;
	s8 =	simm.s32 $0x158  }
0x28: {  	[spmem:s5] =	stream.indirect_vreg.scatter.add.s32 [tilespmem:s7], [sflag:$0x1], $0x1, v0, vm0, $0x4038;
	[tilespmem:$0x408] =	vst v63  }
0x29: {  	v0 =	vld.msk [tilespmem:s8+$0x0 ss:$0x1], $0xffff;
	_ =	sdelay $0x4  }
0x2a: {  	v0 =	vmin.u32 v0, $0x80;
	_ =	sdelay $0x3  }
0x2b: {  	s10 =	simm.s32 $0x168;
	s9 =	simm.s32 $0x358  }
0x2c: {  	[spmem:s5] =	stream.indirect_vreg.scatter.add.s32 [tilespmem:s9], [sflag:$0x1], $0x1, v0, vm0, $0x4038;
	[tilespmem:$0x408] =	vst v63  }
0x2d: {  	v0 =	vld.msk [tilespmem:s10+$0x0 ss:$0x1], $0xffff;
	_ =	sdelay $0x4  }
0x2e: {  	v0 =	vmin.u32 v0, $0x80;
	_ =	sdelay $0x3  }
0x2f: {  	s11 =	simm.s32 $0x368;
	s12 =	simm.s32 $0x178  }
0x30: {  	[spmem:s5] =	stream.indirect_vreg.scatter.add.s32 [tilespmem:s11], [sflag:$0x1], $0x1, v0, vm0, $0x4038;
	[tilespmem:$0x408] =	vst v63  }
0x31: {  	v0 =	vld.msk [tilespmem:s12+$0x0 ss:$0x1], $0xffff;
	_ =	sdelay $0x4  }
0x32: {  	v0 =	vmin.u32 v0, $0x80;
	_ =	sdelay $0x3  }
0x33: {  	s13 =	simm.s32 $0x378;
	s14 =	simm.s32 $0x188  }
0x34: {  	[spmem:s5] =	stream.indirect_vreg.scatter.add.s32 [tilespmem:s13], [sflag:$0x1], $0x1, v0, vm0, $0x4038;
	[tilespmem:$0x408] =	vst v63  }
0x35: {  	v0 =	vld.msk [tilespmem:s14+$0x0 ss:$0x1], $0xffff;
	_ =	sdelay $0x4  }
0x36: {  	v0 =	vmin.u32 v0, $0x80;
	_ =	sdelay $0x3  }
0x37: {  	s15 =	simm.s32 $0x388;
	s16 =	simm.s32 $0x198  }
0x38: {  	[spmem:s5] =	stream.indirect_vreg.scatter.add.s32 [tilespmem:s15], [sflag:$0x1], $0x1, v0, vm0, $0x4038;
	[tilespmem:$0x408] =	vst v63  }
0x39: {  	v0 =	vld.msk [tilespmem:s16+$0x0 ss:$0x1], $0xffff;
	_ =	sdelay $0x4  }
0x3a: {  	v0 =	vmin.u32 v0, $0x80;
	_ =	sdelay $0x3  }
0x3b: {  	s17 =	simm.s32 $0x398;
	s18 =	simm.s32 $0x1A8  }
0x3c: {  	[spmem:s5] =	stream.indirect_vreg.scatter.add.s32 [tilespmem:s17], [sflag:$0x1], $0x1, v0, vm0, $0x4038;
	[tilespmem:$0x408] =	vst v63  }
0x3d: {  	v0 =	vld.msk [tilespmem:s18+$0x0 ss:$0x1], $0xffff;
	_ =	sdelay $0x4  }
0x3e: {  	v0 =	vmin.u32 v0, $0x80;
	_ =	sdelay $0x3  }
0x3f: {  	s19 =	simm.s32 $0x3A8;
	s20 =	simm.s32 $0x1B8  }
0x40: {  	[spmem:s5] =	stream.indirect_vreg.scatter.add.s32 [tilespmem:s19], [sflag:$0x1], $0x1, v0, vm0, $0x4038;
	[tilespmem:$0x408] =	vst v63  }
0x41: {  	v0 =	vld.msk [tilespmem:s20+$0x0 ss:$0x1], $0xffff;
	_ =	sdelay $0x4  }
0x42: {  	v0 =	vmin.u32 v0, $0x80;
	_ =	sdelay $0x3  }
0x43: {  	s21 =	simm.s32 $0x3B8;
	s22 =	simm.s32 $0x1C8  }
0x44: {  	[spmem:s5] =	stream.indirect_vreg.scatter.add.s32 [tilespmem:s21], [sflag:$0x1], $0x1, v0, vm0, $0x4038;
	[tilespmem:$0x408] =	vst v63  }
0x45: {  	v0 =	vld.msk [tilespmem:s22+$0x0 ss:$0x1], $0xffff;
	_ =	sdelay $0x4  }
0x46: {  	v0 =	vmin.u32 v0, $0x80;
	_ =	sdelay $0x3  }
0x47: {  	s23 =	simm.s32 $0x3C8;
	s24 =	simm.s32 $0x1D8  }
0x48: {  	[spmem:s5] =	stream.indirect_vreg.scatter.add.s32 [tilespmem:s23], [sflag:$0x1], $0x1, v0, vm0, $0x4038;
	[tilespmem:$0x408] =	vst v63  }
0x49: {  	v0 =	vld.msk [tilespmem:s24+$0x0 ss:$0x1], $0xffff;
	_ =	sdelay $0x4  }
0x4a: {  	v0 =	vmin.u32 v0, $0x80;
	_ =	sdelay $0x3  }
0x4b: {  	s25 =	simm.s32 $0x3D8;
	s26 =	simm.s32 $0x1E8  }
0x4c: {  	[spmem:s5] =	stream.indirect_vreg.scatter.add.s32 [tilespmem:s25], [sflag:$0x1], $0x1, v0, vm0, $0x4038;
	[tilespmem:$0x408] =	vst v63  }
0x4d: {  	v0 =	vld.msk [tilespmem:s26+$0x0 ss:$0x1], $0xffff;
	_ =	sdelay $0x4  }
0x4e: {  	v0 =	vmin.u32 v0, $0x80;
	_ =	sdelay $0x3  }
0x4f: {  	s28 =	simm.s32 $0x3E8;
	s29 =	simm.s32 $0x1F8  }
0x50: {  	[spmem:s5] =	stream.indirect_vreg.scatter.add.s32 [tilespmem:s28], [sflag:$0x1], $0x1, v0, vm0, $0x4038;
	[tilespmem:$0x408] =	vst v63  }
0x51: {  	v0 =	vld.msk [tilespmem:s29+$0x0 ss:$0x1], $0xffff;
	_ =	sdelay $0x4  }
0x52: {  	v0 =	vmin.u32 v0, $0x80;
	_ =	sdelay $0x3  }
0x53: {  	s30 =	simm.s32 $0x3F8  }
0x54: {  	[spmem:s5] =	stream.indirect_vreg.scatter.add.s32 [tilespmem:s30], [sflag:$0x1], $0x1, v0, vm0, $0x4038;
	[tilespmem:$0x408] =	vst v63  }
0x55: {  	_ =	swait.ge [sflag:s3], $0x100  }
0x56: {  	[sflag:s3] =	ssyncset.done $0x0  }
0x57: {  	[sflag:s3] =	ssyncadd.s32 $0xFFFFFF00  }
0x58: {  	_ =	sfence.sel $0x180000  }
0x59: {  	[bflag:$0x0] =	sbarrier.arrive $0xFFFF  }
0x5a: {  	[sflag:s4] =	ssyncpa.u1 $0x1  }
0x5b: {  	[sflag:s3] =	ssyncpa.u1 $0x1  }
0x5c: {  	_ =	sfence.stream.spmem  }
0x5d: {  	s31 =	simm.s32 $0x3D;
	[bflag:$0x0] =	sbarrier.arrive $0xFFFF  }
0x5e: {  	s3 =	simm.s32 @p0 $0x3D;
	[sflag:s31] =	ssyncpa.u1 $0x0  }
0x5f: {  	[sflag:s3] =	ssyncpa.u1 @p0 $0x1  }
0x60: {  	[bflag:$0x0] =	sbarrier.arrive @p0 $0xFFFF  }
0x61: {  	_ =	strace @p0 $0x90000047  }
0x62: {  	s3 =	simm.s32 @!p0 $0x1C3D;
	[bflag:$0x2] =	sbarrier.arrive @p0 $0xFFFF  }
0x63: {  	[hbm:s1], [sflag:s3] =	dma.local @!p0 [spmem:s2], $0x10  }
0x64: {  	s1 =	simm.s32 @!p0 $0x3D  }
0x65: {  	_ =	swait.ge @!p0 [sflag:s1], $0x10  }
0x66: {  	[sflag:s1] =	ssyncset.done @!p0 $0x0  }
0x67: {  	[sflag:s1] =	ssyncadd.s32 @!p0 $0xFFFFFFF0  }
0x68: {  	[sflag:s1] =	ssyncpa.u1 @!p0 $0x1  }
0x69: {  	[bflag:$0x0] =	sbarrier.arrive @!p0 $0xFFFF  }
0x6a: {  	_ =	strace @!p0 $0x90000047  }
0x6b: {  	s0 =	sadd.s32 @!p0 $0x100000, s0;
	[bflag:$0x2] =	sbarrier.arrive @!p0 $0xFFFF  }
0x6c: {  	[sflag:s0] =	ssyncadd.tile.s32 @!p0 $0x1;
	_ =	shalt  }
.Lfunc_end2:
_tile_overlayer_lowered:
.L_overlay_start_2:
0x6d: {  	(tag) =	ssettag $0x2  }
0x6e: {  	s0 =	rddreg [dreg:$0x0];
	s2 =	stileid.u32  }
0x6f: {  	s1 =	rddreg [dreg:$0x1];
	p0 =	sne.s32 s2, $0x0  }
0x70: {  	s3 =	rddreg [dreg:$0x2];
	[bflag:$0x3] =	sbarrier.arrive $0xFFFF;
	s2 =	simm.s32 @!p0 $0x1C01  }
0x71: {  	[timem:s3], [sflag:s2] =	dma.local @!p0 [hbm:s0], s1  }
0x72: {  	s0 =	simm.s32 @!p0 $0x1  }
0x73: {  	_ =	swait.ge @!p0 [sflag:s0], s1  }
0x74: {  	s1 =	ssub.s32 @!p0 $0x0, s1;
	[sflag:s0] =	ssyncset.done @!p0 $0x0  }
0x75: {  	[sflag:s0] =	ssyncadd.s32 @!p0 s1  }
0x76: {  	[bflag:$0x3] =	sbarrier.arrive $0xFFFF  }
0x77: {  	_ =	shalt  }

</sc_bundles>
